<compile_context>
chip_gen: v7x
topology: tpu7x:2x2x1
jax: 0.10.2.dev20260603
libtpu: 0.0.44.dev20260713+nightly
codegen_flags: <defaults>
</compile_context>

<pallas_src>
import functools

import jax
import jax.numpy as jnp
from jax import lax
from jax.experimental import pallas as pl
from jax.experimental.pallas import tpu as pltpu
from jax.experimental.pallas import tpu_sc as plsc

_NC = 2
_NS = 16
_CHUNK = 448
_G = 64
_NP = 51200
_PR = _NP // 4


def _mesh():
    return plsc.VectorSubcoreMesh(
        core_axis_name="c", subcore_axis_name="s", num_cores=_NC,
        num_subcores=_NS)


def _fill_zeros_1d(ref, n):
    def body(i, _):
        ref[pl.ds(i * 16, 16)] = jnp.zeros((16,), jnp.float32)
        return 0
    lax.fori_loop(0, n // 16, body, 0)


def _fill_zeros_2d(ref, rows, w):
    def body(i, _):
        for k in range(w // 16):
            ref[i, pl.ds(k * 16, 16)] = jnp.zeros((16,), jnp.float32)
        return 0
    lax.fori_loop(0, rows, body, 0)


def _sc_degree(dst_pad, n_pad):
    e_pad = dst_pad.shape[0]
    per_tile = e_pad // (_NC * _NS)
    n_chunks = per_tile // _CHUNK
    stripe = n_pad // _NS
    zrows = 800
    assert stripe % zrows == 0 and per_tile % _CHUNK == 0

    @functools.partial(
        pl.kernel,
        out_type=jax.ShapeDtypeStruct((_NC, n_pad), jnp.float32),
        mesh=_mesh(),
        scratch_types=[
            pltpu.VMEM((2, _CHUNK), jnp.int32),
            pltpu.VMEM((_CHUNK,), jnp.float32),
            pltpu.VMEM((zrows,), jnp.float32),
            pltpu.VMEM_SHARED((n_pad,), jnp.float32),
            pltpu.SemaphoreType.DMA,
            pltpu.SemaphoreType.DMA,
        ],
        compiler_params=pltpu.CompilerParams(use_tc_tiling_on_sc=False),
    )
    def k(dst_hbm, out_hbm, idx_v, ones_v, zbuf_v, acc_sh, si0, si1):
        c = lax.axis_index("c")
        s = lax.axis_index("s")
        sem_i = [si0, si1]
        for i in range(_CHUNK // 16):
            ones_v[pl.ds(i * 16, 16)] = jnp.ones((16,), jnp.float32)
        _fill_zeros_1d(zbuf_v, zrows)
        row0 = s * stripe

        def zloop(j, _):
            pltpu.sync_copy(zbuf_v, acc_sh.at[pl.ds(row0 + j * zrows, zrows)])
            return 0
        lax.fori_loop(0, stripe // zrows, zloop, 0)
        plsc.subcore_barrier()

        base = (c * _NS + s) * per_tile
        npairs = n_chunks // 2
        assert n_chunks % 2 == 0

        def issue_idx(cc, b):
            pltpu.async_copy(dst_hbm.at[pl.ds(base + cc * _CHUNK, _CHUNK)],
                             idx_v.at[b], sem_i[b])

        def wait_idx(cc, b):
            pltpu.make_async_copy(
                dst_hbm.at[pl.ds(base + cc * _CHUNK, _CHUNK)],
                idx_v.at[b], sem_i[b]).wait()

        issue_idx(0, 0)
        issue_idx(1, 1)

        def body(g, _):
            for half in range(2):
                cc = 2 * g + half
                b = half
                wait_idx(cc, b)
                pltpu.sync_copy(ones_v, acc_sh.at[idx_v.at[b]], add=True)

                @pl.when(g < npairs - 1)
                def _():
                    issue_idx(cc + 2, b)
            return 0
        lax.fori_loop(0, npairs, body, 0)
        plsc.subcore_barrier()
        pltpu.sync_copy(acc_sh.at[pl.ds(row0, stripe)],
                        out_hbm.at[c, pl.ds(row0, stripe)])

    return k(dst_pad)


def _sc_aggregate(src_pad, dst_pad, table, chunk, fsplit):
    e_pad = src_pad.shape[0]
    if fsplit:
        _, n_pad, w = table.shape
        per_tile = e_pad // _NS
    else:
        n_pad, w = table.shape
        per_tile = e_pad // (_NC * _NS)
    n_chunks = per_tile // chunk
    npairs = n_chunks // 2
    stripe = n_pad // _NS
    zrows = 200
    assert stripe % zrows == 0 and per_tile % chunk == 0 and n_chunks % 2 == 0

    @functools.partial(
        pl.kernel,
        out_type=jax.ShapeDtypeStruct((_NC, n_pad, w), jnp.float32),
        mesh=_mesh(),
        scratch_types=[
            pltpu.VMEM((2, chunk), jnp.int32),
            pltpu.VMEM((2, chunk), jnp.int32),
            pltpu.VMEM((2, chunk, w), jnp.float32),
            pltpu.VMEM((zrows, w), jnp.float32),
            pltpu.VMEM_SHARED((n_pad, w), jnp.float32),
            pltpu.SemaphoreType.DMA,
            pltpu.SemaphoreType.DMA,
            pltpu.SemaphoreType.DMA,
            pltpu.SemaphoreType.DMA,
        ],
        compiler_params=pltpu.CompilerParams(use_tc_tiling_on_sc=False),
    )
    def k(src_hbm, dst_hbm, tab_hbm, out_hbm,
          sidx_v, didx_v, rows_v, zbuf_v, acc_sh, sg0, sg1, si0, si1):
        c = lax.axis_index("c")
        s = lax.axis_index("s")
        sem_g = [sg0, sg1]
        sem_i = [si0, si1]
        tab = tab_hbm.at[c] if fsplit else tab_hbm
        _fill_zeros_2d(zbuf_v, zrows, w)
        row0 = s * stripe

        def zloop(j, _):
            pltpu.sync_copy(zbuf_v, acc_sh.at[pl.ds(row0 + j * zrows, zrows)])
            return 0
        lax.fori_loop(0, stripe // zrows, zloop, 0)
        plsc.subcore_barrier()

        base = (s if fsplit else c * _NS + s) * per_tile

        def issue_idx(cc, b):
            off = base + cc * chunk
            pltpu.async_copy(src_hbm.at[pl.ds(off, chunk)], sidx_v.at[b],
                             sem_i[b])
            pltpu.async_copy(dst_hbm.at[pl.ds(off, chunk)], didx_v.at[b],
                             sem_i[b])

        def wait_idx(cc, b):
            off = base + cc * chunk
            pltpu.make_async_copy(src_hbm.at[pl.ds(off, chunk)],
                                  sidx_v.at[b], sem_i[b]).wait()
            pltpu.make_async_copy(dst_hbm.at[pl.ds(off, chunk)],
                                  didx_v.at[b], sem_i[b]).wait()

        def issue_gather(b):
            pltpu.async_copy(tab.at[sidx_v.at[b]], rows_v.at[b], sem_g[b])

        def wait_gather(b):
            pltpu.make_async_copy(tab.at[sidx_v.at[b]], rows_v.at[b],
                                  sem_g[b]).wait()

        issue_idx(0, 0)
        issue_idx(1, 1)
        wait_idx(0, 0)
        issue_gather(0)

        def body(g, _):
            for half in range(2):
                cc = 2 * g + half
                b = half
                nb = 1 - half
                wait_gather(b)
                if half == 0:
                    wait_idx(cc + 1, nb)
                    issue_gather(nb)
                else:
                    @pl.when(g < npairs - 1)
                    def _():
                        wait_idx(cc + 1, nb)
                        issue_gather(nb)
                pltpu.sync_copy(rows_v.at[b], acc_sh.at[didx_v.at[b]],
                                add=True)

                @pl.when(g < npairs - 1)
                def _():
                    issue_idx(cc + 2, b)
            return 0
        lax.fori_loop(0, npairs, body, 0)
        plsc.subcore_barrier()
        pltpu.sync_copy(acc_sh.at[pl.ds(row0, stripe)],
                        out_hbm.at[c, pl.ds(row0, stripe)])

    return k(src_pad, dst_pad, table)


def _tc_dinv(degp_pk):
    m = degp_pk.shape[0] // 2

    def body(d0_ref, d1_ref, o_ref):
        o_ref[...] = lax.rsqrt(d0_ref[...] + d1_ref[...] + 1.0)

    return pl.pallas_call(
        body,
        grid=(1,),
        in_specs=[
            pl.BlockSpec((m, 128), lambda i: (0, 0)),
            pl.BlockSpec((m, 128), lambda i: (1, 0)),
        ],
        out_specs=pl.BlockSpec((m, 128), lambda i: (0, 0)),
        out_shape=jax.ShapeDtypeStruct((m, 128), jnp.float32),
    )(degp_pk, degp_pk)


def _tc_stage_a(x4n, dinvrep, W1p):
    br = 512

    def body(x_ref, dv_ref, w_ref, o_ref):
        xx = jnp.concatenate([x_ref[j] for j in range(4)], axis=0)
        h = jnp.dot(xx, w_ref[...], preferred_element_type=jnp.float32)
        o_ref[...] = jnp.concatenate(
            [h[j * br:(j + 1) * br] for j in range(4)],
            axis=1) * dv_ref[...]

    return pl.pallas_call(
        body,
        grid=(_PR // br,),
        in_specs=[
            pl.BlockSpec((4, br, 8), lambda i: (0, i, 0)),
            pl.BlockSpec((br, 128), lambda i: (i, 0)),
            pl.BlockSpec((8, 32), lambda i: (0, 0)),
        ],
        out_specs=pl.BlockSpec((br, 128), lambda i: (i, 0)),
        out_shape=jax.ShapeDtypeStruct((_PR, 128), jnp.float32),
    )(x4n, dinvrep, W1p)


def _tc_stage_b(agg1_pk, u1_pk, dinvrep, b1, W2):
    br = 512

    def body(a_ref, u_ref, dv_ref, b_ref, w_ref, o_ref):
        dv = dv_ref[...]
        b1p = jnp.concatenate([b_ref[...]] * 4, axis=1)
        h1p = jnp.maximum((a_ref[0] + a_ref[1] + u_ref[...]) * dv + b1p, 0.0)
        w2x = jnp.concatenate([
            jnp.concatenate([
                w_ref[...] if i == j else jnp.zeros((32, 64), jnp.float32)
                for j in range(4)], axis=1)
            for i in range(4)], axis=0)
        h2m = jnp.dot(h1p, w2x, preferred_element_type=jnp.float32)
        p0 = jnp.concatenate(
            [h2m[:, 64 * j:64 * j + 32] for j in range(4)], axis=1) * dv
        p1 = jnp.concatenate(
            [h2m[:, 64 * j + 32:64 * j + 64] for j in range(4)], axis=1) * dv
        o_ref[0] = p0
        o_ref[1] = p1

    return pl.pallas_call(
        body,
        grid=(_PR // br,),
        in_specs=[
            pl.BlockSpec((2, br, 128), lambda i: (0, i, 0)),
            pl.BlockSpec((br, 128), lambda i: (i, 0)),
            pl.BlockSpec((br, 128), lambda i: (i, 0)),
            pl.BlockSpec((1, 32), lambda i: (0, 0)),
            pl.BlockSpec((32, 64), lambda i: (0, 0)),
        ],
        out_specs=pl.BlockSpec((2, br, 128), lambda i: (0, i, 0)),
        out_shape=jax.ShapeDtypeStruct((2, _PR, 128), jnp.float32),
    )(agg1_pk, u1_pk, dinvrep, b1.reshape(1, -1), W2)


def _tc_stage_c(agg2_pk, u2_pk, dinvrep, batchrep, b2):
    br = 512

    def body(a_ref, u_ref, dv_ref, br_ref, b_ref, o_ref):
        dv = dv_ref[...]
        b2p0 = jnp.concatenate([b_ref[:, 0:32]] * 4, axis=1)
        b2p1 = jnp.concatenate([b_ref[:, 32:64]] * 4, axis=1)
        h0 = jnp.maximum((a_ref[0] + u_ref[0]) * dv + b2p0, 0.0)
        h1 = jnp.maximum((a_ref[1] + u_ref[1]) * dv + b2p1, 0.0)
        gids = lax.broadcasted_iota(jnp.int32, (br, _G), 1)
        ones = jnp.ones((br, 8), jnp.float32)
        contrib = jnp.zeros((_G, 72), jnp.float32)
        for j in range(4):
            hj = jnp.concatenate(
                [h0[:, 32 * j:32 * j + 32], h1[:, 32 * j:32 * j + 32], ones],
                axis=1)
            bcol = br_ref[:, 32 * j:32 * j + 1]
            ohj = (bcol == gids).astype(jnp.float32)
            contrib = contrib + lax.dot_general(
                ohj, hj, (((0,), (0,)), ((), ())),
                preferred_element_type=jnp.float32,
                precision=lax.Precision.HIGHEST)

        @pl.when(pl.program_id(0) == 0)
        def _():
            o_ref[...] = jnp.zeros((_G, 72), jnp.float32)
        o_ref[...] += contrib

    return pl.pallas_call(
        body,
        grid=(_PR // br,),
        in_specs=[
            pl.BlockSpec((2, br, 128), lambda i: (0, i, 0)),
            pl.BlockSpec((2, br, 128), lambda i: (0, i, 0)),
            pl.BlockSpec((br, 128), lambda i: (i, 0)),
            pl.BlockSpec((br, 128), lambda i: (i, 0)),
            pl.BlockSpec((1, 64), lambda i: (0, 0)),
        ],
        out_specs=pl.BlockSpec((_G, 72), lambda i: (0, 0)),
        out_shape=jax.ShapeDtypeStruct((_G, 72), jnp.float32),
    )(agg2_pk, u2_pk, dinvrep, batchrep, b2.reshape(1, -1))


def _tc_head(sums_cnt, Wl1, bl1, Wl2, bl2):
    def body(sc_ref, w1_ref, b1_ref, w2_ref, b2_ref, o_ref):
        sums = sc_ref[:, 0:64]
        cnt = sc_ref[:, 64:65]
        pooled = sums / jnp.maximum(cnt, 1.0)
        h = jnp.maximum(
            jnp.dot(pooled, w1_ref[...], preferred_element_type=jnp.float32)
            + b1_ref[...], 0.0)
        o_ref[...] = (
            jnp.dot(h, w2_ref[...], preferred_element_type=jnp.float32)
            + b2_ref[...])

    return pl.pallas_call(
        body,
        out_shape=jax.ShapeDtypeStruct((_G, 2), jnp.float32),
    )(sums_cnt, Wl1, bl1.reshape(1, -1), Wl2, bl2.reshape(1, -1))


def kernel(x, edge_index, batch, W1, b1, W2, b2, Wl1, bl1, Wl2, bl2):
    n, f_in = x.shape
    e = edge_index.shape[1]
    n_pad = _NP
    unit = _NC * _NS * _CHUNK
    e_pad = ((e + unit - 1) // unit) * unit
    pad_node = n_pad - 1

    src = jnp.concatenate(
        [edge_index[0], jnp.full((e_pad - e,), pad_node, jnp.int32)])
    dst = jnp.concatenate(
        [edge_index[1], jnp.full((e_pad - e,), pad_node, jnp.int32)])
    x4n = jnp.stack([
        jnp.pad(x[j::4], ((0, _PR - (n - j + 3) // 4), (0, 8 - f_in)))
        for j in range(4)])
    batch_pad = jnp.pad(batch, (0, n_pad - n), constant_values=_G)
    batchrep = jnp.repeat(batch_pad, 32).reshape(_PR, 128)
    W1p = jnp.pad(W1, ((0, 8 - f_in), (0, 0)))

    degp = _sc_degree(dst, n_pad)
    dvp = _tc_dinv(degp.reshape(2 * n_pad // 128, 128))
    dinvrep = jnp.repeat(dvp.reshape(n_pad), 32).reshape(_PR, 128)
    u1_pk = _tc_stage_a(x4n, dinvrep, W1p)
    agg1 = _sc_aggregate(src, dst, u1_pk.reshape(n_pad, 32), 256, False)
    u2_pk = _tc_stage_b(agg1.reshape(2, _PR, 128), u1_pk, dinvrep, b1, W2)
    agg2 = _sc_aggregate(src, dst, u2_pk.reshape(2, n_pad, 32), 256, True)
    sums_cnt = _tc_stage_c(agg2.reshape(2, _PR, 128), u2_pk, dinvrep,
                           batchrep, b2)
    return _tc_head(sums_cnt, Wl1, bl1, Wl2, bl2)

# --- scband reference (transcript-rebuilt; emitter-appended) ---
"""Pipeline reference for scband-gnnregression-22814866276849 (READ-ONLY COPY).

The authoritative reference and input builder live on the scoring server;
editing this copy changes nothing except your own understanding.
"""

import jax, jax.numpy as jnp
import numpy as np

N = 50000
E = 800000
NUM_GRAPHS = 64


def _glorot(key, shape):
    fan_in, fan_out = shape[0], shape[1]
    limit = (6.0 / (fan_in + fan_out)) ** 0.5
    return jax.random.uniform(key, shape, dtype=jnp.float32, minval=-limit, maxval=limit)


def setup_inputs(seed: int = 0) -> dict:
    key = jax.random.key(seed)
    ks = jax.random.split(key, 8)
    x = jax.random.normal(ks[0], (N, 3), dtype=jnp.float32)
    edge_index = jax.random.randint(ks[1], (2, E), 0, N, dtype=jnp.int32)
    batch = jnp.sort(jax.random.randint(ks[2], (N,), 0, NUM_GRAPHS, dtype=jnp.int32))
    W1 = _glorot(ks[3], (3, 32))
    b1 = jnp.zeros((32,), jnp.float32)
    W2 = _glorot(ks[4], (32, 64))
    b2 = jnp.zeros((64,), jnp.float32)
    Wl1 = _glorot(ks[5], (64, 32))
    bl1 = jnp.zeros((32,), jnp.float32)
    Wl2 = _glorot(ks[6], (32, 2))
    bl2 = jnp.zeros((2,), jnp.float32)
    return {"x": x, "edge_index": edge_index, "batch": batch, "W1": W1, "b1": b1, "W2": W2, "b2": b2, "Wl1": Wl1, "bl1": bl1, "Wl2": Wl2, "bl2": bl2}


def _gcn_conv(x, edge_index, W, b):
    # GCNConv: add self-loops, symmetric normalization, linear transform, scatter-add aggregation
    n = x.shape[0]
    loop = jnp.arange(n, dtype=edge_index.dtype)
    src = jnp.concatenate([edge_index[0], loop])
    dst = jnp.concatenate([edge_index[1], loop])
    h = x @ W
    deg = jnp.zeros((n,), jnp.float32).at[dst].add(1.0)
    dinv = jnp.where(deg > 0, jax.lax.rsqrt(deg), 0.0)
    norm = dinv[src] * dinv[dst]
    msg = h[src] * norm[:, None]
    out = jnp.zeros_like(h).at[dst].add(msg)
    return out + b


def reference(x, edge_index, batch, W1, b1, W2, b2, Wl1, bl1, Wl2, bl2):
    h = jax.nn.relu(_gcn_conv(x, edge_index, W1, b1))
    h = jax.nn.relu(_gcn_conv(h, edge_index, W2, b2))
    sums = jax.ops.segment_sum(h, batch, num_segments=NUM_GRAPHS)
    cnt = jax.ops.segment_sum(jnp.ones((h.shape[0],), jnp.float32), batch, num_segments=NUM_GRAPHS)
    pooled = sums / jnp.maximum(cnt, 1.0)[:, None]
    h = jax.nn.relu(pooled @ Wl1 + bl1)
    return h @ Wl2 + bl2

if __name__ == "__main__":
    import jax
    _d = setup_inputs()
    print(jax.jit(kernel)(*tuple(_d.values())))

</pallas_src>

<mosaic_0001>
#map = affine_map<(d0, d1) -> (0)>
#map1 = affine_map<(d0, d1) -> (0, 0)>
module attributes {stable_mosaic.version = 14 : i64} {
  func.func @k(%arg0: i32, %arg1: i32, %arg2: memref<802816xi32, #tpu.memory_space<hbm>>, %arg3: memref<2x51200xf32, #tpu.memory_space<hbm>>, %arg4: memref<2x448xi32, #tpu.memory_space<vmem>>, %arg5: memref<448xf32, #tpu.memory_space<vmem>>, %arg6: memref<800xf32, #tpu.memory_space<vmem>>, %arg7: memref<51200xf32, #tpu.memory_space<vmem_shared>>, %arg8: memref<!tpu.dma_semaphore, #tpu.memory_space<semaphore_mem>>, %arg9: memref<!tpu.dma_semaphore, #tpu.memory_space<semaphore_mem>>) attributes {dimension_semantics = [#tpu.dimension_semantics<core_parallel>, #tpu.dimension_semantics<subcore_parallel>], iteration_bounds = array<i64: 2, 16>, scalar_prefetch = 0 : i64, scratch_operands = 6 : i64, tpu.core_type = #tpu.core_type<sc_vector_subcore>, window_params = [{transform_indices = #map}, {transform_indices = #map1}]} {
    %broadcast_in_dim3A = arith.constant 1.000000e+00 : f32
    %broadcast_in_dim3A_0 = vector.broadcast %broadcast_in_dim3A : f32 to vector<16xf32>
    %swap3A = arith.constant 0 : index
    %swap3A_1 = tpu.vector_load %arg5[%swap3A] {strides = array<i32>} : memref<448xf32, #tpu.memory_space<vmem>>, vector<16xf32>,
    %swap3A_2 = vector.shape_cast %swap3A_1 : vector<16xf32> to vector<16xf32>
    %swap3A_3 = vector.shape_cast %broadcast_in_dim3A_0 : vector<16xf32> to vector<16xf32>
    tpu.vector_store %arg5[%swap3A], %swap3A_3 {strides = array<i32>} : memref<448xf32, #tpu.memory_space<vmem>>, vector<16xf32>,
    %broadcast_in_dim3A_4 = arith.constant 1.000000e+00 : f32
    %broadcast_in_dim3A_5 = vector.broadcast %broadcast_in_dim3A_4 : f32 to vector<16xf32>
    %swap3A_6 = arith.constant 16 : index
    %swap3A_7 = tpu.vector_load %arg5[%swap3A_6] {strides = array<i32>} : memref<448xf32, #tpu.memory_space<vmem>>, vector<16xf32>,
    %swap3A_8 = vector.shape_cast %swap3A_7 : vector<16xf32> to vector<16xf32>
    %swap3A_9 = vector.shape_cast %broadcast_in_dim3A_5 : vector<16xf32> to vector<16xf32>
    tpu.vector_store %arg5[%swap3A_6], %swap3A_9 {strides = array<i32>} : memref<448xf32, #tpu.memory_space<vmem>>, vector<16xf32>,
    %broadcast_in_dim3A_10 = arith.constant 1.000000e+00 : f32
    %broadcast_in_dim3A_11 = vector.broadcast %broadcast_in_dim3A_10 : f32 to vector<16xf32>
    %swap3A_12 = arith.constant 32 : index
    %swap3A_13 = tpu.vector_load %arg5[%swap3A_12] {strides = array<i32>} : memref<448xf32, #tpu.memory_space<vmem>>, vector<16xf32>,
    %swap3A_14 = vector.shape_cast %swap3A_13 : vector<16xf32> to vector<16xf32>
    %swap3A_15 = vector.shape_cast %broadcast_in_dim3A_11 : vector<16xf32> to vector<16xf32>
    tpu.vector_store %arg5[%swap3A_12], %swap3A_15 {strides = array<i32>} : memref<448xf32, #tpu.memory_space<vmem>>, vector<16xf32>,
    %broadcast_in_dim3A_16 = arith.constant 1.000000e+00 : f32
    %broadcast_in_dim3A_17 = vector.broadcast %broadcast_in_dim3A_16 : f32 to vector<16xf32>
    %swap3A_18 = arith.constant 48 : index
    %swap3A_19 = tpu.vector_load %arg5[%swap3A_18] {strides = array<i32>} : memref<448xf32, #tpu.memory_space<vmem>>, vector<16xf32>,
    %swap3A_20 = vector.shape_cast %swap3A_19 : vector<16xf32> to vector<16xf32>
    %swap3A_21 = vector.shape_cast %broadcast_in_dim3A_17 : vector<16xf32> to vector<16xf32>
    tpu.vector_store %arg5[%swap3A_18], %swap3A_21 {strides = array<i32>} : memref<448xf32, #tpu.memory_space<vmem>>, vector<16xf32>,
    %broadcast_in_dim3A_22 = arith.constant 1.000000e+00 : f32
    %broadcast_in_dim3A_23 = vector.broadcast %broadcast_in_dim3A_22 : f32 to vector<16xf32>
    %swap3A_24 = arith.constant 64 : index
    %swap3A_25 = tpu.vector_load %arg5[%swap3A_24] {strides = array<i32>} : memref<448xf32, #tpu.memory_space<vmem>>, vector<16xf32>,
    %swap3A_26 = vector.shape_cast %swap3A_25 : vector<16xf32> to vector<16xf32>
    %swap3A_27 = vector.shape_cast %broadcast_in_dim3A_23 : vector<16xf32> to vector<16xf32>
    tpu.vector_store %arg5[%swap3A_24], %swap3A_27 {strides = array<i32>} : memref<448xf32, #tpu.memory_space<vmem>>, vector<16xf32>,
    %broadcast_in_dim3A_28 = arith.constant 1.000000e+00 : f32
    %broadcast_in_dim3A_29 = vector.broadcast %broadcast_in_dim3A_28 : f32 to vector<16xf32>
    %swap3A_30 = arith.constant 80 : index
    %swap3A_31 = tpu.vector_load %arg5[%swap3A_30] {strides = array<i32>} : memref<448xf32, #tpu.memory_space<vmem>>, vector<16xf32>,
    %swap3A_32 = vector.shape_cast %swap3A_31 : vector<16xf32> to vector<16xf32>
    %swap3A_33 = vector.shape_cast %broadcast_in_dim3A_29 : vector<16xf32> to vector<16xf32>
    tpu.vector_store %arg5[%swap3A_30], %swap3A_33 {strides = array<i32>} : memref<448xf32, #tpu.memory_space<vmem>>, vector<16xf32>,
    %broadcast_in_dim3A_34 = arith.constant 1.000000e+00 : f32
    %broadcast_in_dim3A_35 = vector.broadcast %broadcast_in_dim3A_34 : f32 to vector<16xf32>
    %swap3A_36 = arith.constant 96 : index
    %swap3A_37 = tpu.vector_load %arg5[%swap3A_36] {strides = array<i32>} : memref<448xf32, #tpu.memory_space<vmem>>, vector<16xf32>,
    %swap3A_38 = vector.shape_cast %swap3A_37 : vector<16xf32> to vector<16xf32>
    %swap3A_39 = vector.shape_cast %broadcast_in_dim3A_35 : vector<16xf32> to vector<16xf32>
    tpu.vector_store %arg5[%swap3A_36], %swap3A_39 {strides = array<i32>} : memref<448xf32, #tpu.memory_space<vmem>>, vector<16xf32>,
    %broadcast_in_dim3A_40 = arith.constant 1.000000e+00 : f32
    %broadcast_in_dim3A_41 = vector.broadcast %broadcast_in_dim3A_40 : f32 to vector<16xf32>
    %swap3A_42 = arith.constant 112 : index
    %swap3A_43 = tpu.vector_load %arg5[%swap3A_42] {strides = array<i32>} : memref<448xf32, #tpu.memory_space<vmem>>, vector<16xf32>,
    %swap3A_44 = vector.shape_cast %swap3A_43 : vector<16xf32> to vector<16xf32>
    %swap3A_45 = vector.shape_cast %broadcast_in_dim3A_41 : vector<16xf32> to vector<16xf32>
    tpu.vector_store %arg5[%swap3A_42], %swap3A_45 {strides = array<i32>} : memref<448xf32, #tpu.memory_space<vmem>>, vector<16xf32>,
    %broadcast_in_dim3A_46 = arith.constant 1.000000e+00 : f32
    %broadcast_in_dim3A_47 = vector.broadcast %broadcast_in_dim3A_46 : f32 to vector<16xf32>
    %swap3A_48 = arith.constant 128 : index
    %swap3A_49 = tpu.vector_load %arg5[%swap3A_48] {strides = array<i32>} : memref<448xf32, #tpu.memory_space<vmem>>, vector<16xf32>,
    %swap3A_50 = vector.shape_cast %swap3A_49 : vector<16xf32> to vector<16xf32>
    %swap3A_51 = vector.shape_cast %broadcast_in_dim3A_47 : vector<16xf32> to vector<16xf32>
    tpu.vector_store %arg5[%swap3A_48], %swap3A_51 {strides = array<i32>} : memref<448xf32, #tpu.memory_space<vmem>>, vector<16xf32>,
    %broadcast_in_dim3A_52 = arith.constant 1.000000e+00 : f32
    %broadcast_in_dim3A_53 = vector.broadcast %broadcast_in_dim3A_52 : f32 to vector<16xf32>
    %swap3A_54 = arith.constant 144 : index
    %swap3A_55 = tpu.vector_load %arg5[%swap3A_54] {strides = array<i32>} : memref<448xf32, #tpu.memory_space<vmem>>, vector<16xf32>,
    %swap3A_56 = vector.shape_cast %swap3A_55 : vector<16xf32> to vector<16xf32>
    %swap3A_57 = vector.shape_cast %broadcast_in_dim3A_53 : vector<16xf32> to vector<16xf32>
    tpu.vector_store %arg5[%swap3A_54], %swap3A_57 {strides = array<i32>} : memref<448xf32, #tpu.memory_space<vmem>>, vector<16xf32>,
    %broadcast_in_dim3A_58 = arith.constant 1.000000e+00 : f32
    %broadcast_in_dim3A_59 = vector.broadcast %broadcast_in_dim3A_58 : f32 to vector<16xf32>
    %swap3A_60 = arith.constant 160 : index
    %swap3A_61 = tpu.vector_load %arg5[%swap3A_60] {strides = array<i32>} : memref<448xf32, #tpu.memory_space<vmem>>, vector<16xf32>,
    %swap3A_62 = vector.shape_cast %swap3A_61 : vector<16xf32> to vector<16xf32>
    %swap3A_63 = vector.shape_cast %broadcast_in_dim3A_59 : vector<16xf32> to vector<16xf32>
    tpu.vector_store %arg5[%swap3A_60], %swap3A_63 {strides = array<i32>} : memref<448xf32, #tpu.memory_space<vmem>>, vector<16xf32>,
    %broadcast_in_dim3A_64 = arith.constant 1.000000e+00 : f32
    %broadcast_in_dim3A_65 = vector.broadcast %broadcast_in_dim3A_64 : f32 to vector<16xf32>
    %swap3A_66 = arith.constant 176 : index
    %swap3A_67 = tpu.vector_load %arg5[%swap3A_66] {strides = array<i32>} : memref<448xf32, #tpu.memory_space<vmem>>, vector<16xf32>,
    %swap3A_68 = vector.shape_cast %swap3A_67 : vector<16xf32> to vector<16xf32>
    %swap3A_69 = vector.shape_cast %broadcast_in_dim3A_65 : vector<16xf32> to vector<16xf32>
    tpu.vector_store %arg5[%swap3A_66], %swap3A_69 {strides = array<i32>} : memref<448xf32, #tpu.memory_space<vmem>>, vector<16xf32>,
    %broadcast_in_dim3A_70 = arith.constant 1.000000e+00 : f32
    %broadcast_in_dim3A_71 = vector.broadcast %broadcast_in_dim3A_70 : f32 to vector<16xf32>
    %swap3A_72 = arith.constant 192 : index
    %swap3A_73 = tpu.vector_load %arg5[%swap3A_72] {strides = array<i32>} : memref<448xf32, #tpu.memory_space<vmem>>, vector<16xf32>,
    %swap3A_74 = vector.shape_cast %swap3A_73 : vector<16xf32> to vector<16xf32>
    %swap3A_75 = vector.shape_cast %broadcast_in_dim3A_71 : vector<16xf32> to vector<16xf32>
    tpu.vector_store %arg5[%swap3A_72], %swap3A_75 {strides = array<i32>} : memref<448xf32, #tpu.memory_space<vmem>>, vector<16xf32>,
    %broadcast_in_dim3A_76 = arith.constant 1.000000e+00 : f32
    %broadcast_in_dim3A_77 = vector.broadcast %broadcast_in_dim3A_76 : f32 to vector<16xf32>
    %swap3A_78 = arith.constant 208 : index
    %swap3A_79 = tpu.vector_load %arg5[%swap3A_78] {strides = array<i32>} : memref<448xf32, #tpu.memory_space<vmem>>, vector<16xf32>,
    %swap3A_80 = vector.shape_cast %swap3A_79 : vector<16xf32> to vector<16xf32>
    %swap3A_81 = vector.shape_cast %broadcast_in_dim3A_77 : vector<16xf32> to vector<16xf32>
    tpu.vector_store %arg5[%swap3A_78], %swap3A_81 {strides = array<i32>} : memref<448xf32, #tpu.memory_space<vmem>>, vector<16xf32>,
    %broadcast_in_dim3A_82 = arith.constant 1.000000e+00 : f32
    %broadcast_in_dim3A_83 = vector.broadcast %broadcast_in_dim3A_82 : f32 to vector<16xf32>
    %swap3A_84 = arith.constant 224 : index
    %swap3A_85 = tpu.vector_load %arg5[%swap3A_84] {strides = array<i32>} : memref<448xf32, #tpu.memory_space<vmem>>, vector<16xf32>,
    %swap3A_86 = vector.shape_cast %swap3A_85 : vector<16xf32> to vector<16xf32>
    %swap3A_87 = vector.shape_cast %broadcast_in_dim3A_83 : vector<16xf32> to vector<16xf32>
    tpu.vector_store %arg5[%swap3A_84], %swap3A_87 {strides = array<i32>} : memref<448xf32, #tpu.memory_space<vmem>>, vector<16xf32>,
    %broadcast_in_dim3A_88 = arith.constant 1.000000e+00 : f32
    %broadcast_in_dim3A_89 = vector.broadcast %broadcast_in_dim3A_88 : f32 to vector<16xf32>
    %swap3A_90 = arith.constant 240 : index
    %swap3A_91 = tpu.vector_load %arg5[%swap3A_90] {strides = array<i32>} : memref<448xf32, #tpu.memory_space<vmem>>, vector<16xf32>,
    %swap3A_92 = vector.shape_cast %swap3A_91 : vector<16xf32> to vector<16xf32>
    %swap3A_93 = vector.shape_cast %broadcast_in_dim3A_89 : vector<16xf32> to vector<16xf32>
    tpu.vector_store %arg5[%swap3A_90], %swap3A_93 {strides = array<i32>} : memref<448xf32, #tpu.memory_space<vmem>>, vector<16xf32>,
    %broadcast_in_dim3A_94 = arith.constant 1.000000e+00 : f32
    %broadcast_in_dim3A_95 = vector.broadcast %broadcast_in_dim3A_94 : f32 to vector<16xf32>
    %swap3A_96 = arith.constant 256 : index
    %swap3A_97 = tpu.vector_load %arg5[%swap3A_96] {strides = array<i32>} : memref<448xf32, #tpu.memory_space<vmem>>, vector<16xf32>,
    %swap3A_98 = vector.shape_cast %swap3A_97 : vector<16xf32> to vector<16xf32>
    %swap3A_99 = vector.shape_cast %broadcast_in_dim3A_95 : vector<16xf32> to vector<16xf32>
    tpu.vector_store %arg5[%swap3A_96], %swap3A_99 {strides = array<i32>} : memref<448xf32, #tpu.memory_space<vmem>>, vector<16xf32>,
    %broadcast_in_dim3A_100 = arith.constant 1.000000e+00 : f32
    %broadcast_in_dim3A_101 = vector.broadcast %broadcast_in_dim3A_100 : f32 to vector<16xf32>
    %swap3A_102 = arith.constant 272 : index
    %swap3A_103 = tpu.vector_load %arg5[%swap3A_102] {strides = array<i32>} : memref<448xf32, #tpu.memory_space<vmem>>, vector<16xf32>,
    %swap3A_104 = vector.shape_cast %swap3A_103 : vector<16xf32> to vector<16xf32>
    %swap3A_105 = vector.shape_cast %broadcast_in_dim3A_101 : vector<16xf32> to vector<16xf32>
    tpu.vector_store %arg5[%swap3A_102], %swap3A_105 {strides = array<i32>} : memref<448xf32, #tpu.memory_space<vmem>>, vector<16xf32>,
    %broadcast_in_dim3A_106 = arith.constant 1.000000e+00 : f32
    %broadcast_in_dim3A_107 = vector.broadcast %broadcast_in_dim3A_106 : f32 to vector<16xf32>
    %swap3A_108 = arith.constant 288 : index
    %swap3A_109 = tpu.vector_load %arg5[%swap3A_108] {strides = array<i32>} : memref<448xf32, #tpu.memory_space<vmem>>, vector<16xf32>,
    %swap3A_110 = vector.shape_cast %swap3A_109 : vector<16xf32> to vector<16xf32>
    %swap3A_111 = vector.shape_cast %broadcast_in_dim3A_107 : vector<16xf32> to vector<16xf32>
    tpu.vector_store %arg5[%swap3A_108], %swap3A_111 {strides = array<i32>} : memref<448xf32, #tpu.memory_space<vmem>>, vector<16xf32>,
    %broadcast_in_dim3A_112 = arith.constant 1.000000e+00 : f32
    %broadcast_in_dim3A_113 = vector.broadcast %broadcast_in_dim3A_112 : f32 to vector<16xf32>
    %swap3A_114 = arith.constant 304 : index
    %swap3A_115 = tpu.vector_load %arg5[%swap3A_114] {strides = array<i32>} : memref<448xf32, #tpu.memory_space<vmem>>, vector<16xf32>,
    %swap3A_116 = vector.shape_cast %swap3A_115 : vector<16xf32> to vector<16xf32>
    %swap3A_117 = vector.shape_cast %broadcast_in_dim3A_113 : vector<16xf32> to vector<16xf32>
    tpu.vector_store %arg5[%swap3A_114], %swap3A_117 {strides = array<i32>} : memref<448xf32, #tpu.memory_space<vmem>>, vector<16xf32>,
    %broadcast_in_dim3A_118 = arith.constant 1.000000e+00 : f32
    %broadcast_in_dim3A_119 = vector.broadcast %broadcast_in_dim3A_118 : f32 to vector<16xf32>
    %swap3A_120 = arith.constant 320 : index
    %swap3A_121 = tpu.vector_load %arg5[%swap3A_120] {strides = array<i32>} : memref<448xf32, #tpu.memory_space<vmem>>, vector<16xf32>,
    %swap3A_122 = vector.shape_cast %swap3A_121 : vector<16xf32> to vector<16xf32>
    %swap3A_123 = vector.shape_cast %broadcast_in_dim3A_119 : vector<16xf32> to vector<16xf32>
    tpu.vector_store %arg5[%swap3A_120], %swap3A_123 {strides = array<i32>} : memref<448xf32, #tpu.memory_space<vmem>>, vector<16xf32>,
    %broadcast_in_dim3A_124 = arith.constant 1.000000e+00 : f32
    %broadcast_in_dim3A_125 = vector.broadcast %broadcast_in_dim3A_124 : f32 to vector<16xf32>
    %swap3A_126 = arith.constant 336 : index
    %swap3A_127 = tpu.vector_load %arg5[%swap3A_126] {strides = array<i32>} : memref<448xf32, #tpu.memory_space<vmem>>, vector<16xf32>,
    %swap3A_128 = vector.shape_cast %swap3A_127 : vector<16xf32> to vector<16xf32>
    %swap3A_129 = vector.shape_cast %broadcast_in_dim3A_125 : vector<16xf32> to vector<16xf32>
    tpu.vector_store %arg5[%swap3A_126], %swap3A_129 {strides = array<i32>} : memref<448xf32, #tpu.memory_space<vmem>>, vector<16xf32>,
    %broadcast_in_dim3A_130 = arith.constant 1.000000e+00 : f32
    %broadcast_in_dim3A_131 = vector.broadcast %broadcast_in_dim3A_130 : f32 to vector<16xf32>
    %swap3A_132 = arith.constant 352 : index
    %swap3A_133 = tpu.vector_load %arg5[%swap3A_132] {strides = array<i32>} : memref<448xf32, #tpu.memory_space<vmem>>, vector<16xf32>,
    %swap3A_134 = vector.shape_cast %swap3A_133 : vector<16xf32> to vector<16xf32>
    %swap3A_135 = vector.shape_cast %broadcast_in_dim3A_131 : vector<16xf32> to vector<16xf32>
    tpu.vector_store %arg5[%swap3A_132], %swap3A_135 {strides = array<i32>} : memref<448xf32, #tpu.memory_space<vmem>>, vector<16xf32>,
    %broadcast_in_dim3A_136 = arith.constant 1.000000e+00 : f32
    %broadcast_in_dim3A_137 = vector.broadcast %broadcast_in_dim3A_136 : f32 to vector<16xf32>
    %swap3A_138 = arith.constant 368 : index
    %swap3A_139 = tpu.vector_load %arg5[%swap3A_138] {strides = array<i32>} : memref<448xf32, #tpu.memory_space<vmem>>, vector<16xf32>,
    %swap3A_140 = vector.shape_cast %swap3A_139 : vector<16xf32> to vector<16xf32>
    %swap3A_141 = vector.shape_cast %broadcast_in_dim3A_137 : vector<16xf32> to vector<16xf32>
    tpu.vector_store %arg5[%swap3A_138], %swap3A_141 {strides = array<i32>} : memref<448xf32, #tpu.memory_space<vmem>>, vector<16xf32>,
    %broadcast_in_dim3A_142 = arith.constant 1.000000e+00 : f32
    %broadcast_in_dim3A_143 = vector.broadcast %broadcast_in_dim3A_142 : f32 to vector<16xf32>
    %swap3A_144 = arith.constant 384 : index
    %swap3A_145 = tpu.vector_load %arg5[%swap3A_144] {strides = array<i32>} : memref<448xf32, #tpu.memory_space<vmem>>, vector<16xf32>,
    %swap3A_146 = vector.shape_cast %swap3A_145 : vector<16xf32> to vector<16xf32>
    %swap3A_147 = vector.shape_cast %broadcast_in_dim3A_143 : vector<16xf32> to vector<16xf32>
    tpu.vector_store %arg5[%swap3A_144], %swap3A_147 {strides = array<i32>} : memref<448xf32, #tpu.memory_space<vmem>>, vector<16xf32>,
    %broadcast_in_dim3A_148 = arith.constant 1.000000e+00 : f32
    %broadcast_in_dim3A_149 = vector.broadcast %broadcast_in_dim3A_148 : f32 to vector<16xf32>
    %swap3A_150 = arith.constant 400 : index
    %swap3A_151 = tpu.vector_load %arg5[%swap3A_150] {strides = array<i32>} : memref<448xf32, #tpu.memory_space<vmem>>, vector<16xf32>,
    %swap3A_152 = vector.shape_cast %swap3A_151 : vector<16xf32> to vector<16xf32>
    %swap3A_153 = vector.shape_cast %broadcast_in_dim3A_149 : vector<16xf32> to vector<16xf32>
    tpu.vector_store %arg5[%swap3A_150], %swap3A_153 {strides = array<i32>} : memref<448xf32, #tpu.memory_space<vmem>>, vector<16xf32>,
    %broadcast_in_dim3A_154 = arith.constant 1.000000e+00 : f32
    %broadcast_in_dim3A_155 = vector.broadcast %broadcast_in_dim3A_154 : f32 to vector<16xf32>
    %swap3A_156 = arith.constant 416 : index
    %swap3A_157 = tpu.vector_load %arg5[%swap3A_156] {strides = array<i32>} : memref<448xf32, #tpu.memory_space<vmem>>, vector<16xf32>,
    %swap3A_158 = vector.shape_cast %swap3A_157 : vector<16xf32> to vector<16xf32>
    %swap3A_159 = vector.shape_cast %broadcast_in_dim3A_155 : vector<16xf32> to vector<16xf32>
    tpu.vector_store %arg5[%swap3A_156], %swap3A_159 {strides = array<i32>} : memref<448xf32, #tpu.memory_space<vmem>>, vector<16xf32>,
    %broadcast_in_dim3A_160 = arith.constant 1.000000e+00 : f32
    %broadcast_in_dim3A_161 = vector.broadcast %broadcast_in_dim3A_160 : f32 to vector<16xf32>
    %swap3A_162 = arith.constant 432 : index
    %swap3A_163 = tpu.vector_load %arg5[%swap3A_162] {strides = array<i32>} : memref<448xf32, #tpu.memory_space<vmem>>, vector<16xf32>,
    %swap3A_164 = vector.shape_cast %swap3A_163 : vector<16xf32> to vector<16xf32>
    %swap3A_165 = vector.shape_cast %broadcast_in_dim3A_161 : vector<16xf32> to vector<16xf32>
    tpu.vector_store %arg5[%swap3A_162], %swap3A_165 {strides = array<i32>} : memref<448xf32, #tpu.memory_space<vmem>>, vector<16xf32>,
    %scan3A = arith.constant 0 : i32
    %scan3A_166 = arith.constant 0 : i32
    %scan3A_167 = arith.constant 50 : i32
    %scan3A_168 = arith.addi %scan3A_166, %scan3A_167 : i32
    %scan3A_169 = arith.constant 1 : i32
    %scan3A_170 = scf.for %scan3A_213 = %scan3A_166 to %scan3A_168 step %scan3A_169 iter_args(%scan3A_214 = %scan3A) -> (i32)  : i32 {
      %broadcast_in_dim3A_215 = arith.constant 0.000000e+00 : f32
      %broadcast_in_dim3A_216 = vector.broadcast %broadcast_in_dim3A_215 : f32 to vector<16xf32>
      %mul3A_217 = arith.constant 16 : i32
      %mul3A_218 = arith.muli %scan3A_213, %mul3A_217 : i32
      %swap3A_219 = arith.index_cast %mul3A_218 : i32 to index
      %swap3A_220 = tpu.vector_load %arg6[%swap3A_219] {strides = array<i32>} : memref<800xf32, #tpu.memory_space<vmem>>, vector<16xf32>,
      %swap3A_221 = vector.shape_cast %swap3A_220 : vector<16xf32> to vector<16xf32>
      %swap3A_222 = vector.shape_cast %broadcast_in_dim3A_216 : vector<16xf32> to vector<16xf32>
      tpu.vector_store %arg6[%swap3A_219], %swap3A_222 {strides = array<i32>} : memref<800xf32, #tpu.memory_space<vmem>>, vector<16xf32>,
      %scan3A_223 = arith.constant 0 : i32
      scf.yield %scan3A_223 : i32
    }
    %scan3A_171 = arith.constant 50 : i32
    %mul3A = arith.constant 3200 : i32
    %mul3A_172 = arith.muli %arg1, %mul3A : i32
    %scan3A_173 = arith.constant 0 : i32
    %scan3A_174 = arith.constant 0 : i32
    %scan3A_175 = arith.constant 4 : i32
    %scan3A_176 = arith.addi %scan3A_174, %scan3A_175 : i32
    %scan3A_177 = arith.constant 1 : i32
    %scan3A_178 = scf.for %scan3A_213 = %scan3A_174 to %scan3A_176 step %scan3A_177 iter_args(%scan3A_214 = %scan3A_173) -> (i32)  : i32 {
      %mul3A_215 = arith.constant 800 : i32
      %mul3A_216 = arith.muli %scan3A_213, %mul3A_215 : i32
      %add3A_217 = arith.addi %mul3A_172, %mul3A_216 : i32
      "tpu.region"() ({
        %run_scoped3A = tpu.sem_alloc : memref<!tpu.dma_semaphore, #tpu.memory_space<semaphore_mem>>
        %dma_start3A_219 = tpu.memref_slice %arg7[%add3A_217] : memref<51200xf32, #tpu.memory_space<vmem_shared>> -> memref<800xf32, #tpu.memory_space<vmem_shared>>
        %dma_start3A_220 = tpu.memref_slice %arg7[%add3A_217] : memref<51200xf32, #tpu.memory_space<vmem_shared>> -> memref<800xf32, #tpu.memory_space<vmem_shared>>
        tpu.enqueue_dma source(%arg6 : memref<800xf32, #tpu.memory_space<vmem>>) target(%dma_start3A_220 : memref<800xf32, #tpu.memory_space<vmem_shared>>) target_semaphore(%run_scoped3A : memref<!tpu.dma_semaphore, #tpu.memory_space<semaphore_mem>>)
        %dma_wait3A = tpu.memref_slice %arg7[%add3A_217] : memref<51200xf32, #tpu.memory_space<vmem_shared>> -> memref<800xf32, #tpu.memory_space<vmem_shared>>
        %dma_wait3A_221 = tpu.memref_slice %arg7[%add3A_217] : memref<51200xf32, #tpu.memory_space<vmem_shared>> -> memref<800xf32, #tpu.memory_space<vmem_shared>>
        tpu.wait_dma2 semaphore(%run_scoped3A : memref<!tpu.dma_semaphore, #tpu.memory_space<semaphore_mem>>) src(%arg6 : memref<800xf32, #tpu.memory_space<vmem>>) dst(%dma_wait3A_221 : memref<800xf32, #tpu.memory_space<vmem_shared>>)
        tpu.yield
      }) : () -> ()
      %scan3A_218 = arith.constant 0 : i32
      scf.yield %scan3A_218 : i32
    }
    %scan3A_179 = arith.constant 4 : i32
    %barrier3A = arith.constant 0 : index
    tpu.barrier barrier_id(%barrier3A)
    %mul3A_180 = arith.constant 16 : i32
    %mul3A_181 = arith.muli %arg0, %mul3A_180 : i32
    %add3A = arith.addi %mul3A_181, %arg1 : i32
    %mul3A_182 = arith.constant 25088 : i32
    %mul3A_183 = arith.muli %add3A, %mul3A_182 : i32
    %add3A_184 = arith.constant 0 : i32
    %add3A_185 = arith.addi %mul3A_183, %add3A_184 : i32
    %dma_start3A = arith.constant 0 : i32
    %dma_start3A_186 = arith.constant 0 : i32
    %dma_start3A_187 = tpu.memref_slice %arg4[%dma_start3A, %dma_start3A_186] : memref<2x448xi32, #tpu.memory_space<vmem>> -> memref<1x448xi32, #tpu.memory_space<vmem>>
    %dma_start3A_188 = tpu.memref_squeeze %dma_start3A_187 : memref<1x448xi32, #tpu.memory_space<vmem>> -> memref<448xi32, #tpu.memory_space<vmem>>
    %dma_start3A_189 = tpu.memref_slice %arg2[%add3A_185] : memref<802816xi32, #tpu.memory_space<hbm>> -> memref<448xi32, #tpu.memory_space<hbm>>
    %dma_start3A_190 = arith.constant 0 : i32
    %dma_start3A_191 = tpu.memref_slice %arg4[%dma_start3A, %dma_start3A_190] : memref<2x448xi32, #tpu.memory_space<vmem>> -> memref<1x448xi32, #tpu.memory_space<vmem>>
    %dma_start3A_192 = tpu.memref_squeeze %dma_start3A_191 : memref<1x448xi32, #tpu.memory_space<vmem>> -> memref<448xi32, #tpu.memory_space<vmem>>
    %dma_start3A_193 = tpu.memref_slice %arg2[%add3A_185] : memref<802816xi32, #tpu.memory_space<hbm>> -> memref<448xi32, #tpu.memory_space<hbm>>
    tpu.enqueue_dma source(%dma_start3A_193 : memref<448xi32, #tpu.memory_space<hbm>>) target(%dma_start3A_192 : memref<448xi32, #tpu.memory_space<vmem>>) target_semaphore(%arg8 : memref<!tpu.dma_semaphore, #tpu.memory_space<semaphore_mem>>)
    %add3A_194 = arith.constant 448 : i32
    %add3A_195 = arith.addi %mul3A_183, %add3A_194 : i32
    %dma_start3A_196 = arith.constant 1 : i32
    %dma_start3A_197 = arith.constant 0 : i32
    %dma_start3A_198 = tpu.memref_slice %arg4[%dma_start3A_196, %dma_start3A_197] : memref<2x448xi32, #tpu.memory_space<vmem>> -> memref<1x448xi32, #tpu.memory_space<vmem>>
    %dma_start3A_199 = tpu.memref_squeeze %dma_start3A_198 : memref<1x448xi32, #tpu.memory_space<vmem>> -> memref<448xi32, #tpu.memory_space<vmem>>
    %dma_start3A_200 = tpu.memref_slice %arg2[%add3A_195] : memref<802816xi32, #tpu.memory_space<hbm>> -> memref<448xi32, #tpu.memory_space<hbm>>
    %dma_start3A_201 = arith.constant 0 : i32
    %dma_start3A_202 = tpu.memref_slice %arg4[%dma_start3A_196, %dma_start3A_201] : memref<2x448xi32, #tpu.memory_space<vmem>> -> memref<1x448xi32, #tpu.memory_space<vmem>>
    %dma_start3A_203 = tpu.memref_squeeze %dma_start3A_202 : memref<1x448xi32, #tpu.memory_space<vmem>> -> memref<448xi32, #tpu.memory_space<vmem>>
    %dma_start3A_204 = tpu.memref_slice %arg2[%add3A_195] : memref<802816xi32, #tpu.memory_space<hbm>> -> memref<448xi32, #tpu.memory_space<hbm>>
    tpu.enqueue_dma source(%dma_start3A_204 : memref<448xi32, #tpu.memory_space<hbm>>) target(%dma_start3A_203 : memref<448xi32, #tpu.memory_space<vmem>>) target_semaphore(%arg9 : memref<!tpu.dma_semaphore, #tpu.memory_space<semaphore_mem>>)
    %scan3A_205 = arith.constant 0 : i32
    %scan3A_206 = arith.constant 0 : i32
    %scan3A_207 = arith.constant 28 : i32
    %scan3A_208 = arith.addi %scan3A_206, %scan3A_207 : i32
    %scan3A_209 = arith.constant 1 : i32
    %scan3A_210 = scf.for %scan3A_213 = %scan3A_206 to %scan3A_208 step %scan3A_209 iter_args(%scan3A_214 = %scan3A_205) -> (i32)  : i32 {
      %mul3A_215 = arith.constant 2 : i32
      %mul3A_216 = arith.muli %mul3A_215, %scan3A_213 : i32
      %add3A_217 = arith.constant 0 : i32
      %add3A_218 = arith.addi %mul3A_216, %add3A_217 : i32
      %mul3A_219 = arith.constant 448 : i32
      %mul3A_220 = arith.muli %add3A_218, %mul3A_219 : i32
      %add3A_221 = arith.addi %mul3A_183, %mul3A_220 : i32
      %dma_wait3A = arith.constant 0 : i32
      %dma_wait3A_222 = arith.constant 0 : i32
      %dma_wait3A_223 = tpu.memref_slice %arg4[%dma_wait3A, %dma_wait3A_222] : memref<2x448xi32, #tpu.memory_space<vmem>> -> memref<1x448xi32, #tpu.memory_space<vmem>>
      %dma_wait3A_224 = tpu.memref_squeeze %dma_wait3A_223 : memref<1x448xi32, #tpu.memory_space<vmem>> -> memref<448xi32, #tpu.memory_space<vmem>>
      %dma_wait3A_225 = tpu.memref_slice %arg2[%add3A_221] : memref<802816xi32, #tpu.memory_space<hbm>> -> memref<448xi32, #tpu.memory_space<hbm>>
      %dma_wait3A_226 = arith.constant 0 : i32
      %dma_wait3A_227 = tpu.memref_slice %arg4[%dma_wait3A, %dma_wait3A_226] : memref<2x448xi32, #tpu.memory_space<vmem>> -> memref<1x448xi32, #tpu.memory_space<vmem>>
      %dma_wait3A_228 = tpu.memref_squeeze %dma_wait3A_227 : memref<1x448xi32, #tpu.memory_space<vmem>> -> memref<448xi32, #tpu.memory_space<vmem>>
      %dma_wait3A_229 = tpu.memref_slice %arg2[%add3A_221] : memref<802816xi32, #tpu.memory_space<hbm>> -> memref<448xi32, #tpu.memory_space<hbm>>
      tpu.wait_dma2 semaphore(%arg8 : memref<!tpu.dma_semaphore, #tpu.memory_space<semaphore_mem>>) src(%dma_wait3A_229 : memref<448xi32, #tpu.memory_space<hbm>>) dst(%dma_wait3A_228 : memref<448xi32, #tpu.memory_space<vmem>>)
      %run_scoped3A = arith.constant 0 : i32
      "tpu.region"() ({
        %run_scoped3A_255 = tpu.sem_alloc : memref<!tpu.dma_semaphore, #tpu.memory_space<semaphore_mem>>
        %dma_start3A_256 = arith.constant 0 : i32
        %dma_start3A_257 = tpu.memref_slice %arg4[%run_scoped3A, %dma_start3A_256] : memref<2x448xi32, #tpu.memory_space<vmem>> -> memref<1x448xi32, #tpu.memory_space<vmem>>
        %dma_start3A_258 = tpu.memref_squeeze %dma_start3A_257 : memref<1x448xi32, #tpu.memory_space<vmem>> -> memref<448xi32, #tpu.memory_space<vmem>>
        %dma_start3A_259 = arith.constant 0 : i32
        %dma_start3A_260 = tpu.memref_slice %arg7[%dma_start3A_259] : memref<51200xf32, #tpu.memory_space<vmem_shared>> -> memref<51200xf32, #tpu.memory_space<vmem_shared>>
        tpu.enqueue_indirect_dma source(%arg5 : memref<448xf32, #tpu.memory_space<vmem>>) target(%dma_start3A_260 : memref<51200xf32, #tpu.memory_space<vmem_shared>>) offsets(%dma_start3A_258 : memref<448xi32, #tpu.memory_space<vmem>>) semaphore(%run_scoped3A_255 : memref<!tpu.dma_semaphore, #tpu.memory_space<semaphore_mem>>) {add = true}
        %dma_wait3A_261 = arith.constant 0 : i32
        %dma_wait3A_262 = tpu.memref_slice %arg4[%run_scoped3A, %dma_wait3A_261] : memref<2x448xi32, #tpu.memory_space<vmem>> -> memref<1x448xi32, #tpu.memory_space<vmem>>
        %dma_wait3A_263 = tpu.memref_squeeze %dma_wait3A_262 : memref<1x448xi32, #tpu.memory_space<vmem>> -> memref<448xi32, #tpu.memory_space<vmem>>
        %dma_wait3A_264 = arith.constant 0 : i32
        %dma_wait3A_265 = tpu.memref_slice %arg7[%dma_wait3A_264] : memref<51200xf32, #tpu.memory_space<vmem_shared>> -> memref<51200xf32, #tpu.memory_space<vmem_shared>>
        tpu.wait_indirect_dma semaphore(%run_scoped3A_255 : memref<!tpu.dma_semaphore, #tpu.memory_space<semaphore_mem>>) src(%arg5 : memref<448xf32, #tpu.memory_space<vmem>>) dst(%dma_wait3A_265 : memref<51200xf32, #tpu.memory_space<vmem_shared>>)
        tpu.yield
      }) : () -> ()
      %lt3A = arith.constant 27 : i32
      %lt3A_230 = arith.cmpi slt, %scan3A_213, %lt3A : i32
      %convert_element_type3A = arith.extui %lt3A_230 : i1 to i32
      %cond3A = arith.constant 0 : i32
      %cond3A_231 = arith.cmpi ne, %convert_element_type3A, %cond3A : i32
      scf.if %cond3A_231 {
        %add3A_255 = arith.constant 2 : i32
        %add3A_256 = arith.addi %add3A_218, %add3A_255 : i32
        %mul3A_257 = arith.constant 448 : i32
        %mul3A_258 = arith.muli %add3A_256, %mul3A_257 : i32
        %add3A_259 = arith.addi %mul3A_183, %mul3A_258 : i32
        %dma_start3A_260 = arith.constant 0 : i32
        %dma_start3A_261 = arith.constant 0 : i32
        %dma_start3A_262 = tpu.memref_slice %arg4[%dma_start3A_260, %dma_start3A_261] : memref<2x448xi32, #tpu.memory_space<vmem>> -> memref<1x448xi32, #tpu.memory_space<vmem>>
        %dma_start3A_263 = tpu.memref_squeeze %dma_start3A_262 : memref<1x448xi32, #tpu.memory_space<vmem>> -> memref<448xi32, #tpu.memory_space<vmem>>
        %dma_start3A_264 = tpu.memref_slice %arg2[%add3A_259] : memref<802816xi32, #tpu.memory_space<hbm>> -> memref<448xi32, #tpu.memory_space<hbm>>
        %dma_start3A_265 = arith.constant 0 : i32
        %dma_start3A_266 = tpu.memref_slice %arg4[%dma_start3A_260, %dma_start3A_265] : memref<2x448xi32, #tpu.memory_space<vmem>> -> memref<1x448xi32, #tpu.memory_space<vmem>>
        %dma_start3A_267 = tpu.memref_squeeze %dma_start3A_266 : memref<1x448xi32, #tpu.memory_space<vmem>> -> memref<448xi32, #tpu.memory_space<vmem>>
        %dma_start3A_268 = tpu.memref_slice %arg2[%add3A_259] : memref<802816xi32, #tpu.memory_space<hbm>> -> memref<448xi32, #tpu.memory_space<hbm>>
        tpu.enqueue_dma source(%dma_start3A_268 : memref<448xi32, #tpu.memory_space<hbm>>) target(%dma_start3A_267 : memref<448xi32, #tpu.memory_space<vmem>>) target_semaphore(%arg8 : memref<!tpu.dma_semaphore, #tpu.memory_space<semaphore_mem>>)
      } else {
      }
      %mul3A_232 = arith.constant 2 : i32
      %mul3A_233 = arith.muli %mul3A_232, %scan3A_213 : i32
      %add3A_234 = arith.constant 1 : i32
      %add3A_235 = arith.addi %mul3A_233, %add3A_234 : i32
      %mul3A_236 = arith.constant 448 : i32
      %mul3A_237 = arith.muli %add3A_235, %mul3A_236 : i32
      %add3A_238 = arith.addi %mul3A_183, %mul3A_237 : i32
      %dma_wait3A_239 = arith.constant 1 : i32
      %dma_wait3A_240 = arith.constant 0 : i32
      %dma_wait3A_241 = tpu.memref_slice %arg4[%dma_wait3A_239, %dma_wait3A_240] : memref<2x448xi32, #tpu.memory_space<vmem>> -> memref<1x448xi32, #tpu.memory_space<vmem>>
      %dma_wait3A_242 = tpu.memref_squeeze %dma_wait3A_241 : memref<1x448xi32, #tpu.memory_space<vmem>> -> memref<448xi32, #tpu.memory_space<vmem>>
      %dma_wait3A_243 = tpu.memref_slice %arg2[%add3A_238] : memref<802816xi32, #tpu.memory_space<hbm>> -> memref<448xi32, #tpu.memory_space<hbm>>
      %dma_wait3A_244 = arith.constant 0 : i32
      %dma_wait3A_245 = tpu.memref_slice %arg4[%dma_wait3A_239, %dma_wait3A_244] : memref<2x448xi32, #tpu.memory_space<vmem>> -> memref<1x448xi32, #tpu.memory_space<vmem>>
      %dma_wait3A_246 = tpu.memref_squeeze %dma_wait3A_245 : memref<1x448xi32, #tpu.memory_space<vmem>> -> memref<448xi32, #tpu.memory_space<vmem>>
      %dma_wait3A_247 = tpu.memref_slice %arg2[%add3A_238] : memref<802816xi32, #tpu.memory_space<hbm>> -> memref<448xi32, #tpu.memory_space<hbm>>
      tpu.wait_dma2 semaphore(%arg9 : memref<!tpu.dma_semaphore, #tpu.memory_space<semaphore_mem>>) src(%dma_wait3A_247 : memref<448xi32, #tpu.memory_space<hbm>>) dst(%dma_wait3A_246 : memref<448xi32, #tpu.memory_space<vmem>>)
      %run_scoped3A_248 = arith.constant 1 : i32
      "tpu.region"() ({
        %run_scoped3A_255 = tpu.sem_alloc : memref<!tpu.dma_semaphore, #tpu.memory_space<semaphore_mem>>
        %dma_start3A_256 = arith.constant 0 : i32
        %dma_start3A_257 = tpu.memref_slice %arg4[%run_scoped3A_248, %dma_start3A_256] : memref<2x448xi32, #tpu.memory_space<vmem>> -> memref<1x448xi32, #tpu.memory_space<vmem>>
        %dma_start3A_258 = tpu.memref_squeeze %dma_start3A_257 : memref<1x448xi32, #tpu.memory_space<vmem>> -> memref<448xi32, #tpu.memory_space<vmem>>
        %dma_start3A_259 = arith.constant 0 : i32
        %dma_start3A_260 = tpu.memref_slice %arg7[%dma_start3A_259] : memref<51200xf32, #tpu.memory_space<vmem_shared>> -> memref<51200xf32, #tpu.memory_space<vmem_shared>>
        tpu.enqueue_indirect_dma source(%arg5 : memref<448xf32, #tpu.memory_space<vmem>>) target(%dma_start3A_260 : memref<51200xf32, #tpu.memory_space<vmem_shared>>) offsets(%dma_start3A_258 : memref<448xi32, #tpu.memory_space<vmem>>) semaphore(%run_scoped3A_255 : memref<!tpu.dma_semaphore, #tpu.memory_space<semaphore_mem>>) {add = true}
        %dma_wait3A_261 = arith.constant 0 : i32
        %dma_wait3A_262 = tpu.memref_slice %arg4[%run_scoped3A_248, %dma_wait3A_261] : memref<2x448xi32, #tpu.memory_space<vmem>> -> memref<1x448xi32, #tpu.memory_space<vmem>>
        %dma_wait3A_263 = tpu.memref_squeeze %dma_wait3A_262 : memref<1x448xi32, #tpu.memory_space<vmem>> -> memref<448xi32, #tpu.memory_space<vmem>>
        %dma_wait3A_264 = arith.constant 0 : i32
        %dma_wait3A_265 = tpu.memref_slice %arg7[%dma_wait3A_264] : memref<51200xf32, #tpu.memory_space<vmem_shared>> -> memref<51200xf32, #tpu.memory_space<vmem_shared>>
        tpu.wait_indirect_dma semaphore(%run_scoped3A_255 : memref<!tpu.dma_semaphore, #tpu.memory_space<semaphore_mem>>) src(%arg5 : memref<448xf32, #tpu.memory_space<vmem>>) dst(%dma_wait3A_265 : memref<51200xf32, #tpu.memory_space<vmem_shared>>)
        tpu.yield
      }) : () -> ()
      %lt3A_249 = arith.constant 27 : i32
      %lt3A_250 = arith.cmpi slt, %scan3A_213, %lt3A_249 : i32
      %convert_element_type3A_251 = arith.extui %lt3A_250 : i1 to i32
      %cond3A_252 = arith.constant 0 : i32
      %cond3A_253 = arith.cmpi ne, %convert_element_type3A_251, %cond3A_252 : i32
      scf.if %cond3A_253 {
        %add3A_255 = arith.constant 2 : i32
        %add3A_256 = arith.addi %add3A_235, %add3A_255 : i32
        %mul3A_257 = arith.constant 448 : i32
        %mul3A_258 = arith.muli %add3A_256, %mul3A_257 : i32
        %add3A_259 = arith.addi %mul3A_183, %mul3A_258 : i32
        %dma_start3A_260 = arith.constant 1 : i32
        %dma_start3A_261 = arith.constant 0 : i32
        %dma_start3A_262 = tpu.memref_slice %arg4[%dma_start3A_260, %dma_start3A_261] : memref<2x448xi32, #tpu.memory_space<vmem>> -> memref<1x448xi32, #tpu.memory_space<vmem>>
        %dma_start3A_263 = tpu.memref_squeeze %dma_start3A_262 : memref<1x448xi32, #tpu.memory_space<vmem>> -> memref<448xi32, #tpu.memory_space<vmem>>
        %dma_start3A_264 = tpu.memref_slice %arg2[%add3A_259] : memref<802816xi32, #tpu.memory_space<hbm>> -> memref<448xi32, #tpu.memory_space<hbm>>
        %dma_start3A_265 = arith.constant 0 : i32
        %dma_start3A_266 = tpu.memref_slice %arg4[%dma_start3A_260, %dma_start3A_265] : memref<2x448xi32, #tpu.memory_space<vmem>> -> memref<1x448xi32, #tpu.memory_space<vmem>>
        %dma_start3A_267 = tpu.memref_squeeze %dma_start3A_266 : memref<1x448xi32, #tpu.memory_space<vmem>> -> memref<448xi32, #tpu.memory_space<vmem>>
        %dma_start3A_268 = tpu.memref_slice %arg2[%add3A_259] : memref<802816xi32, #tpu.memory_space<hbm>> -> memref<448xi32, #tpu.memory_space<hbm>>
        tpu.enqueue_dma source(%dma_start3A_268 : memref<448xi32, #tpu.memory_space<hbm>>) target(%dma_start3A_267 : memref<448xi32, #tpu.memory_space<vmem>>) target_semaphore(%arg9 : memref<!tpu.dma_semaphore, #tpu.memory_space<semaphore_mem>>)
      } else {
      }
      %scan3A_254 = arith.constant 0 : i32
      scf.yield %scan3A_254 : i32
    }
    %scan3A_211 = arith.constant 28 : i32
    %barrier3A_212 = arith.constant 0 : index
    tpu.barrier barrier_id(%barrier3A_212)
    "tpu.region"() ({
      %run_scoped3A = tpu.sem_alloc : memref<!tpu.dma_semaphore, #tpu.memory_space<semaphore_mem>>
      %dma_start3A_213 = tpu.memref_slice %arg3[%arg0, %mul3A_172] : memref<2x51200xf32, #tpu.memory_space<hbm>> -> memref<1x3200xf32, #tpu.memory_space<hbm>>
      %dma_start3A_214 = tpu.memref_squeeze %dma_start3A_213 : memref<1x3200xf32, #tpu.memory_space<hbm>> -> memref<3200xf32, #tpu.memory_space<hbm>>
      %dma_start3A_215 = tpu.memref_slice %arg7[%mul3A_172] : memref<51200xf32, #tpu.memory_space<vmem_shared>> -> memref<3200xf32, #tpu.memory_space<vmem_shared>>
      tpu.enqueue_dma source(%dma_start3A_215 : memref<3200xf32, #tpu.memory_space<vmem_shared>>) target(%dma_start3A_214 : memref<3200xf32, #tpu.memory_space<hbm>>) target_semaphore(%run_scoped3A : memref<!tpu.dma_semaphore, #tpu.memory_space<semaphore_mem>>)
      %dma_wait3A = tpu.memref_slice %arg3[%arg0, %mul3A_172] : memref<2x51200xf32, #tpu.memory_space<hbm>> -> memref<1x3200xf32, #tpu.memory_space<hbm>>
      %dma_wait3A_216 = tpu.memref_squeeze %dma_wait3A : memref<1x3200xf32, #tpu.memory_space<hbm>> -> memref<3200xf32, #tpu.memory_space<hbm>>
      %dma_wait3A_217 = tpu.memref_slice %arg7[%mul3A_172] : memref<51200xf32, #tpu.memory_space<vmem_shared>> -> memref<3200xf32, #tpu.memory_space<vmem_shared>>
      tpu.wait_dma2 semaphore(%run_scoped3A : memref<!tpu.dma_semaphore, #tpu.memory_space<semaphore_mem>>) src(%dma_wait3A_217 : memref<3200xf32, #tpu.memory_space<vmem_shared>>) dst(%dma_wait3A_216 : memref<3200xf32, #tpu.memory_space<hbm>>)
      tpu.yield
    }) : () -> ()
    return
  }
}

#map = affine_map<(d0, d1) -> (0)>
#map1 = affine_map<(d0, d1) -> (0, 0, 0)>
module attributes {stable_mosaic.version = 14 : i64} {
  func.func @k(%arg0: i32, %arg1: i32, %arg2: memref<802816xi32, #tpu.memory_space<hbm>>, %arg3: memref<802816xi32, #tpu.memory_space<hbm>>, %arg4: memref<2x51200x32xf32, #tpu.memory_space<hbm>>, %arg5: memref<2x51200x32xf32, #tpu.memory_space<hbm>>, %arg6: memref<2x256xi32, #tpu.memory_space<vmem>>, %arg7: memref<2x256xi32, #tpu.memory_space<vmem>>, %arg8: memref<2x256x32xf32, #tpu.memory_space<vmem>>, %arg9: memref<200x32xf32, #tpu.memory_space<vmem>>, %arg10: memref<51200x32xf32, #tpu.memory_space<vmem_shared>>, %arg11: memref<!tpu.dma_semaphore, #tpu.memory_space<semaphore_mem>>, %arg12: memref<!tpu.dma_semaphore, #tpu.memory_space<semaphore_mem>>, %arg13: memref<!tpu.dma_semaphore, #tpu.memory_space<semaphore_mem>>, %arg14: memref<!tpu.dma_semaphore, #tpu.memory_space<semaphore_mem>>) attributes {dimension_semantics = [#tpu.dimension_semantics<core_parallel>, #tpu.dimension_semantics<subcore_parallel>], iteration_bounds = array<i64: 2, 16>, scalar_prefetch = 0 : i64, scratch_operands = 9 : i64, tpu.core_type = #tpu.core_type<sc_vector_subcore>, window_params = [{transform_indices = #map}, {transform_indices = #map}, {transform_indices = #map1}, {transform_indices = #map1}]} {
    %scan3A = arith.constant 0 : i32
    %scan3A_0 = arith.constant 0 : i32
    %scan3A_1 = arith.constant 200 : i32
    %scan3A_2 = arith.addi %scan3A_0, %scan3A_1 : i32
    %scan3A_3 = arith.constant 1 : i32
    %scan3A_4 = scf.for %scan3A_97 = %scan3A_0 to %scan3A_2 step %scan3A_3 iter_args(%scan3A_98 = %scan3A) -> (i32)  : i32 {
      %broadcast_in_dim3A = arith.constant 0.000000e+00 : f32
      %broadcast_in_dim3A_99 = vector.broadcast %broadcast_in_dim3A : f32 to vector<16xf32>
      %swap3A = arith.index_cast %scan3A_97 : i32 to index
      %swap3A_100 = arith.constant 0 : index
      %swap3A_101 = tpu.vector_load %arg9[%swap3A, %swap3A_100] {strides = array<i32>} : memref<200x32xf32, #tpu.memory_space<vmem>>, vector<1x16xf32>,
      %swap3A_102 = vector.shape_cast %swap3A_101 : vector<1x16xf32> to vector<16xf32>
      %swap3A_103 = vector.shape_cast %broadcast_in_dim3A_99 : vector<16xf32> to vector<1x16xf32>
      tpu.vector_store %arg9[%swap3A, %swap3A_100], %swap3A_103 {strides = array<i32>} : memref<200x32xf32, #tpu.memory_space<vmem>>, vector<1x16xf32>,
      %broadcast_in_dim3A_104 = arith.constant 0.000000e+00 : f32
      %broadcast_in_dim3A_105 = vector.broadcast %broadcast_in_dim3A_104 : f32 to vector<16xf32>
      %swap3A_106 = arith.index_cast %scan3A_97 : i32 to index
      %swap3A_107 = arith.constant 16 : index
      %swap3A_108 = tpu.vector_load %arg9[%swap3A_106, %swap3A_107] {strides = array<i32>} : memref<200x32xf32, #tpu.memory_space<vmem>>, vector<1x16xf32>,
      %swap3A_109 = vector.shape_cast %swap3A_108 : vector<1x16xf32> to vector<16xf32>
      %swap3A_110 = vector.shape_cast %broadcast_in_dim3A_105 : vector<16xf32> to vector<1x16xf32>
      tpu.vector_store %arg9[%swap3A_106, %swap3A_107], %swap3A_110 {strides = array<i32>} : memref<200x32xf32, #tpu.memory_space<vmem>>, vector<1x16xf32>,
      %scan3A_111 = arith.constant 0 : i32
      scf.yield %scan3A_111 : i32
    }
    %scan3A_5 = arith.constant 200 : i32
    %mul3A = arith.constant 3200 : i32
    %mul3A_6 = arith.muli %arg1, %mul3A : i32
    %scan3A_7 = arith.constant 0 : i32
    %scan3A_8 = arith.constant 0 : i32
    %scan3A_9 = arith.constant 16 : i32
    %scan3A_10 = arith.addi %scan3A_8, %scan3A_9 : i32
    %scan3A_11 = arith.constant 1 : i32
    %scan3A_12 = scf.for %scan3A_97 = %scan3A_8 to %scan3A_10 step %scan3A_11 iter_args(%scan3A_98 = %scan3A_7) -> (i32)  : i32 {
      %mul3A_99 = arith.constant 200 : i32
      %mul3A_100 = arith.muli %scan3A_97, %mul3A_99 : i32
      %add3A_101 = arith.addi %mul3A_6, %mul3A_100 : i32
      "tpu.region"() ({
        %run_scoped3A = tpu.sem_alloc : memref<!tpu.dma_semaphore, #tpu.memory_space<semaphore_mem>>
        %dma_start3A_103 = arith.constant 0 : i32
        %dma_start3A_104 = tpu.memref_slice %arg10[%add3A_101, %dma_start3A_103] : memref<51200x32xf32, #tpu.memory_space<vmem_shared>> -> memref<200x32xf32, #tpu.memory_space<vmem_shared>>
        %dma_start3A_105 = arith.constant 0 : i32
        %dma_start3A_106 = tpu.memref_slice %arg10[%add3A_101, %dma_start3A_105] : memref<51200x32xf32, #tpu.memory_space<vmem_shared>> -> memref<200x32xf32, #tpu.memory_space<vmem_shared>>
        tpu.enqueue_dma source(%arg9 : memref<200x32xf32, #tpu.memory_space<vmem>>) target(%dma_start3A_106 : memref<200x32xf32, #tpu.memory_space<vmem_shared>>) target_semaphore(%run_scoped3A : memref<!tpu.dma_semaphore, #tpu.memory_space<semaphore_mem>>)
        %dma_wait3A_107 = arith.constant 0 : i32
        %dma_wait3A_108 = tpu.memref_slice %arg10[%add3A_101, %dma_wait3A_107] : memref<51200x32xf32, #tpu.memory_space<vmem_shared>> -> memref<200x32xf32, #tpu.memory_space<vmem_shared>>
        %dma_wait3A_109 = arith.constant 0 : i32
        %dma_wait3A_110 = tpu.memref_slice %arg10[%add3A_101, %dma_wait3A_109] : memref<51200x32xf32, #tpu.memory_space<vmem_shared>> -> memref<200x32xf32, #tpu.memory_space<vmem_shared>>
        tpu.wait_dma2 semaphore(%run_scoped3A : memref<!tpu.dma_semaphore, #tpu.memory_space<semaphore_mem>>) src(%arg9 : memref<200x32xf32, #tpu.memory_space<vmem>>) dst(%dma_wait3A_110 : memref<200x32xf32, #tpu.memory_space<vmem_shared>>)
        tpu.yield
      }) : () -> ()
      %scan3A_102 = arith.constant 0 : i32
      scf.yield %scan3A_102 : i32
    }
    %scan3A_13 = arith.constant 16 : i32
    %barrier3A = arith.constant 0 : index
    tpu.barrier barrier_id(%barrier3A)
    %mul3A_14 = arith.constant 50176 : i32
    %mul3A_15 = arith.muli %arg1, %mul3A_14 : i32
    %add3A = arith.constant 0 : i32
    %add3A_16 = arith.addi %mul3A_15, %add3A : i32
    %dma_start3A = arith.constant 0 : i32
    %dma_start3A_17 = arith.constant 0 : i32
    %dma_start3A_18 = tpu.memref_slice %arg6[%dma_start3A, %dma_start3A_17] : memref<2x256xi32, #tpu.memory_space<vmem>> -> memref<1x256xi32, #tpu.memory_space<vmem>>
    %dma_start3A_19 = tpu.memref_squeeze %dma_start3A_18 : memref<1x256xi32, #tpu.memory_space<vmem>> -> memref<256xi32, #tpu.memory_space<vmem>>
    %dma_start3A_20 = tpu.memref_slice %arg2[%add3A_16] : memref<802816xi32, #tpu.memory_space<hbm>> -> memref<256xi32, #tpu.memory_space<hbm>>
    %dma_start3A_21 = arith.constant 0 : i32
    %dma_start3A_22 = tpu.memref_slice %arg6[%dma_start3A, %dma_start3A_21] : memref<2x256xi32, #tpu.memory_space<vmem>> -> memref<1x256xi32, #tpu.memory_space<vmem>>
    %dma_start3A_23 = tpu.memref_squeeze %dma_start3A_22 : memref<1x256xi32, #tpu.memory_space<vmem>> -> memref<256xi32, #tpu.memory_space<vmem>>
    %dma_start3A_24 = tpu.memref_slice %arg2[%add3A_16] : memref<802816xi32, #tpu.memory_space<hbm>> -> memref<256xi32, #tpu.memory_space<hbm>>
    tpu.enqueue_dma source(%dma_start3A_24 : memref<256xi32, #tpu.memory_space<hbm>>) target(%dma_start3A_23 : memref<256xi32, #tpu.memory_space<vmem>>) target_semaphore(%arg13 : memref<!tpu.dma_semaphore, #tpu.memory_space<semaphore_mem>>)
    %dma_start3A_25 = arith.constant 0 : i32
    %dma_start3A_26 = arith.constant 0 : i32
    %dma_start3A_27 = tpu.memref_slice %arg7[%dma_start3A_25, %dma_start3A_26] : memref<2x256xi32, #tpu.memory_space<vmem>> -> memref<1x256xi32, #tpu.memory_space<vmem>>
    %dma_start3A_28 = tpu.memref_squeeze %dma_start3A_27 : memref<1x256xi32, #tpu.memory_space<vmem>> -> memref<256xi32, #tpu.memory_space<vmem>>
    %dma_start3A_29 = tpu.memref_slice %arg3[%add3A_16] : memref<802816xi32, #tpu.memory_space<hbm>> -> memref<256xi32, #tpu.memory_space<hbm>>
    %dma_start3A_30 = arith.constant 0 : i32
    %dma_start3A_31 = tpu.memref_slice %arg7[%dma_start3A_25, %dma_start3A_30] : memref<2x256xi32, #tpu.memory_space<vmem>> -> memref<1x256xi32, #tpu.memory_space<vmem>>
    %dma_start3A_32 = tpu.memref_squeeze %dma_start3A_31 : memref<1x256xi32, #tpu.memory_space<vmem>> -> memref<256xi32, #tpu.memory_space<vmem>>
    %dma_start3A_33 = tpu.memref_slice %arg3[%add3A_16] : memref<802816xi32, #tpu.memory_space<hbm>> -> memref<256xi32, #tpu.memory_space<hbm>>
    tpu.enqueue_dma source(%dma_start3A_33 : memref<256xi32, #tpu.memory_space<hbm>>) target(%dma_start3A_32 : memref<256xi32, #tpu.memory_space<vmem>>) target_semaphore(%arg13 : memref<!tpu.dma_semaphore, #tpu.memory_space<semaphore_mem>>)
    %add3A_34 = arith.constant 256 : i32
    %add3A_35 = arith.addi %mul3A_15, %add3A_34 : i32
    %dma_start3A_36 = arith.constant 1 : i32
    %dma_start3A_37 = arith.constant 0 : i32
    %dma_start3A_38 = tpu.memref_slice %arg6[%dma_start3A_36, %dma_start3A_37] : memref<2x256xi32, #tpu.memory_space<vmem>> -> memref<1x256xi32, #tpu.memory_space<vmem>>
    %dma_start3A_39 = tpu.memref_squeeze %dma_start3A_38 : memref<1x256xi32, #tpu.memory_space<vmem>> -> memref<256xi32, #tpu.memory_space<vmem>>
    %dma_start3A_40 = tpu.memref_slice %arg2[%add3A_35] : memref<802816xi32, #tpu.memory_space<hbm>> -> memref<256xi32, #tpu.memory_space<hbm>>
    %dma_start3A_41 = arith.constant 0 : i32
    %dma_start3A_42 = tpu.memref_slice %arg6[%dma_start3A_36, %dma_start3A_41] : memref<2x256xi32, #tpu.memory_space<vmem>> -> memref<1x256xi32, #tpu.memory_space<vmem>>
    %dma_start3A_43 = tpu.memref_squeeze %dma_start3A_42 : memref<1x256xi32, #tpu.memory_space<vmem>> -> memref<256xi32, #tpu.memory_space<vmem>>
    %dma_start3A_44 = tpu.memref_slice %arg2[%add3A_35] : memref<802816xi32, #tpu.memory_space<hbm>> -> memref<256xi32, #tpu.memory_space<hbm>>
    tpu.enqueue_dma source(%dma_start3A_44 : memref<256xi32, #tpu.memory_space<hbm>>) target(%dma_start3A_43 : memref<256xi32, #tpu.memory_space<vmem>>) target_semaphore(%arg14 : memref<!tpu.dma_semaphore, #tpu.memory_space<semaphore_mem>>)
    %dma_start3A_45 = arith.constant 1 : i32
    %dma_start3A_46 = arith.constant 0 : i32
    %dma_start3A_47 = tpu.memref_slice %arg7[%dma_start3A_45, %dma_start3A_46] : memref<2x256xi32, #tpu.memory_space<vmem>> -> memref<1x256xi32, #tpu.memory_space<vmem>>
    %dma_start3A_48 = tpu.memref_squeeze %dma_start3A_47 : memref<1x256xi32, #tpu.memory_space<vmem>> -> memref<256xi32, #tpu.memory_space<vmem>>
    %dma_start3A_49 = tpu.memref_slice %arg3[%add3A_35] : memref<802816xi32, #tpu.memory_space<hbm>> -> memref<256xi32, #tpu.memory_space<hbm>>
    %dma_start3A_50 = arith.constant 0 : i32
    %dma_start3A_51 = tpu.memref_slice %arg7[%dma_start3A_45, %dma_start3A_50] : memref<2x256xi32, #tpu.memory_space<vmem>> -> memref<1x256xi32, #tpu.memory_space<vmem>>
    %dma_start3A_52 = tpu.memref_squeeze %dma_start3A_51 : memref<1x256xi32, #tpu.memory_space<vmem>> -> memref<256xi32, #tpu.memory_space<vmem>>
    %dma_start3A_53 = tpu.memref_slice %arg3[%add3A_35] : memref<802816xi32, #tpu.memory_space<hbm>> -> memref<256xi32, #tpu.memory_space<hbm>>
    tpu.enqueue_dma source(%dma_start3A_53 : memref<256xi32, #tpu.memory_space<hbm>>) target(%dma_start3A_52 : memref<256xi32, #tpu.memory_space<vmem>>) target_semaphore(%arg14 : memref<!tpu.dma_semaphore, #tpu.memory_space<semaphore_mem>>)
    %add3A_54 = arith.constant 0 : i32
    %add3A_55 = arith.addi %mul3A_15, %add3A_54 : i32
    %dma_wait3A = arith.constant 0 : i32
    %dma_wait3A_56 = arith.constant 0 : i32
    %dma_wait3A_57 = tpu.memref_slice %arg6[%dma_wait3A, %dma_wait3A_56] : memref<2x256xi32, #tpu.memory_space<vmem>> -> memref<1x256xi32, #tpu.memory_space<vmem>>
    %dma_wait3A_58 = tpu.memref_squeeze %dma_wait3A_57 : memref<1x256xi32, #tpu.memory_space<vmem>> -> memref<256xi32, #tpu.memory_space<vmem>>
    %dma_wait3A_59 = tpu.memref_slice %arg2[%add3A_55] : memref<802816xi32, #tpu.memory_space<hbm>> -> memref<256xi32, #tpu.memory_space<hbm>>
    %dma_wait3A_60 = arith.constant 0 : i32
    %dma_wait3A_61 = tpu.memref_slice %arg6[%dma_wait3A, %dma_wait3A_60] : memref<2x256xi32, #tpu.memory_space<vmem>> -> memref<1x256xi32, #tpu.memory_space<vmem>>
    %dma_wait3A_62 = tpu.memref_squeeze %dma_wait3A_61 : memref<1x256xi32, #tpu.memory_space<vmem>> -> memref<256xi32, #tpu.memory_space<vmem>>
    %dma_wait3A_63 = tpu.memref_slice %arg2[%add3A_55] : memref<802816xi32, #tpu.memory_space<hbm>> -> memref<256xi32, #tpu.memory_space<hbm>>
    tpu.wait_dma2 semaphore(%arg13 : memref<!tpu.dma_semaphore, #tpu.memory_space<semaphore_mem>>) src(%dma_wait3A_63 : memref<256xi32, #tpu.memory_space<hbm>>) dst(%dma_wait3A_62 : memref<256xi32, #tpu.memory_space<vmem>>)
    %dma_wait3A_64 = arith.constant 0 : i32
    %dma_wait3A_65 = arith.constant 0 : i32
    %dma_wait3A_66 = tpu.memref_slice %arg7[%dma_wait3A_64, %dma_wait3A_65] : memref<2x256xi32, #tpu.memory_space<vmem>> -> memref<1x256xi32, #tpu.memory_space<vmem>>
    %dma_wait3A_67 = tpu.memref_squeeze %dma_wait3A_66 : memref<1x256xi32, #tpu.memory_space<vmem>> -> memref<256xi32, #tpu.memory_space<vmem>>
    %dma_wait3A_68 = tpu.memref_slice %arg3[%add3A_55] : memref<802816xi32, #tpu.memory_space<hbm>> -> memref<256xi32, #tpu.memory_space<hbm>>
    %dma_wait3A_69 = arith.constant 0 : i32
    %dma_wait3A_70 = tpu.memref_slice %arg7[%dma_wait3A_64, %dma_wait3A_69] : memref<2x256xi32, #tpu.memory_space<vmem>> -> memref<1x256xi32, #tpu.memory_space<vmem>>
    %dma_wait3A_71 = tpu.memref_squeeze %dma_wait3A_70 : memref<1x256xi32, #tpu.memory_space<vmem>> -> memref<256xi32, #tpu.memory_space<vmem>>
    %dma_wait3A_72 = tpu.memref_slice %arg3[%add3A_55] : memref<802816xi32, #tpu.memory_space<hbm>> -> memref<256xi32, #tpu.memory_space<hbm>>
    tpu.wait_dma2 semaphore(%arg13 : memref<!tpu.dma_semaphore, #tpu.memory_space<semaphore_mem>>) src(%dma_wait3A_72 : memref<256xi32, #tpu.memory_space<hbm>>) dst(%dma_wait3A_71 : memref<256xi32, #tpu.memory_space<vmem>>)
    %dma_start3A_73 = arith.constant 0 : i32
    %dma_start3A_74 = arith.constant 0 : i32
    %dma_start3A_75 = arith.constant 0 : i32
    %dma_start3A_76 = arith.constant 0 : i32
    %dma_start3A_77 = tpu.memref_slice %arg8[%dma_start3A_74, %dma_start3A_75, %dma_start3A_76] : memref<2x256x32xf32, #tpu.memory_space<vmem>> -> memref<1x256x32xf32, #tpu.memory_space<vmem>>
    %dma_start3A_78 = tpu.memref_squeeze %dma_start3A_77 : memref<1x256x32xf32, #tpu.memory_space<vmem>> -> memref<256x32xf32, #tpu.memory_space<vmem>>
    %dma_start3A_79 = arith.constant 0 : i32
    %dma_start3A_80 = tpu.memref_slice %arg6[%dma_start3A_73, %dma_start3A_79] : memref<2x256xi32, #tpu.memory_space<vmem>> -> memref<1x256xi32, #tpu.memory_space<vmem>>
    %dma_start3A_81 = tpu.memref_squeeze %dma_start3A_80 : memref<1x256xi32, #tpu.memory_space<vmem>> -> memref<256xi32, #tpu.memory_space<vmem>>
    %dma_start3A_82 = arith.constant 0 : i32
    %dma_start3A_83 = arith.constant 0 : i32
    %dma_start3A_84 = tpu.memref_slice %arg4[%arg0, %dma_start3A_82, %dma_start3A_83] : memref<2x51200x32xf32, #tpu.memory_space<hbm>> -> memref<1x51200x32xf32, #tpu.memory_space<hbm>>
    %dma_start3A_85 = tpu.memref_squeeze %dma_start3A_84 : memref<1x51200x32xf32, #tpu.memory_space<hbm>> -> memref<51200x32xf32, #tpu.memory_space<hbm>>
    %dma_start3A_86 = arith.constant 0 : i32
    %dma_start3A_87 = arith.constant 0 : i32
    %dma_start3A_88 = tpu.memref_slice %dma_start3A_85[%dma_start3A_86, %dma_start3A_87] : memref<51200x32xf32, #tpu.memory_space<hbm>> -> memref<51200x32xf32, #tpu.memory_space<hbm>>
    tpu.enqueue_indirect_dma source(%dma_start3A_88 : memref<51200x32xf32, #tpu.memory_space<hbm>>) target(%dma_start3A_78 : memref<256x32xf32, #tpu.memory_space<vmem>>) offsets(%dma_start3A_81 : memref<256xi32, #tpu.memory_space<vmem>>) semaphore(%arg11 : memref<!tpu.dma_semaphore, #tpu.memory_space<semaphore_mem>>)
    %scan3A_89 = arith.constant 0 : i32
    %scan3A_90 = arith.constant 0 : i32
    %scan3A_91 = arith.constant 98 : i32
    %scan3A_92 = arith.addi %scan3A_90, %scan3A_91 : i32
    %scan3A_93 = arith.constant 1 : i32
    %scan3A_94 = scf.for %scan3A_97 = %scan3A_90 to %scan3A_92 step %scan3A_93 iter_args(%scan3A_98 = %scan3A_89) -> (i32)  : i32 {
      %mul3A_99 = arith.constant 2 : i32
      %mul3A_100 = arith.muli %mul3A_99, %scan3A_97 : i32
      %add3A_101 = arith.constant 0 : i32
      %add3A_102 = arith.addi %mul3A_100, %add3A_101 : i32
      %dma_wait3A_103 = arith.constant 0 : i32
      %dma_wait3A_104 = arith.constant 0 : i32
      %dma_wait3A_105 = arith.constant 0 : i32
      %dma_wait3A_106 = arith.constant 0 : i32
      %dma_wait3A_107 = tpu.memref_slice %arg8[%dma_wait3A_104, %dma_wait3A_105, %dma_wait3A_106] : memref<2x256x32xf32, #tpu.memory_space<vmem>> -> memref<1x256x32xf32, #tpu.memory_space<vmem>>
      %dma_wait3A_108 = tpu.memref_squeeze %dma_wait3A_107 : memref<1x256x32xf32, #tpu.memory_space<vmem>> -> memref<256x32xf32, #tpu.memory_space<vmem>>
      %dma_wait3A_109 = arith.constant 0 : i32
      %dma_wait3A_110 = tpu.memref_slice %arg6[%dma_wait3A_103, %dma_wait3A_109] : memref<2x256xi32, #tpu.memory_space<vmem>> -> memref<1x256xi32, #tpu.memory_space<vmem>>
      %dma_wait3A_111 = tpu.memref_squeeze %dma_wait3A_110 : memref<1x256xi32, #tpu.memory_space<vmem>> -> memref<256xi32, #tpu.memory_space<vmem>>
      %dma_wait3A_112 = arith.constant 0 : i32
      %dma_wait3A_113 = arith.constant 0 : i32
      %dma_wait3A_114 = tpu.memref_slice %arg4[%arg0, %dma_wait3A_112, %dma_wait3A_113] : memref<2x51200x32xf32, #tpu.memory_space<hbm>> -> memref<1x51200x32xf32, #tpu.memory_space<hbm>>
      %dma_wait3A_115 = tpu.memref_squeeze %dma_wait3A_114 : memref<1x51200x32xf32, #tpu.memory_space<hbm>> -> memref<51200x32xf32, #tpu.memory_space<hbm>>
      %dma_wait3A_116 = arith.constant 0 : i32
      %dma_wait3A_117 = arith.constant 0 : i32
      %dma_wait3A_118 = tpu.memref_slice %dma_wait3A_115[%dma_wait3A_116, %dma_wait3A_117] : memref<51200x32xf32, #tpu.memory_space<hbm>> -> memref<51200x32xf32, #tpu.memory_space<hbm>>
      tpu.wait_indirect_dma semaphore(%arg11 : memref<!tpu.dma_semaphore, #tpu.memory_space<semaphore_mem>>) src(%dma_wait3A_118 : memref<51200x32xf32, #tpu.memory_space<hbm>>) dst(%dma_wait3A_108 : memref<256x32xf32, #tpu.memory_space<vmem>>)
      %add3A_119 = arith.constant 1 : i32
      %add3A_120 = arith.addi %add3A_102, %add3A_119 : i32
      %mul3A_121 = arith.constant 256 : i32
      %mul3A_122 = arith.muli %add3A_120, %mul3A_121 : i32
      %add3A_123 = arith.addi %mul3A_15, %mul3A_122 : i32
      %dma_wait3A_124 = arith.constant 1 : i32
      %dma_wait3A_125 = arith.constant 0 : i32
      %dma_wait3A_126 = tpu.memref_slice %arg6[%dma_wait3A_124, %dma_wait3A_125] : memref<2x256xi32, #tpu.memory_space<vmem>> -> memref<1x256xi32, #tpu.memory_space<vmem>>
      %dma_wait3A_127 = tpu.memref_squeeze %dma_wait3A_126 : memref<1x256xi32, #tpu.memory_space<vmem>> -> memref<256xi32, #tpu.memory_space<vmem>>
      %dma_wait3A_128 = tpu.memref_slice %arg2[%add3A_123] : memref<802816xi32, #tpu.memory_space<hbm>> -> memref<256xi32, #tpu.memory_space<hbm>>
      %dma_wait3A_129 = arith.constant 0 : i32
      %dma_wait3A_130 = tpu.memref_slice %arg6[%dma_wait3A_124, %dma_wait3A_129] : memref<2x256xi32, #tpu.memory_space<vmem>> -> memref<1x256xi32, #tpu.memory_space<vmem>>
      %dma_wait3A_131 = tpu.memref_squeeze %dma_wait3A_130 : memref<1x256xi32, #tpu.memory_space<vmem>> -> memref<256xi32, #tpu.memory_space<vmem>>
      %dma_wait3A_132 = tpu.memref_slice %arg2[%add3A_123] : memref<802816xi32, #tpu.memory_space<hbm>> -> memref<256xi32, #tpu.memory_space<hbm>>
      tpu.wait_dma2 semaphore(%arg14 : memref<!tpu.dma_semaphore, #tpu.memory_space<semaphore_mem>>) src(%dma_wait3A_132 : memref<256xi32, #tpu.memory_space<hbm>>) dst(%dma_wait3A_131 : memref<256xi32, #tpu.memory_space<vmem>>)
      %dma_wait3A_133 = arith.constant 1 : i32
      %dma_wait3A_134 = arith.constant 0 : i32
      %dma_wait3A_135 = tpu.memref_slice %arg7[%dma_wait3A_133, %dma_wait3A_134] : memref<2x256xi32, #tpu.memory_space<vmem>> -> memref<1x256xi32, #tpu.memory_space<vmem>>
      %dma_wait3A_136 = tpu.memref_squeeze %dma_wait3A_135 : memref<1x256xi32, #tpu.memory_space<vmem>> -> memref<256xi32, #tpu.memory_space<vmem>>
      %dma_wait3A_137 = tpu.memref_slice %arg3[%add3A_123] : memref<802816xi32, #tpu.memory_space<hbm>> -> memref<256xi32, #tpu.memory_space<hbm>>
      %dma_wait3A_138 = arith.constant 0 : i32
      %dma_wait3A_139 = tpu.memref_slice %arg7[%dma_wait3A_133, %dma_wait3A_138] : memref<2x256xi32, #tpu.memory_space<vmem>> -> memref<1x256xi32, #tpu.memory_space<vmem>>
      %dma_wait3A_140 = tpu.memref_squeeze %dma_wait3A_139 : memref<1x256xi32, #tpu.memory_space<vmem>> -> memref<256xi32, #tpu.memory_space<vmem>>
      %dma_wait3A_141 = tpu.memref_slice %arg3[%add3A_123] : memref<802816xi32, #tpu.memory_space<hbm>> -> memref<256xi32, #tpu.memory_space<hbm>>
      tpu.wait_dma2 semaphore(%arg14 : memref<!tpu.dma_semaphore, #tpu.memory_space<semaphore_mem>>) src(%dma_wait3A_141 : memref<256xi32, #tpu.memory_space<hbm>>) dst(%dma_wait3A_140 : memref<256xi32, #tpu.memory_space<vmem>>)
      %dma_start3A_142 = arith.constant 1 : i32
      %dma_start3A_143 = arith.constant 1 : i32
      %dma_start3A_144 = arith.constant 0 : i32
      %dma_start3A_145 = arith.constant 0 : i32
      %dma_start3A_146 = tpu.memref_slice %arg8[%dma_start3A_143, %dma_start3A_144, %dma_start3A_145] : memref<2x256x32xf32, #tpu.memory_space<vmem>> -> memref<1x256x32xf32, #tpu.memory_space<vmem>>
      %dma_start3A_147 = tpu.memref_squeeze %dma_start3A_146 : memref<1x256x32xf32, #tpu.memory_space<vmem>> -> memref<256x32xf32, #tpu.memory_space<vmem>>
      %dma_start3A_148 = arith.constant 0 : i32
      %dma_start3A_149 = tpu.memref_slice %arg6[%dma_start3A_142, %dma_start3A_148] : memref<2x256xi32, #tpu.memory_space<vmem>> -> memref<1x256xi32, #tpu.memory_space<vmem>>
      %dma_start3A_150 = tpu.memref_squeeze %dma_start3A_149 : memref<1x256xi32, #tpu.memory_space<vmem>> -> memref<256xi32, #tpu.memory_space<vmem>>
      %dma_start3A_151 = arith.constant 0 : i32
      %dma_start3A_152 = arith.constant 0 : i32
      %dma_start3A_153 = tpu.memref_slice %arg4[%arg0, %dma_start3A_151, %dma_start3A_152] : memref<2x51200x32xf32, #tpu.memory_space<hbm>> -> memref<1x51200x32xf32, #tpu.memory_space<hbm>>
      %dma_start3A_154 = tpu.memref_squeeze %dma_start3A_153 : memref<1x51200x32xf32, #tpu.memory_space<hbm>> -> memref<51200x32xf32, #tpu.memory_space<hbm>>
      %dma_start3A_155 = arith.constant 0 : i32
      %dma_start3A_156 = arith.constant 0 : i32
      %dma_start3A_157 = tpu.memref_slice %dma_start3A_154[%dma_start3A_155, %dma_start3A_156] : memref<51200x32xf32, #tpu.memory_space<hbm>> -> memref<51200x32xf32, #tpu.memory_space<hbm>>
      tpu.enqueue_indirect_dma source(%dma_start3A_157 : memref<51200x32xf32, #tpu.memory_space<hbm>>) target(%dma_start3A_147 : memref<256x32xf32, #tpu.memory_space<vmem>>) offsets(%dma_start3A_150 : memref<256xi32, #tpu.memory_space<vmem>>) semaphore(%arg12 : memref<!tpu.dma_semaphore, #tpu.memory_space<semaphore_mem>>)
      %run_scoped3A = arith.constant 0 : i32
      %run_scoped3A_158 = arith.constant 0 : i32
      "tpu.region"() ({
        %run_scoped3A_194 = tpu.sem_alloc : memref<!tpu.dma_semaphore, #tpu.memory_space<semaphore_mem>>
        %dma_start3A_195 = arith.constant 0 : i32
        %dma_start3A_196 = arith.constant 0 : i32
        %dma_start3A_197 = tpu.memref_slice %arg8[%run_scoped3A, %dma_start3A_195, %dma_start3A_196] : memref<2x256x32xf32, #tpu.memory_space<vmem>> -> memref<1x256x32xf32, #tpu.memory_space<vmem>>
        %dma_start3A_198 = tpu.memref_squeeze %dma_start3A_197 : memref<1x256x32xf32, #tpu.memory_space<vmem>> -> memref<256x32xf32, #tpu.memory_space<vmem>>
        %dma_start3A_199 = arith.constant 0 : i32
        %dma_start3A_200 = tpu.memref_slice %arg7[%run_scoped3A_158, %dma_start3A_199] : memref<2x256xi32, #tpu.memory_space<vmem>> -> memref<1x256xi32, #tpu.memory_space<vmem>>
        %dma_start3A_201 = tpu.memref_squeeze %dma_start3A_200 : memref<1x256xi32, #tpu.memory_space<vmem>> -> memref<256xi32, #tpu.memory_space<vmem>>
        %dma_start3A_202 = arith.constant 0 : i32
        %dma_start3A_203 = arith.constant 0 : i32
        %dma_start3A_204 = tpu.memref_slice %arg10[%dma_start3A_202, %dma_start3A_203] : memref<51200x32xf32, #tpu.memory_space<vmem_shared>> -> memref<51200x32xf32, #tpu.memory_space<vmem_shared>>
        tpu.enqueue_indirect_dma source(%dma_start3A_198 : memref<256x32xf32, #tpu.memory_space<vmem>>) target(%dma_start3A_204 : memref<51200x32xf32, #tpu.memory_space<vmem_shared>>) offsets(%dma_start3A_201 : memref<256xi32, #tpu.memory_space<vmem>>) semaphore(%run_scoped3A_194 : memref<!tpu.dma_semaphore, #tpu.memory_space<semaphore_mem>>) {add = true}
        %dma_wait3A_205 = arith.constant 0 : i32
        %dma_wait3A_206 = arith.constant 0 : i32
        %dma_wait3A_207 = tpu.memref_slice %arg8[%run_scoped3A, %dma_wait3A_205, %dma_wait3A_206] : memref<2x256x32xf32, #tpu.memory_space<vmem>> -> memref<1x256x32xf32, #tpu.memory_space<vmem>>
        %dma_wait3A_208 = tpu.memref_squeeze %dma_wait3A_207 : memref<1x256x32xf32, #tpu.memory_space<vmem>> -> memref<256x32xf32, #tpu.memory_space<vmem>>
        %dma_wait3A_209 = arith.constant 0 : i32
        %dma_wait3A_210 = tpu.memref_slice %arg7[%run_scoped3A_158, %dma_wait3A_209] : memref<2x256xi32, #tpu.memory_space<vmem>> -> memref<1x256xi32, #tpu.memory_space<vmem>>
        %dma_wait3A_211 = tpu.memref_squeeze %dma_wait3A_210 : memref<1x256xi32, #tpu.memory_space<vmem>> -> memref<256xi32, #tpu.memory_space<vmem>>
        %dma_wait3A_212 = arith.constant 0 : i32
        %dma_wait3A_213 = arith.constant 0 : i32
        %dma_wait3A_214 = tpu.memref_slice %arg10[%dma_wait3A_212, %dma_wait3A_213] : memref<51200x32xf32, #tpu.memory_space<vmem_shared>> -> memref<51200x32xf32, #tpu.memory_space<vmem_shared>>
        tpu.wait_indirect_dma semaphore(%run_scoped3A_194 : memref<!tpu.dma_semaphore, #tpu.memory_space<semaphore_mem>>) src(%dma_wait3A_208 : memref<256x32xf32, #tpu.memory_space<vmem>>) dst(%dma_wait3A_214 : memref<51200x32xf32, #tpu.memory_space<vmem_shared>>)
        tpu.yield
      }) : () -> ()
      %lt3A = arith.constant 97 : i32
      %lt3A_159 = arith.cmpi slt, %scan3A_97, %lt3A : i32
      %convert_element_type3A = arith.extui %lt3A_159 : i1 to i32
      %cond3A = arith.constant 0 : i32
      %cond3A_160 = arith.cmpi ne, %convert_element_type3A, %cond3A : i32
      scf.if %cond3A_160 {
        %add3A_194 = arith.constant 2 : i32
        %add3A_195 = arith.addi %add3A_102, %add3A_194 : i32
        %mul3A_196 = arith.constant 256 : i32
        %mul3A_197 = arith.muli %add3A_195, %mul3A_196 : i32
        %add3A_198 = arith.addi %mul3A_15, %mul3A_197 : i32
        %dma_start3A_199 = arith.constant 0 : i32
        %dma_start3A_200 = arith.constant 0 : i32
        %dma_start3A_201 = tpu.memref_slice %arg6[%dma_start3A_199, %dma_start3A_200] : memref<2x256xi32, #tpu.memory_space<vmem>> -> memref<1x256xi32, #tpu.memory_space<vmem>>
        %dma_start3A_202 = tpu.memref_squeeze %dma_start3A_201 : memref<1x256xi32, #tpu.memory_space<vmem>> -> memref<256xi32, #tpu.memory_space<vmem>>
        %dma_start3A_203 = tpu.memref_slice %arg2[%add3A_198] : memref<802816xi32, #tpu.memory_space<hbm>> -> memref<256xi32, #tpu.memory_space<hbm>>
        %dma_start3A_204 = arith.constant 0 : i32
        %dma_start3A_205 = tpu.memref_slice %arg6[%dma_start3A_199, %dma_start3A_204] : memref<2x256xi32, #tpu.memory_space<vmem>> -> memref<1x256xi32, #tpu.memory_space<vmem>>
        %dma_start3A_206 = tpu.memref_squeeze %dma_start3A_205 : memref<1x256xi32, #tpu.memory_space<vmem>> -> memref<256xi32, #tpu.memory_space<vmem>>
        %dma_start3A_207 = tpu.memref_slice %arg2[%add3A_198] : memref<802816xi32, #tpu.memory_space<hbm>> -> memref<256xi32, #tpu.memory_space<hbm>>
        tpu.enqueue_dma source(%dma_start3A_207 : memref<256xi32, #tpu.memory_space<hbm>>) target(%dma_start3A_206 : memref<256xi32, #tpu.memory_space<vmem>>) target_semaphore(%arg13 : memref<!tpu.dma_semaphore, #tpu.memory_space<semaphore_mem>>)
        %dma_start3A_208 = arith.constant 0 : i32
        %dma_start3A_209 = arith.constant 0 : i32
        %dma_start3A_210 = tpu.memref_slice %arg7[%dma_start3A_208, %dma_start3A_209] : memref<2x256xi32, #tpu.memory_space<vmem>> -> memref<1x256xi32, #tpu.memory_space<vmem>>
        %dma_start3A_211 = tpu.memref_squeeze %dma_start3A_210 : memref<1x256xi32, #tpu.memory_space<vmem>> -> memref<256xi32, #tpu.memory_space<vmem>>
        %dma_start3A_212 = tpu.memref_slice %arg3[%add3A_198] : memref<802816xi32, #tpu.memory_space<hbm>> -> memref<256xi32, #tpu.memory_space<hbm>>
        %dma_start3A_213 = arith.constant 0 : i32
        %dma_start3A_214 = tpu.memref_slice %arg7[%dma_start3A_208, %dma_start3A_213] : memref<2x256xi32, #tpu.memory_space<vmem>> -> memref<1x256xi32, #tpu.memory_space<vmem>>
        %dma_start3A_215 = tpu.memref_squeeze %dma_start3A_214 : memref<1x256xi32, #tpu.memory_space<vmem>> -> memref<256xi32, #tpu.memory_space<vmem>>
        %dma_start3A_216 = tpu.memref_slice %arg3[%add3A_198] : memref<802816xi32, #tpu.memory_space<hbm>> -> memref<256xi32, #tpu.memory_space<hbm>>
        tpu.enqueue_dma source(%dma_start3A_216 : memref<256xi32, #tpu.memory_space<hbm>>) target(%dma_start3A_215 : memref<256xi32, #tpu.memory_space<vmem>>) target_semaphore(%arg13 : memref<!tpu.dma_semaphore, #tpu.memory_space<semaphore_mem>>)
      } else {
      }
      %mul3A_161 = arith.constant 2 : i32
      %mul3A_162 = arith.muli %mul3A_161, %scan3A_97 : i32
      %add3A_163 = arith.constant 1 : i32
      %add3A_164 = arith.addi %mul3A_162, %add3A_163 : i32
      %dma_wait3A_165 = arith.constant 1 : i32
      %dma_wait3A_166 = arith.constant 1 : i32
      %dma_wait3A_167 = arith.constant 0 : i32
      %dma_wait3A_168 = arith.constant 0 : i32
      %dma_wait3A_169 = tpu.memref_slice %arg8[%dma_wait3A_166, %dma_wait3A_167, %dma_wait3A_168] : memref<2x256x32xf32, #tpu.memory_space<vmem>> -> memref<1x256x32xf32, #tpu.memory_space<vmem>>
      %dma_wait3A_170 = tpu.memref_squeeze %dma_wait3A_169 : memref<1x256x32xf32, #tpu.memory_space<vmem>> -> memref<256x32xf32, #tpu.memory_space<vmem>>
      %dma_wait3A_171 = arith.constant 0 : i32
      %dma_wait3A_172 = tpu.memref_slice %arg6[%dma_wait3A_165, %dma_wait3A_171] : memref<2x256xi32, #tpu.memory_space<vmem>> -> memref<1x256xi32, #tpu.memory_space<vmem>>
      %dma_wait3A_173 = tpu.memref_squeeze %dma_wait3A_172 : memref<1x256xi32, #tpu.memory_space<vmem>> -> memref<256xi32, #tpu.memory_space<vmem>>
      %dma_wait3A_174 = arith.constant 0 : i32
      %dma_wait3A_175 = arith.constant 0 : i32
      %dma_wait3A_176 = tpu.memref_slice %arg4[%arg0, %dma_wait3A_174, %dma_wait3A_175] : memref<2x51200x32xf32, #tpu.memory_space<hbm>> -> memref<1x51200x32xf32, #tpu.memory_space<hbm>>
      %dma_wait3A_177 = tpu.memref_squeeze %dma_wait3A_176 : memref<1x51200x32xf32, #tpu.memory_space<hbm>> -> memref<51200x32xf32, #tpu.memory_space<hbm>>
      %dma_wait3A_178 = arith.constant 0 : i32
      %dma_wait3A_179 = arith.constant 0 : i32
      %dma_wait3A_180 = tpu.memref_slice %dma_wait3A_177[%dma_wait3A_178, %dma_wait3A_179] : memref<51200x32xf32, #tpu.memory_space<hbm>> -> memref<51200x32xf32, #tpu.memory_space<hbm>>
      tpu.wait_indirect_dma semaphore(%arg12 : memref<!tpu.dma_semaphore, #tpu.memory_space<semaphore_mem>>) src(%dma_wait3A_180 : memref<51200x32xf32, #tpu.memory_space<hbm>>) dst(%dma_wait3A_170 : memref<256x32xf32, #tpu.memory_space<vmem>>)
      %lt3A_181 = arith.constant 97 : i32
      %lt3A_182 = arith.cmpi slt, %scan3A_97, %lt3A_181 : i32
      %convert_element_type3A_183 = arith.extui %lt3A_182 : i1 to i32
      %cond3A_184 = arith.constant 0 : i32
      %cond3A_185 = arith.cmpi ne, %convert_element_type3A_183, %cond3A_184 : i32
      scf.if %cond3A_185 {
        %add3A_194 = arith.constant 1 : i32
        %add3A_195 = arith.addi %add3A_164, %add3A_194 : i32
        %mul3A_196 = arith.constant 256 : i32
        %mul3A_197 = arith.muli %add3A_195, %mul3A_196 : i32
        %add3A_198 = arith.addi %mul3A_15, %mul3A_197 : i32
        %dma_wait3A_199 = arith.constant 0 : i32
        %dma_wait3A_200 = arith.constant 0 : i32
        %dma_wait3A_201 = tpu.memref_slice %arg6[%dma_wait3A_199, %dma_wait3A_200] : memref<2x256xi32, #tpu.memory_space<vmem>> -> memref<1x256xi32, #tpu.memory_space<vmem>>
        %dma_wait3A_202 = tpu.memref_squeeze %dma_wait3A_201 : memref<1x256xi32, #tpu.memory_space<vmem>> -> memref<256xi32, #tpu.memory_space<vmem>>
        %dma_wait3A_203 = tpu.memref_slice %arg2[%add3A_198] : memref<802816xi32, #tpu.memory_space<hbm>> -> memref<256xi32, #tpu.memory_space<hbm>>
        %dma_wait3A_204 = arith.constant 0 : i32
        %dma_wait3A_205 = tpu.memref_slice %arg6[%dma_wait3A_199, %dma_wait3A_204] : memref<2x256xi32, #tpu.memory_space<vmem>> -> memref<1x256xi32, #tpu.memory_space<vmem>>
        %dma_wait3A_206 = tpu.memref_squeeze %dma_wait3A_205 : memref<1x256xi32, #tpu.memory_space<vmem>> -> memref<256xi32, #tpu.memory_space<vmem>>
        %dma_wait3A_207 = tpu.memref_slice %arg2[%add3A_198] : memref<802816xi32, #tpu.memory_space<hbm>> -> memref<256xi32, #tpu.memory_space<hbm>>
        tpu.wait_dma2 semaphore(%arg13 : memref<!tpu.dma_semaphore, #tpu.memory_space<semaphore_mem>>) src(%dma_wait3A_207 : memref<256xi32, #tpu.memory_space<hbm>>) dst(%dma_wait3A_206 : memref<256xi32, #tpu.memory_space<vmem>>)
        %dma_wait3A_208 = arith.constant 0 : i32
        %dma_wait3A_209 = arith.constant 0 : i32
        %dma_wait3A_210 = tpu.memref_slice %arg7[%dma_wait3A_208, %dma_wait3A_209] : memref<2x256xi32, #tpu.memory_space<vmem>> -> memref<1x256xi32, #tpu.memory_space<vmem>>
        %dma_wait3A_211 = tpu.memref_squeeze %dma_wait3A_210 : memref<1x256xi32, #tpu.memory_space<vmem>> -> memref<256xi32, #tpu.memory_space<vmem>>
        %dma_wait3A_212 = tpu.memref_slice %arg3[%add3A_198] : memref<802816xi32, #tpu.memory_space<hbm>> -> memref<256xi32, #tpu.memory_space<hbm>>
        %dma_wait3A_213 = arith.constant 0 : i32
        %dma_wait3A_214 = tpu.memref_slice %arg7[%dma_wait3A_208, %dma_wait3A_213] : memref<2x256xi32, #tpu.memory_space<vmem>> -> memref<1x256xi32, #tpu.memory_space<vmem>>
        %dma_wait3A_215 = tpu.memref_squeeze %dma_wait3A_214 : memref<1x256xi32, #tpu.memory_space<vmem>> -> memref<256xi32, #tpu.memory_space<vmem>>
        %dma_wait3A_216 = tpu.memref_slice %arg3[%add3A_198] : memref<802816xi32, #tpu.memory_space<hbm>> -> memref<256xi32, #tpu.memory_space<hbm>>
        tpu.wait_dma2 semaphore(%arg13 : memref<!tpu.dma_semaphore, #tpu.memory_space<semaphore_mem>>) src(%dma_wait3A_216 : memref<256xi32, #tpu.memory_space<hbm>>) dst(%dma_wait3A_215 : memref<256xi32, #tpu.memory_space<vmem>>)
        %dma_start3A_217 = arith.constant 0 : i32
        %dma_start3A_218 = arith.constant 0 : i32
        %dma_start3A_219 = arith.constant 0 : i32
        %dma_start3A_220 = arith.constant 0 : i32
        %dma_start3A_221 = tpu.memref_slice %arg8[%dma_start3A_218, %dma_start3A_219, %dma_start3A_220] : memref<2x256x32xf32, #tpu.memory_space<vmem>> -> memref<1x256x32xf32, #tpu.memory_space<vmem>>
        %dma_start3A_222 = tpu.memref_squeeze %dma_start3A_221 : memref<1x256x32xf32, #tpu.memory_space<vmem>> -> memref<256x32xf32, #tpu.memory_space<vmem>>
        %dma_start3A_223 = arith.constant 0 : i32
        %dma_start3A_224 = tpu.memref_slice %arg6[%dma_start3A_217, %dma_start3A_223] : memref<2x256xi32, #tpu.memory_space<vmem>> -> memref<1x256xi32, #tpu.memory_space<vmem>>
        %dma_start3A_225 = tpu.memref_squeeze %dma_start3A_224 : memref<1x256xi32, #tpu.memory_space<vmem>> -> memref<256xi32, #tpu.memory_space<vmem>>
        %dma_start3A_226 = arith.constant 0 : i32
        %dma_start3A_227 = arith.constant 0 : i32
        %dma_start3A_228 = tpu.memref_slice %arg4[%arg0, %dma_start3A_226, %dma_start3A_227] : memref<2x51200x32xf32, #tpu.memory_space<hbm>> -> memref<1x51200x32xf32, #tpu.memory_space<hbm>>
        %dma_start3A_229 = tpu.memref_squeeze %dma_start3A_228 : memref<1x51200x32xf32, #tpu.memory_space<hbm>> -> memref<51200x32xf32, #tpu.memory_space<hbm>>
        %dma_start3A_230 = arith.constant 0 : i32
        %dma_start3A_231 = arith.constant 0 : i32
        %dma_start3A_232 = tpu.memref_slice %dma_start3A_229[%dma_start3A_230, %dma_start3A_231] : memref<51200x32xf32, #tpu.memory_space<hbm>> -> memref<51200x32xf32, #tpu.memory_space<hbm>>
        tpu.enqueue_indirect_dma source(%dma_start3A_232 : memref<51200x32xf32, #tpu.memory_space<hbm>>) target(%dma_start3A_222 : memref<256x32xf32, #tpu.memory_space<vmem>>) offsets(%dma_start3A_225 : memref<256xi32, #tpu.memory_space<vmem>>) semaphore(%arg11 : memref<!tpu.dma_semaphore, #tpu.memory_space<semaphore_mem>>)
      } else {
      }
      %run_scoped3A_186 = arith.constant 1 : i32
      %run_scoped3A_187 = arith.constant 1 : i32
      "tpu.region"() ({
        %run_scoped3A_194 = tpu.sem_alloc : memref<!tpu.dma_semaphore, #tpu.memory_space<semaphore_mem>>
        %dma_start3A_195 = arith.constant 0 : i32
        %dma_start3A_196 = arith.constant 0 : i32
        %dma_start3A_197 = tpu.memref_slice %arg8[%run_scoped3A_186, %dma_start3A_195, %dma_start3A_196] : memref<2x256x32xf32, #tpu.memory_space<vmem>> -> memref<1x256x32xf32, #tpu.memory_space<vmem>>
        %dma_start3A_198 = tpu.memref_squeeze %dma_start3A_197 : memref<1x256x32xf32, #tpu.memory_space<vmem>> -> memref<256x32xf32, #tpu.memory_space<vmem>>
        %dma_start3A_199 = arith.constant 0 : i32
        %dma_start3A_200 = tpu.memref_slice %arg7[%run_scoped3A_187, %dma_start3A_199] : memref<2x256xi32, #tpu.memory_space<vmem>> -> memref<1x256xi32, #tpu.memory_space<vmem>>
        %dma_start3A_201 = tpu.memref_squeeze %dma_start3A_200 : memref<1x256xi32, #tpu.memory_space<vmem>> -> memref<256xi32, #tpu.memory_space<vmem>>
        %dma_start3A_202 = arith.constant 0 : i32
        %dma_start3A_203 = arith.constant 0 : i32
        %dma_start3A_204 = tpu.memref_slice %arg10[%dma_start3A_202, %dma_start3A_203] : memref<51200x32xf32, #tpu.memory_space<vmem_shared>> -> memref<51200x32xf32, #tpu.memory_space<vmem_shared>>
        tpu.enqueue_indirect_dma source(%dma_start3A_198 : memref<256x32xf32, #tpu.memory_space<vmem>>) target(%dma_start3A_204 : memref<51200x32xf32, #tpu.memory_space<vmem_shared>>) offsets(%dma_start3A_201 : memref<256xi32, #tpu.memory_space<vmem>>) semaphore(%run_scoped3A_194 : memref<!tpu.dma_semaphore, #tpu.memory_space<semaphore_mem>>) {add = true}
        %dma_wait3A_205 = arith.constant 0 : i32
        %dma_wait3A_206 = arith.constant 0 : i32
        %dma_wait3A_207 = tpu.memref_slice %arg8[%run_scoped3A_186, %dma_wait3A_205, %dma_wait3A_206] : memref<2x256x32xf32, #tpu.memory_space<vmem>> -> memref<1x256x32xf32, #tpu.memory_space<vmem>>
        %dma_wait3A_208 = tpu.memref_squeeze %dma_wait3A_207 : memref<1x256x32xf32, #tpu.memory_space<vmem>> -> memref<256x32xf32, #tpu.memory_space<vmem>>
        %dma_wait3A_209 = arith.constant 0 : i32
        %dma_wait3A_210 = tpu.memref_slice %arg7[%run_scoped3A_187, %dma_wait3A_209] : memref<2x256xi32, #tpu.memory_space<vmem>> -> memref<1x256xi32, #tpu.memory_space<vmem>>
        %dma_wait3A_211 = tpu.memref_squeeze %dma_wait3A_210 : memref<1x256xi32, #tpu.memory_space<vmem>> -> memref<256xi32, #tpu.memory_space<vmem>>
        %dma_wait3A_212 = arith.constant 0 : i32
        %dma_wait3A_213 = arith.constant 0 : i32
        %dma_wait3A_214 = tpu.memref_slice %arg10[%dma_wait3A_212, %dma_wait3A_213] : memref<51200x32xf32, #tpu.memory_space<vmem_shared>> -> memref<51200x32xf32, #tpu.memory_space<vmem_shared>>
        tpu.wait_indirect_dma semaphore(%run_scoped3A_194 : memref<!tpu.dma_semaphore, #tpu.memory_space<semaphore_mem>>) src(%dma_wait3A_208 : memref<256x32xf32, #tpu.memory_space<vmem>>) dst(%dma_wait3A_214 : memref<51200x32xf32, #tpu.memory_space<vmem_shared>>)
        tpu.yield
      }) : () -> ()
      %lt3A_188 = arith.constant 97 : i32
      %lt3A_189 = arith.cmpi slt, %scan3A_97, %lt3A_188 : i32
      %convert_element_type3A_190 = arith.extui %lt3A_189 : i1 to i32
      %cond3A_191 = arith.constant 0 : i32
      %cond3A_192 = arith.cmpi ne, %convert_element_type3A_190, %cond3A_191 : i32
      scf.if %cond3A_192 {
        %add3A_194 = arith.constant 2 : i32
        %add3A_195 = arith.addi %add3A_164, %add3A_194 : i32
        %mul3A_196 = arith.constant 256 : i32
        %mul3A_197 = arith.muli %add3A_195, %mul3A_196 : i32
        %add3A_198 = arith.addi %mul3A_15, %mul3A_197 : i32
        %dma_start3A_199 = arith.constant 1 : i32
        %dma_start3A_200 = arith.constant 0 : i32
        %dma_start3A_201 = tpu.memref_slice %arg6[%dma_start3A_199, %dma_start3A_200] : memref<2x256xi32, #tpu.memory_space<vmem>> -> memref<1x256xi32, #tpu.memory_space<vmem>>
        %dma_start3A_202 = tpu.memref_squeeze %dma_start3A_201 : memref<1x256xi32, #tpu.memory_space<vmem>> -> memref<256xi32, #tpu.memory_space<vmem>>
        %dma_start3A_203 = tpu.memref_slice %arg2[%add3A_198] : memref<802816xi32, #tpu.memory_space<hbm>> -> memref<256xi32, #tpu.memory_space<hbm>>
        %dma_start3A_204 = arith.constant 0 : i32
        %dma_start3A_205 = tpu.memref_slice %arg6[%dma_start3A_199, %dma_start3A_204] : memref<2x256xi32, #tpu.memory_space<vmem>> -> memref<1x256xi32, #tpu.memory_space<vmem>>
        %dma_start3A_206 = tpu.memref_squeeze %dma_start3A_205 : memref<1x256xi32, #tpu.memory_space<vmem>> -> memref<256xi32, #tpu.memory_space<vmem>>
        %dma_start3A_207 = tpu.memref_slice %arg2[%add3A_198] : memref<802816xi32, #tpu.memory_space<hbm>> -> memref<256xi32, #tpu.memory_space<hbm>>
        tpu.enqueue_dma source(%dma_start3A_207 : memref<256xi32, #tpu.memory_space<hbm>>) target(%dma_start3A_206 : memref<256xi32, #tpu.memory_space<vmem>>) target_semaphore(%arg14 : memref<!tpu.dma_semaphore, #tpu.memory_space<semaphore_mem>>)
        %dma_start3A_208 = arith.constant 1 : i32
        %dma_start3A_209 = arith.constant 0 : i32
        %dma_start3A_210 = tpu.memref_slice %arg7[%dma_start3A_208, %dma_start3A_209] : memref<2x256xi32, #tpu.memory_space<vmem>> -> memref<1x256xi32, #tpu.memory_space<vmem>>
        %dma_start3A_211 = tpu.memref_squeeze %dma_start3A_210 : memref<1x256xi32, #tpu.memory_space<vmem>> -> memref<256xi32, #tpu.memory_space<vmem>>
        %dma_start3A_212 = tpu.memref_slice %arg3[%add3A_198] : memref<802816xi32, #tpu.memory_space<hbm>> -> memref<256xi32, #tpu.memory_space<hbm>>
        %dma_start3A_213 = arith.constant 0 : i32
        %dma_start3A_214 = tpu.memref_slice %arg7[%dma_start3A_208, %dma_start3A_213] : memref<2x256xi32, #tpu.memory_space<vmem>> -> memref<1x256xi32, #tpu.memory_space<vmem>>
        %dma_start3A_215 = tpu.memref_squeeze %dma_start3A_214 : memref<1x256xi32, #tpu.memory_space<vmem>> -> memref<256xi32, #tpu.memory_space<vmem>>
        %dma_start3A_216 = tpu.memref_slice %arg3[%add3A_198] : memref<802816xi32, #tpu.memory_space<hbm>> -> memref<256xi32, #tpu.memory_space<hbm>>
        tpu.enqueue_dma source(%dma_start3A_216 : memref<256xi32, #tpu.memory_space<hbm>>) target(%dma_start3A_215 : memref<256xi32, #tpu.memory_space<vmem>>) target_semaphore(%arg14 : memref<!tpu.dma_semaphore, #tpu.memory_space<semaphore_mem>>)
      } else {
      }
      %scan3A_193 = arith.constant 0 : i32
      scf.yield %scan3A_193 : i32
    }
    %scan3A_95 = arith.constant 98 : i32
    %barrier3A_96 = arith.constant 0 : index
    tpu.barrier barrier_id(%barrier3A_96)
    "tpu.region"() ({
      %run_scoped3A = tpu.sem_alloc : memref<!tpu.dma_semaphore, #tpu.memory_space<semaphore_mem>>
      %dma_start3A_97 = arith.constant 0 : i32
      %dma_start3A_98 = tpu.memref_slice %arg5[%arg0, %mul3A_6, %dma_start3A_97] : memref<2x51200x32xf32, #tpu.memory_space<hbm>> -> memref<1x3200x32xf32, #tpu.memory_space<hbm>>
      %dma_start3A_99 = tpu.memref_squeeze %dma_start3A_98 : memref<1x3200x32xf32, #tpu.memory_space<hbm>> -> memref<3200x32xf32, #tpu.memory_space<hbm>>
      %dma_start3A_100 = arith.constant 0 : i32
      %dma_start3A_101 = tpu.memref_slice %arg10[%mul3A_6, %dma_start3A_100] : memref<51200x32xf32, #tpu.memory_space<vmem_shared>> -> memref<3200x32xf32, #tpu.memory_space<vmem_shared>>
      tpu.enqueue_dma source(%dma_start3A_101 : memref<3200x32xf32, #tpu.memory_space<vmem_shared>>) target(%dma_start3A_99 : memref<3200x32xf32, #tpu.memory_space<hbm>>) target_semaphore(%run_scoped3A : memref<!tpu.dma_semaphore, #tpu.memory_space<semaphore_mem>>)
      %dma_wait3A_102 = arith.constant 0 : i32
      %dma_wait3A_103 = tpu.memref_slice %arg5[%arg0, %mul3A_6, %dma_wait3A_102] : memref<2x51200x32xf32, #tpu.memory_space<hbm>> -> memref<1x3200x32xf32, #tpu.memory_space<hbm>>
      %dma_wait3A_104 = tpu.memref_squeeze %dma_wait3A_103 : memref<1x3200x32xf32, #tpu.memory_space<hbm>> -> memref<3200x32xf32, #tpu.memory_space<hbm>>
      %dma_wait3A_105 = arith.constant 0 : i32
      %dma_wait3A_106 = tpu.memref_slice %arg10[%mul3A_6, %dma_wait3A_105] : memref<51200x32xf32, #tpu.memory_space<vmem_shared>> -> memref<3200x32xf32, #tpu.memory_space<vmem_shared>>
      tpu.wait_dma2 semaphore(%run_scoped3A : memref<!tpu.dma_semaphore, #tpu.memory_space<semaphore_mem>>) src(%dma_wait3A_106 : memref<3200x32xf32, #tpu.memory_space<vmem_shared>>) dst(%dma_wait3A_104 : memref<3200x32xf32, #tpu.memory_space<hbm>>)
      tpu.yield
    }) : () -> ()
    return
  }
}

#map = affine_map<(d0, d1) -> (0)>
#map1 = affine_map<(d0, d1) -> (0, 0)>
#map2 = affine_map<(d0, d1) -> (0, 0, 0)>
module attributes {stable_mosaic.version = 14 : i64} {
  func.func @k(%arg0: i32, %arg1: i32, %arg2: memref<802816xi32, #tpu.memory_space<hbm>>, %arg3: memref<802816xi32, #tpu.memory_space<hbm>>, %arg4: memref<51200x32xf32, #tpu.memory_space<hbm>>, %arg5: memref<2x51200x32xf32, #tpu.memory_space<hbm>>, %arg6: memref<2x256xi32, #tpu.memory_space<vmem>>, %arg7: memref<2x256xi32, #tpu.memory_space<vmem>>, %arg8: memref<2x256x32xf32, #tpu.memory_space<vmem>>, %arg9: memref<200x32xf32, #tpu.memory_space<vmem>>, %arg10: memref<51200x32xf32, #tpu.memory_space<vmem_shared>>, %arg11: memref<!tpu.dma_semaphore, #tpu.memory_space<semaphore_mem>>, %arg12: memref<!tpu.dma_semaphore, #tpu.memory_space<semaphore_mem>>, %arg13: memref<!tpu.dma_semaphore, #tpu.memory_space<semaphore_mem>>, %arg14: memref<!tpu.dma_semaphore, #tpu.memory_space<semaphore_mem>>) attributes {dimension_semantics = [#tpu.dimension_semantics<core_parallel>, #tpu.dimension_semantics<subcore_parallel>], iteration_bounds = array<i64: 2, 16>, scalar_prefetch = 0 : i64, scratch_operands = 9 : i64, tpu.core_type = #tpu.core_type<sc_vector_subcore>, window_params = [{transform_indices = #map}, {transform_indices = #map}, {transform_indices = #map1}, {transform_indices = #map2}]} {
    %scan3A = arith.constant 0 : i32
    %scan3A_0 = arith.constant 0 : i32
    %scan3A_1 = arith.constant 200 : i32
    %scan3A_2 = arith.addi %scan3A_0, %scan3A_1 : i32
    %scan3A_3 = arith.constant 1 : i32
    %scan3A_4 = scf.for %scan3A_96 = %scan3A_0 to %scan3A_2 step %scan3A_3 iter_args(%scan3A_97 = %scan3A) -> (i32)  : i32 {
      %broadcast_in_dim3A = arith.constant 0.000000e+00 : f32
      %broadcast_in_dim3A_98 = vector.broadcast %broadcast_in_dim3A : f32 to vector<16xf32>
      %swap3A = arith.index_cast %scan3A_96 : i32 to index
      %swap3A_99 = arith.constant 0 : index
      %swap3A_100 = tpu.vector_load %arg9[%swap3A, %swap3A_99] {strides = array<i32>} : memref<200x32xf32, #tpu.memory_space<vmem>>, vector<1x16xf32>,
      %swap3A_101 = vector.shape_cast %swap3A_100 : vector<1x16xf32> to vector<16xf32>
      %swap3A_102 = vector.shape_cast %broadcast_in_dim3A_98 : vector<16xf32> to vector<1x16xf32>
      tpu.vector_store %arg9[%swap3A, %swap3A_99], %swap3A_102 {strides = array<i32>} : memref<200x32xf32, #tpu.memory_space<vmem>>, vector<1x16xf32>,
      %broadcast_in_dim3A_103 = arith.constant 0.000000e+00 : f32
      %broadcast_in_dim3A_104 = vector.broadcast %broadcast_in_dim3A_103 : f32 to vector<16xf32>
      %swap3A_105 = arith.index_cast %scan3A_96 : i32 to index
      %swap3A_106 = arith.constant 16 : index
      %swap3A_107 = tpu.vector_load %arg9[%swap3A_105, %swap3A_106] {strides = array<i32>} : memref<200x32xf32, #tpu.memory_space<vmem>>, vector<1x16xf32>,
      %swap3A_108 = vector.shape_cast %swap3A_107 : vector<1x16xf32> to vector<16xf32>
      %swap3A_109 = vector.shape_cast %broadcast_in_dim3A_104 : vector<16xf32> to vector<1x16xf32>
      tpu.vector_store %arg9[%swap3A_105, %swap3A_106], %swap3A_109 {strides = array<i32>} : memref<200x32xf32, #tpu.memory_space<vmem>>, vector<1x16xf32>,
      %scan3A_110 = arith.constant 0 : i32
      scf.yield %scan3A_110 : i32
    }
    %scan3A_5 = arith.constant 200 : i32
    %mul3A = arith.constant 3200 : i32
    %mul3A_6 = arith.muli %arg1, %mul3A : i32
    %scan3A_7 = arith.constant 0 : i32
    %scan3A_8 = arith.constant 0 : i32
    %scan3A_9 = arith.constant 16 : i32
    %scan3A_10 = arith.addi %scan3A_8, %scan3A_9 : i32
    %scan3A_11 = arith.constant 1 : i32
    %scan3A_12 = scf.for %scan3A_96 = %scan3A_8 to %scan3A_10 step %scan3A_11 iter_args(%scan3A_97 = %scan3A_7) -> (i32)  : i32 {
      %mul3A_98 = arith.constant 200 : i32
      %mul3A_99 = arith.muli %scan3A_96, %mul3A_98 : i32
      %add3A_100 = arith.addi %mul3A_6, %mul3A_99 : i32
      "tpu.region"() ({
        %run_scoped3A = tpu.sem_alloc : memref<!tpu.dma_semaphore, #tpu.memory_space<semaphore_mem>>
        %dma_start3A_102 = arith.constant 0 : i32
        %dma_start3A_103 = tpu.memref_slice %arg10[%add3A_100, %dma_start3A_102] : memref<51200x32xf32, #tpu.memory_space<vmem_shared>> -> memref<200x32xf32, #tpu.memory_space<vmem_shared>>
        %dma_start3A_104 = arith.constant 0 : i32
        %dma_start3A_105 = tpu.memref_slice %arg10[%add3A_100, %dma_start3A_104] : memref<51200x32xf32, #tpu.memory_space<vmem_shared>> -> memref<200x32xf32, #tpu.memory_space<vmem_shared>>
        tpu.enqueue_dma source(%arg9 : memref<200x32xf32, #tpu.memory_space<vmem>>) target(%dma_start3A_105 : memref<200x32xf32, #tpu.memory_space<vmem_shared>>) target_semaphore(%run_scoped3A : memref<!tpu.dma_semaphore, #tpu.memory_space<semaphore_mem>>)
        %dma_wait3A_106 = arith.constant 0 : i32
        %dma_wait3A_107 = tpu.memref_slice %arg10[%add3A_100, %dma_wait3A_106] : memref<51200x32xf32, #tpu.memory_space<vmem_shared>> -> memref<200x32xf32, #tpu.memory_space<vmem_shared>>
        %dma_wait3A_108 = arith.constant 0 : i32
        %dma_wait3A_109 = tpu.memref_slice %arg10[%add3A_100, %dma_wait3A_108] : memref<51200x32xf32, #tpu.memory_space<vmem_shared>> -> memref<200x32xf32, #tpu.memory_space<vmem_shared>>
        tpu.wait_dma2 semaphore(%run_scoped3A : memref<!tpu.dma_semaphore, #tpu.memory_space<semaphore_mem>>) src(%arg9 : memref<200x32xf32, #tpu.memory_space<vmem>>) dst(%dma_wait3A_109 : memref<200x32xf32, #tpu.memory_space<vmem_shared>>)
        tpu.yield
      }) : () -> ()
      %scan3A_101 = arith.constant 0 : i32
      scf.yield %scan3A_101 : i32
    }
    %scan3A_13 = arith.constant 16 : i32
    %barrier3A = arith.constant 0 : index
    tpu.barrier barrier_id(%barrier3A)
    %mul3A_14 = arith.constant 16 : i32
    %mul3A_15 = arith.muli %arg0, %mul3A_14 : i32
    %add3A = arith.addi %mul3A_15, %arg1 : i32
    %mul3A_16 = arith.constant 25088 : i32
    %mul3A_17 = arith.muli %add3A, %mul3A_16 : i32
    %add3A_18 = arith.constant 0 : i32
    %add3A_19 = arith.addi %mul3A_17, %add3A_18 : i32
    %dma_start3A = arith.constant 0 : i32
    %dma_start3A_20 = arith.constant 0 : i32
    %dma_start3A_21 = tpu.memref_slice %arg6[%dma_start3A, %dma_start3A_20] : memref<2x256xi32, #tpu.memory_space<vmem>> -> memref<1x256xi32, #tpu.memory_space<vmem>>
    %dma_start3A_22 = tpu.memref_squeeze %dma_start3A_21 : memref<1x256xi32, #tpu.memory_space<vmem>> -> memref<256xi32, #tpu.memory_space<vmem>>
    %dma_start3A_23 = tpu.memref_slice %arg2[%add3A_19] : memref<802816xi32, #tpu.memory_space<hbm>> -> memref<256xi32, #tpu.memory_space<hbm>>
    %dma_start3A_24 = arith.constant 0 : i32
    %dma_start3A_25 = tpu.memref_slice %arg6[%dma_start3A, %dma_start3A_24] : memref<2x256xi32, #tpu.memory_space<vmem>> -> memref<1x256xi32, #tpu.memory_space<vmem>>
    %dma_start3A_26 = tpu.memref_squeeze %dma_start3A_25 : memref<1x256xi32, #tpu.memory_space<vmem>> -> memref<256xi32, #tpu.memory_space<vmem>>
    %dma_start3A_27 = tpu.memref_slice %arg2[%add3A_19] : memref<802816xi32, #tpu.memory_space<hbm>> -> memref<256xi32, #tpu.memory_space<hbm>>
    tpu.enqueue_dma source(%dma_start3A_27 : memref<256xi32, #tpu.memory_space<hbm>>) target(%dma_start3A_26 : memref<256xi32, #tpu.memory_space<vmem>>) target_semaphore(%arg13 : memref<!tpu.dma_semaphore, #tpu.memory_space<semaphore_mem>>)
    %dma_start3A_28 = arith.constant 0 : i32
    %dma_start3A_29 = arith.constant 0 : i32
    %dma_start3A_30 = tpu.memref_slice %arg7[%dma_start3A_28, %dma_start3A_29] : memref<2x256xi32, #tpu.memory_space<vmem>> -> memref<1x256xi32, #tpu.memory_space<vmem>>
    %dma_start3A_31 = tpu.memref_squeeze %dma_start3A_30 : memref<1x256xi32, #tpu.memory_space<vmem>> -> memref<256xi32, #tpu.memory_space<vmem>>
    %dma_start3A_32 = tpu.memref_slice %arg3[%add3A_19] : memref<802816xi32, #tpu.memory_space<hbm>> -> memref<256xi32, #tpu.memory_space<hbm>>
    %dma_start3A_33 = arith.constant 0 : i32
    %dma_start3A_34 = tpu.memref_slice %arg7[%dma_start3A_28, %dma_start3A_33] : memref<2x256xi32, #tpu.memory_space<vmem>> -> memref<1x256xi32, #tpu.memory_space<vmem>>
    %dma_start3A_35 = tpu.memref_squeeze %dma_start3A_34 : memref<1x256xi32, #tpu.memory_space<vmem>> -> memref<256xi32, #tpu.memory_space<vmem>>
    %dma_start3A_36 = tpu.memref_slice %arg3[%add3A_19] : memref<802816xi32, #tpu.memory_space<hbm>> -> memref<256xi32, #tpu.memory_space<hbm>>
    tpu.enqueue_dma source(%dma_start3A_36 : memref<256xi32, #tpu.memory_space<hbm>>) target(%dma_start3A_35 : memref<256xi32, #tpu.memory_space<vmem>>) target_semaphore(%arg13 : memref<!tpu.dma_semaphore, #tpu.memory_space<semaphore_mem>>)
    %add3A_37 = arith.constant 256 : i32
    %add3A_38 = arith.addi %mul3A_17, %add3A_37 : i32
    %dma_start3A_39 = arith.constant 1 : i32
    %dma_start3A_40 = arith.constant 0 : i32
    %dma_start3A_41 = tpu.memref_slice %arg6[%dma_start3A_39, %dma_start3A_40] : memref<2x256xi32, #tpu.memory_space<vmem>> -> memref<1x256xi32, #tpu.memory_space<vmem>>
    %dma_start3A_42 = tpu.memref_squeeze %dma_start3A_41 : memref<1x256xi32, #tpu.memory_space<vmem>> -> memref<256xi32, #tpu.memory_space<vmem>>
    %dma_start3A_43 = tpu.memref_slice %arg2[%add3A_38] : memref<802816xi32, #tpu.memory_space<hbm>> -> memref<256xi32, #tpu.memory_space<hbm>>
    %dma_start3A_44 = arith.constant 0 : i32
    %dma_start3A_45 = tpu.memref_slice %arg6[%dma_start3A_39, %dma_start3A_44] : memref<2x256xi32, #tpu.memory_space<vmem>> -> memref<1x256xi32, #tpu.memory_space<vmem>>
    %dma_start3A_46 = tpu.memref_squeeze %dma_start3A_45 : memref<1x256xi32, #tpu.memory_space<vmem>> -> memref<256xi32, #tpu.memory_space<vmem>>
    %dma_start3A_47 = tpu.memref_slice %arg2[%add3A_38] : memref<802816xi32, #tpu.memory_space<hbm>> -> memref<256xi32, #tpu.memory_space<hbm>>
    tpu.enqueue_dma source(%dma_start3A_47 : memref<256xi32, #tpu.memory_space<hbm>>) target(%dma_start3A_46 : memref<256xi32, #tpu.memory_space<vmem>>) target_semaphore(%arg14 : memref<!tpu.dma_semaphore, #tpu.memory_space<semaphore_mem>>)
    %dma_start3A_48 = arith.constant 1 : i32
    %dma_start3A_49 = arith.constant 0 : i32
    %dma_start3A_50 = tpu.memref_slice %arg7[%dma_start3A_48, %dma_start3A_49] : memref<2x256xi32, #tpu.memory_space<vmem>> -> memref<1x256xi32, #tpu.memory_space<vmem>>
    %dma_start3A_51 = tpu.memref_squeeze %dma_start3A_50 : memref<1x256xi32, #tpu.memory_space<vmem>> -> memref<256xi32, #tpu.memory_space<vmem>>
    %dma_start3A_52 = tpu.memref_slice %arg3[%add3A_38] : memref<802816xi32, #tpu.memory_space<hbm>> -> memref<256xi32, #tpu.memory_space<hbm>>
    %dma_start3A_53 = arith.constant 0 : i32
    %dma_start3A_54 = tpu.memref_slice %arg7[%dma_start3A_48, %dma_start3A_53] : memref<2x256xi32, #tpu.memory_space<vmem>> -> memref<1x256xi32, #tpu.memory_space<vmem>>
    %dma_start3A_55 = tpu.memref_squeeze %dma_start3A_54 : memref<1x256xi32, #tpu.memory_space<vmem>> -> memref<256xi32, #tpu.memory_space<vmem>>
    %dma_start3A_56 = tpu.memref_slice %arg3[%add3A_38] : memref<802816xi32, #tpu.memory_space<hbm>> -> memref<256xi32, #tpu.memory_space<hbm>>
    tpu.enqueue_dma source(%dma_start3A_56 : memref<256xi32, #tpu.memory_space<hbm>>) target(%dma_start3A_55 : memref<256xi32, #tpu.memory_space<vmem>>) target_semaphore(%arg14 : memref<!tpu.dma_semaphore, #tpu.memory_space<semaphore_mem>>)
    %add3A_57 = arith.constant 0 : i32
    %add3A_58 = arith.addi %mul3A_17, %add3A_57 : i32
    %dma_wait3A = arith.constant 0 : i32
    %dma_wait3A_59 = arith.constant 0 : i32
    %dma_wait3A_60 = tpu.memref_slice %arg6[%dma_wait3A, %dma_wait3A_59] : memref<2x256xi32, #tpu.memory_space<vmem>> -> memref<1x256xi32, #tpu.memory_space<vmem>>
    %dma_wait3A_61 = tpu.memref_squeeze %dma_wait3A_60 : memref<1x256xi32, #tpu.memory_space<vmem>> -> memref<256xi32, #tpu.memory_space<vmem>>
    %dma_wait3A_62 = tpu.memref_slice %arg2[%add3A_58] : memref<802816xi32, #tpu.memory_space<hbm>> -> memref<256xi32, #tpu.memory_space<hbm>>
    %dma_wait3A_63 = arith.constant 0 : i32
    %dma_wait3A_64 = tpu.memref_slice %arg6[%dma_wait3A, %dma_wait3A_63] : memref<2x256xi32, #tpu.memory_space<vmem>> -> memref<1x256xi32, #tpu.memory_space<vmem>>
    %dma_wait3A_65 = tpu.memref_squeeze %dma_wait3A_64 : memref<1x256xi32, #tpu.memory_space<vmem>> -> memref<256xi32, #tpu.memory_space<vmem>>
    %dma_wait3A_66 = tpu.memref_slice %arg2[%add3A_58] : memref<802816xi32, #tpu.memory_space<hbm>> -> memref<256xi32, #tpu.memory_space<hbm>>
    tpu.wait_dma2 semaphore(%arg13 : memref<!tpu.dma_semaphore, #tpu.memory_space<semaphore_mem>>) src(%dma_wait3A_66 : memref<256xi32, #tpu.memory_space<hbm>>) dst(%dma_wait3A_65 : memref<256xi32, #tpu.memory_space<vmem>>)
    %dma_wait3A_67 = arith.constant 0 : i32
    %dma_wait3A_68 = arith.constant 0 : i32
    %dma_wait3A_69 = tpu.memref_slice %arg7[%dma_wait3A_67, %dma_wait3A_68] : memref<2x256xi32, #tpu.memory_space<vmem>> -> memref<1x256xi32, #tpu.memory_space<vmem>>
    %dma_wait3A_70 = tpu.memref_squeeze %dma_wait3A_69 : memref<1x256xi32, #tpu.memory_space<vmem>> -> memref<256xi32, #tpu.memory_space<vmem>>
    %dma_wait3A_71 = tpu.memref_slice %arg3[%add3A_58] : memref<802816xi32, #tpu.memory_space<hbm>> -> memref<256xi32, #tpu.memory_space<hbm>>
    %dma_wait3A_72 = arith.constant 0 : i32
    %dma_wait3A_73 = tpu.memref_slice %arg7[%dma_wait3A_67, %dma_wait3A_72] : memref<2x256xi32, #tpu.memory_space<vmem>> -> memref<1x256xi32, #tpu.memory_space<vmem>>
    %dma_wait3A_74 = tpu.memref_squeeze %dma_wait3A_73 : memref<1x256xi32, #tpu.memory_space<vmem>> -> memref<256xi32, #tpu.memory_space<vmem>>
    %dma_wait3A_75 = tpu.memref_slice %arg3[%add3A_58] : memref<802816xi32, #tpu.memory_space<hbm>> -> memref<256xi32, #tpu.memory_space<hbm>>
    tpu.wait_dma2 semaphore(%arg13 : memref<!tpu.dma_semaphore, #tpu.memory_space<semaphore_mem>>) src(%dma_wait3A_75 : memref<256xi32, #tpu.memory_space<hbm>>) dst(%dma_wait3A_74 : memref<256xi32, #tpu.memory_space<vmem>>)
    %dma_start3A_76 = arith.constant 0 : i32
    %dma_start3A_77 = arith.constant 0 : i32
    %dma_start3A_78 = arith.constant 0 : i32
    %dma_start3A_79 = arith.constant 0 : i32
    %dma_start3A_80 = tpu.memref_slice %arg8[%dma_start3A_77, %dma_start3A_78, %dma_start3A_79] : memref<2x256x32xf32, #tpu.memory_space<vmem>> -> memref<1x256x32xf32, #tpu.memory_space<vmem>>
    %dma_start3A_81 = tpu.memref_squeeze %dma_start3A_80 : memref<1x256x32xf32, #tpu.memory_space<vmem>> -> memref<256x32xf32, #tpu.memory_space<vmem>>
    %dma_start3A_82 = arith.constant 0 : i32
    %dma_start3A_83 = tpu.memref_slice %arg6[%dma_start3A_76, %dma_start3A_82] : memref<2x256xi32, #tpu.memory_space<vmem>> -> memref<1x256xi32, #tpu.memory_space<vmem>>
    %dma_start3A_84 = tpu.memref_squeeze %dma_start3A_83 : memref<1x256xi32, #tpu.memory_space<vmem>> -> memref<256xi32, #tpu.memory_space<vmem>>
    %dma_start3A_85 = arith.constant 0 : i32
    %dma_start3A_86 = arith.constant 0 : i32
    %dma_start3A_87 = tpu.memref_slice %arg4[%dma_start3A_85, %dma_start3A_86] : memref<51200x32xf32, #tpu.memory_space<hbm>> -> memref<51200x32xf32, #tpu.memory_space<hbm>>
    tpu.enqueue_indirect_dma source(%dma_start3A_87 : memref<51200x32xf32, #tpu.memory_space<hbm>>) target(%dma_start3A_81 : memref<256x32xf32, #tpu.memory_space<vmem>>) offsets(%dma_start3A_84 : memref<256xi32, #tpu.memory_space<vmem>>) semaphore(%arg11 : memref<!tpu.dma_semaphore, #tpu.memory_space<semaphore_mem>>)
    %scan3A_88 = arith.constant 0 : i32
    %scan3A_89 = arith.constant 0 : i32
    %scan3A_90 = arith.constant 49 : i32
    %scan3A_91 = arith.addi %scan3A_89, %scan3A_90 : i32
    %scan3A_92 = arith.constant 1 : i32
    %scan3A_93 = scf.for %scan3A_96 = %scan3A_89 to %scan3A_91 step %scan3A_92 iter_args(%scan3A_97 = %scan3A_88) -> (i32)  : i32 {
      %mul3A_98 = arith.constant 2 : i32
      %mul3A_99 = arith.muli %mul3A_98, %scan3A_96 : i32
      %add3A_100 = arith.constant 0 : i32
      %add3A_101 = arith.addi %mul3A_99, %add3A_100 : i32
      %dma_wait3A_102 = arith.constant 0 : i32
      %dma_wait3A_103 = arith.constant 0 : i32
      %dma_wait3A_104 = arith.constant 0 : i32
      %dma_wait3A_105 = arith.constant 0 : i32
      %dma_wait3A_106 = tpu.memref_slice %arg8[%dma_wait3A_103, %dma_wait3A_104, %dma_wait3A_105] : memref<2x256x32xf32, #tpu.memory_space<vmem>> -> memref<1x256x32xf32, #tpu.memory_space<vmem>>
      %dma_wait3A_107 = tpu.memref_squeeze %dma_wait3A_106 : memref<1x256x32xf32, #tpu.memory_space<vmem>> -> memref<256x32xf32, #tpu.memory_space<vmem>>
      %dma_wait3A_108 = arith.constant 0 : i32
      %dma_wait3A_109 = tpu.memref_slice %arg6[%dma_wait3A_102, %dma_wait3A_108] : memref<2x256xi32, #tpu.memory_space<vmem>> -> memref<1x256xi32, #tpu.memory_space<vmem>>
      %dma_wait3A_110 = tpu.memref_squeeze %dma_wait3A_109 : memref<1x256xi32, #tpu.memory_space<vmem>> -> memref<256xi32, #tpu.memory_space<vmem>>
      %dma_wait3A_111 = arith.constant 0 : i32
      %dma_wait3A_112 = arith.constant 0 : i32
      %dma_wait3A_113 = tpu.memref_slice %arg4[%dma_wait3A_111, %dma_wait3A_112] : memref<51200x32xf32, #tpu.memory_space<hbm>> -> memref<51200x32xf32, #tpu.memory_space<hbm>>
      tpu.wait_indirect_dma semaphore(%arg11 : memref<!tpu.dma_semaphore, #tpu.memory_space<semaphore_mem>>) src(%dma_wait3A_113 : memref<51200x32xf32, #tpu.memory_space<hbm>>) dst(%dma_wait3A_107 : memref<256x32xf32, #tpu.memory_space<vmem>>)
      %add3A_114 = arith.constant 1 : i32
      %add3A_115 = arith.addi %add3A_101, %add3A_114 : i32
      %mul3A_116 = arith.constant 256 : i32
      %mul3A_117 = arith.muli %add3A_115, %mul3A_116 : i32
      %add3A_118 = arith.addi %mul3A_17, %mul3A_117 : i32
      %dma_wait3A_119 = arith.constant 1 : i32
      %dma_wait3A_120 = arith.constant 0 : i32
      %dma_wait3A_121 = tpu.memref_slice %arg6[%dma_wait3A_119, %dma_wait3A_120] : memref<2x256xi32, #tpu.memory_space<vmem>> -> memref<1x256xi32, #tpu.memory_space<vmem>>
      %dma_wait3A_122 = tpu.memref_squeeze %dma_wait3A_121 : memref<1x256xi32, #tpu.memory_space<vmem>> -> memref<256xi32, #tpu.memory_space<vmem>>
      %dma_wait3A_123 = tpu.memref_slice %arg2[%add3A_118] : memref<802816xi32, #tpu.memory_space<hbm>> -> memref<256xi32, #tpu.memory_space<hbm>>
      %dma_wait3A_124 = arith.constant 0 : i32
      %dma_wait3A_125 = tpu.memref_slice %arg6[%dma_wait3A_119, %dma_wait3A_124] : memref<2x256xi32, #tpu.memory_space<vmem>> -> memref<1x256xi32, #tpu.memory_space<vmem>>
      %dma_wait3A_126 = tpu.memref_squeeze %dma_wait3A_125 : memref<1x256xi32, #tpu.memory_space<vmem>> -> memref<256xi32, #tpu.memory_space<vmem>>
      %dma_wait3A_127 = tpu.memref_slice %arg2[%add3A_118] : memref<802816xi32, #tpu.memory_space<hbm>> -> memref<256xi32, #tpu.memory_space<hbm>>
      tpu.wait_dma2 semaphore(%arg14 : memref<!tpu.dma_semaphore, #tpu.memory_space<semaphore_mem>>) src(%dma_wait3A_127 : memref<256xi32, #tpu.memory_space<hbm>>) dst(%dma_wait3A_126 : memref<256xi32, #tpu.memory_space<vmem>>)
      %dma_wait3A_128 = arith.constant 1 : i32
      %dma_wait3A_129 = arith.constant 0 : i32
      %dma_wait3A_130 = tpu.memref_slice %arg7[%dma_wait3A_128, %dma_wait3A_129] : memref<2x256xi32, #tpu.memory_space<vmem>> -> memref<1x256xi32, #tpu.memory_space<vmem>>
      %dma_wait3A_131 = tpu.memref_squeeze %dma_wait3A_130 : memref<1x256xi32, #tpu.memory_space<vmem>> -> memref<256xi32, #tpu.memory_space<vmem>>
      %dma_wait3A_132 = tpu.memref_slice %arg3[%add3A_118] : memref<802816xi32, #tpu.memory_space<hbm>> -> memref<256xi32, #tpu.memory_space<hbm>>
      %dma_wait3A_133 = arith.constant 0 : i32
      %dma_wait3A_134 = tpu.memref_slice %arg7[%dma_wait3A_128, %dma_wait3A_133] : memref<2x256xi32, #tpu.memory_space<vmem>> -> memref<1x256xi32, #tpu.memory_space<vmem>>
      %dma_wait3A_135 = tpu.memref_squeeze %dma_wait3A_134 : memref<1x256xi32, #tpu.memory_space<vmem>> -> memref<256xi32, #tpu.memory_space<vmem>>
      %dma_wait3A_136 = tpu.memref_slice %arg3[%add3A_118] : memref<802816xi32, #tpu.memory_space<hbm>> -> memref<256xi32, #tpu.memory_space<hbm>>
      tpu.wait_dma2 semaphore(%arg14 : memref<!tpu.dma_semaphore, #tpu.memory_space<semaphore_mem>>) src(%dma_wait3A_136 : memref<256xi32, #tpu.memory_space<hbm>>) dst(%dma_wait3A_135 : memref<256xi32, #tpu.memory_space<vmem>>)
      %dma_start3A_137 = arith.constant 1 : i32
      %dma_start3A_138 = arith.constant 1 : i32
      %dma_start3A_139 = arith.constant 0 : i32
      %dma_start3A_140 = arith.constant 0 : i32
      %dma_start3A_141 = tpu.memref_slice %arg8[%dma_start3A_138, %dma_start3A_139, %dma_start3A_140] : memref<2x256x32xf32, #tpu.memory_space<vmem>> -> memref<1x256x32xf32, #tpu.memory_space<vmem>>
      %dma_start3A_142 = tpu.memref_squeeze %dma_start3A_141 : memref<1x256x32xf32, #tpu.memory_space<vmem>> -> memref<256x32xf32, #tpu.memory_space<vmem>>
      %dma_start3A_143 = arith.constant 0 : i32
      %dma_start3A_144 = tpu.memref_slice %arg6[%dma_start3A_137, %dma_start3A_143] : memref<2x256xi32, #tpu.memory_space<vmem>> -> memref<1x256xi32, #tpu.memory_space<vmem>>
      %dma_start3A_145 = tpu.memref_squeeze %dma_start3A_144 : memref<1x256xi32, #tpu.memory_space<vmem>> -> memref<256xi32, #tpu.memory_space<vmem>>
      %dma_start3A_146 = arith.constant 0 : i32
      %dma_start3A_147 = arith.constant 0 : i32
      %dma_start3A_148 = tpu.memref_slice %arg4[%dma_start3A_146, %dma_start3A_147] : memref<51200x32xf32, #tpu.memory_space<hbm>> -> memref<51200x32xf32, #tpu.memory_space<hbm>>
      tpu.enqueue_indirect_dma source(%dma_start3A_148 : memref<51200x32xf32, #tpu.memory_space<hbm>>) target(%dma_start3A_142 : memref<256x32xf32, #tpu.memory_space<vmem>>) offsets(%dma_start3A_145 : memref<256xi32, #tpu.memory_space<vmem>>) semaphore(%arg12 : memref<!tpu.dma_semaphore, #tpu.memory_space<semaphore_mem>>)
      %run_scoped3A = arith.constant 0 : i32
      %run_scoped3A_149 = arith.constant 0 : i32
      "tpu.region"() ({
        %run_scoped3A_181 = tpu.sem_alloc : memref<!tpu.dma_semaphore, #tpu.memory_space<semaphore_mem>>
        %dma_start3A_182 = arith.constant 0 : i32
        %dma_start3A_183 = arith.constant 0 : i32
        %dma_start3A_184 = tpu.memref_slice %arg8[%run_scoped3A, %dma_start3A_182, %dma_start3A_183] : memref<2x256x32xf32, #tpu.memory_space<vmem>> -> memref<1x256x32xf32, #tpu.memory_space<vmem>>
        %dma_start3A_185 = tpu.memref_squeeze %dma_start3A_184 : memref<1x256x32xf32, #tpu.memory_space<vmem>> -> memref<256x32xf32, #tpu.memory_space<vmem>>
        %dma_start3A_186 = arith.constant 0 : i32
        %dma_start3A_187 = tpu.memref_slice %arg7[%run_scoped3A_149, %dma_start3A_186] : memref<2x256xi32, #tpu.memory_space<vmem>> -> memref<1x256xi32, #tpu.memory_space<vmem>>
        %dma_start3A_188 = tpu.memref_squeeze %dma_start3A_187 : memref<1x256xi32, #tpu.memory_space<vmem>> -> memref<256xi32, #tpu.memory_space<vmem>>
        %dma_start3A_189 = arith.constant 0 : i32
        %dma_start3A_190 = arith.constant 0 : i32
        %dma_start3A_191 = tpu.memref_slice %arg10[%dma_start3A_189, %dma_start3A_190] : memref<51200x32xf32, #tpu.memory_space<vmem_shared>> -> memref<51200x32xf32, #tpu.memory_space<vmem_shared>>
        tpu.enqueue_indirect_dma source(%dma_start3A_185 : memref<256x32xf32, #tpu.memory_space<vmem>>) target(%dma_start3A_191 : memref<51200x32xf32, #tpu.memory_space<vmem_shared>>) offsets(%dma_start3A_188 : memref<256xi32, #tpu.memory_space<vmem>>) semaphore(%run_scoped3A_181 : memref<!tpu.dma_semaphore, #tpu.memory_space<semaphore_mem>>) {add = true}
        %dma_wait3A_192 = arith.constant 0 : i32
        %dma_wait3A_193 = arith.constant 0 : i32
        %dma_wait3A_194 = tpu.memref_slice %arg8[%run_scoped3A, %dma_wait3A_192, %dma_wait3A_193] : memref<2x256x32xf32, #tpu.memory_space<vmem>> -> memref<1x256x32xf32, #tpu.memory_space<vmem>>
        %dma_wait3A_195 = tpu.memref_squeeze %dma_wait3A_194 : memref<1x256x32xf32, #tpu.memory_space<vmem>> -> memref<256x32xf32, #tpu.memory_space<vmem>>
        %dma_wait3A_196 = arith.constant 0 : i32
        %dma_wait3A_197 = tpu.memref_slice %arg7[%run_scoped3A_149, %dma_wait3A_196] : memref<2x256xi32, #tpu.memory_space<vmem>> -> memref<1x256xi32, #tpu.memory_space<vmem>>
        %dma_wait3A_198 = tpu.memref_squeeze %dma_wait3A_197 : memref<1x256xi32, #tpu.memory_space<vmem>> -> memref<256xi32, #tpu.memory_space<vmem>>
        %dma_wait3A_199 = arith.constant 0 : i32
        %dma_wait3A_200 = arith.constant 0 : i32
        %dma_wait3A_201 = tpu.memref_slice %arg10[%dma_wait3A_199, %dma_wait3A_200] : memref<51200x32xf32, #tpu.memory_space<vmem_shared>> -> memref<51200x32xf32, #tpu.memory_space<vmem_shared>>
        tpu.wait_indirect_dma semaphore(%run_scoped3A_181 : memref<!tpu.dma_semaphore, #tpu.memory_space<semaphore_mem>>) src(%dma_wait3A_195 : memref<256x32xf32, #tpu.memory_space<vmem>>) dst(%dma_wait3A_201 : memref<51200x32xf32, #tpu.memory_space<vmem_shared>>)
        tpu.yield
      }) : () -> ()
      %lt3A = arith.constant 48 : i32
      %lt3A_150 = arith.cmpi slt, %scan3A_96, %lt3A : i32
      %convert_element_type3A = arith.extui %lt3A_150 : i1 to i32
      %cond3A = arith.constant 0 : i32
      %cond3A_151 = arith.cmpi ne, %convert_element_type3A, %cond3A : i32
      scf.if %cond3A_151 {
        %add3A_181 = arith.constant 2 : i32
        %add3A_182 = arith.addi %add3A_101, %add3A_181 : i32
        %mul3A_183 = arith.constant 256 : i32
        %mul3A_184 = arith.muli %add3A_182, %mul3A_183 : i32
        %add3A_185 = arith.addi %mul3A_17, %mul3A_184 : i32
        %dma_start3A_186 = arith.constant 0 : i32
        %dma_start3A_187 = arith.constant 0 : i32
        %dma_start3A_188 = tpu.memref_slice %arg6[%dma_start3A_186, %dma_start3A_187] : memref<2x256xi32, #tpu.memory_space<vmem>> -> memref<1x256xi32, #tpu.memory_space<vmem>>
        %dma_start3A_189 = tpu.memref_squeeze %dma_start3A_188 : memref<1x256xi32, #tpu.memory_space<vmem>> -> memref<256xi32, #tpu.memory_space<vmem>>
        %dma_start3A_190 = tpu.memref_slice %arg2[%add3A_185] : memref<802816xi32, #tpu.memory_space<hbm>> -> memref<256xi32, #tpu.memory_space<hbm>>
        %dma_start3A_191 = arith.constant 0 : i32
        %dma_start3A_192 = tpu.memref_slice %arg6[%dma_start3A_186, %dma_start3A_191] : memref<2x256xi32, #tpu.memory_space<vmem>> -> memref<1x256xi32, #tpu.memory_space<vmem>>
        %dma_start3A_193 = tpu.memref_squeeze %dma_start3A_192 : memref<1x256xi32, #tpu.memory_space<vmem>> -> memref<256xi32, #tpu.memory_space<vmem>>
        %dma_start3A_194 = tpu.memref_slice %arg2[%add3A_185] : memref<802816xi32, #tpu.memory_space<hbm>> -> memref<256xi32, #tpu.memory_space<hbm>>
        tpu.enqueue_dma source(%dma_start3A_194 : memref<256xi32, #tpu.memory_space<hbm>>) target(%dma_start3A_193 : memref<256xi32, #tpu.memory_space<vmem>>) target_semaphore(%arg13 : memref<!tpu.dma_semaphore, #tpu.memory_space<semaphore_mem>>)
        %dma_start3A_195 = arith.constant 0 : i32
        %dma_start3A_196 = arith.constant 0 : i32
        %dma_start3A_197 = tpu.memref_slice %arg7[%dma_start3A_195, %dma_start3A_196] : memref<2x256xi32, #tpu.memory_space<vmem>> -> memref<1x256xi32, #tpu.memory_space<vmem>>
        %dma_start3A_198 = tpu.memref_squeeze %dma_start3A_197 : memref<1x256xi32, #tpu.memory_space<vmem>> -> memref<256xi32, #tpu.memory_space<vmem>>
        %dma_start3A_199 = tpu.memref_slice %arg3[%add3A_185] : memref<802816xi32, #tpu.memory_space<hbm>> -> memref<256xi32, #tpu.memory_space<hbm>>
        %dma_start3A_200 = arith.constant 0 : i32
        %dma_start3A_201 = tpu.memref_slice %arg7[%dma_start3A_195, %dma_start3A_200] : memref<2x256xi32, #tpu.memory_space<vmem>> -> memref<1x256xi32, #tpu.memory_space<vmem>>
        %dma_start3A_202 = tpu.memref_squeeze %dma_start3A_201 : memref<1x256xi32, #tpu.memory_space<vmem>> -> memref<256xi32, #tpu.memory_space<vmem>>
        %dma_start3A_203 = tpu.memref_slice %arg3[%add3A_185] : memref<802816xi32, #tpu.memory_space<hbm>> -> memref<256xi32, #tpu.memory_space<hbm>>
        tpu.enqueue_dma source(%dma_start3A_203 : memref<256xi32, #tpu.memory_space<hbm>>) target(%dma_start3A_202 : memref<256xi32, #tpu.memory_space<vmem>>) target_semaphore(%arg13 : memref<!tpu.dma_semaphore, #tpu.memory_space<semaphore_mem>>)
      } else {
      }
      %mul3A_152 = arith.constant 2 : i32
      %mul3A_153 = arith.muli %mul3A_152, %scan3A_96 : i32
      %add3A_154 = arith.constant 1 : i32
      %add3A_155 = arith.addi %mul3A_153, %add3A_154 : i32
      %dma_wait3A_156 = arith.constant 1 : i32
      %dma_wait3A_157 = arith.constant 1 : i32
      %dma_wait3A_158 = arith.constant 0 : i32
      %dma_wait3A_159 = arith.constant 0 : i32
      %dma_wait3A_160 = tpu.memref_slice %arg8[%dma_wait3A_157, %dma_wait3A_158, %dma_wait3A_159] : memref<2x256x32xf32, #tpu.memory_space<vmem>> -> memref<1x256x32xf32, #tpu.memory_space<vmem>>
      %dma_wait3A_161 = tpu.memref_squeeze %dma_wait3A_160 : memref<1x256x32xf32, #tpu.memory_space<vmem>> -> memref<256x32xf32, #tpu.memory_space<vmem>>
      %dma_wait3A_162 = arith.constant 0 : i32
      %dma_wait3A_163 = tpu.memref_slice %arg6[%dma_wait3A_156, %dma_wait3A_162] : memref<2x256xi32, #tpu.memory_space<vmem>> -> memref<1x256xi32, #tpu.memory_space<vmem>>
      %dma_wait3A_164 = tpu.memref_squeeze %dma_wait3A_163 : memref<1x256xi32, #tpu.memory_space<vmem>> -> memref<256xi32, #tpu.memory_space<vmem>>
      %dma_wait3A_165 = arith.constant 0 : i32
      %dma_wait3A_166 = arith.constant 0 : i32
      %dma_wait3A_167 = tpu.memref_slice %arg4[%dma_wait3A_165, %dma_wait3A_166] : memref<51200x32xf32, #tpu.memory_space<hbm>> -> memref<51200x32xf32, #tpu.memory_space<hbm>>
      tpu.wait_indirect_dma semaphore(%arg12 : memref<!tpu.dma_semaphore, #tpu.memory_space<semaphore_mem>>) src(%dma_wait3A_167 : memref<51200x32xf32, #tpu.memory_space<hbm>>) dst(%dma_wait3A_161 : memref<256x32xf32, #tpu.memory_space<vmem>>)
      %lt3A_168 = arith.constant 48 : i32
      %lt3A_169 = arith.cmpi slt, %scan3A_96, %lt3A_168 : i32
      %convert_element_type3A_170 = arith.extui %lt3A_169 : i1 to i32
      %cond3A_171 = arith.constant 0 : i32
      %cond3A_172 = arith.cmpi ne, %convert_element_type3A_170, %cond3A_171 : i32
      scf.if %cond3A_172 {
        %add3A_181 = arith.constant 1 : i32
        %add3A_182 = arith.addi %add3A_155, %add3A_181 : i32
        %mul3A_183 = arith.constant 256 : i32
        %mul3A_184 = arith.muli %add3A_182, %mul3A_183 : i32
        %add3A_185 = arith.addi %mul3A_17, %mul3A_184 : i32
        %dma_wait3A_186 = arith.constant 0 : i32
        %dma_wait3A_187 = arith.constant 0 : i32
        %dma_wait3A_188 = tpu.memref_slice %arg6[%dma_wait3A_186, %dma_wait3A_187] : memref<2x256xi32, #tpu.memory_space<vmem>> -> memref<1x256xi32, #tpu.memory_space<vmem>>
        %dma_wait3A_189 = tpu.memref_squeeze %dma_wait3A_188 : memref<1x256xi32, #tpu.memory_space<vmem>> -> memref<256xi32, #tpu.memory_space<vmem>>
        %dma_wait3A_190 = tpu.memref_slice %arg2[%add3A_185] : memref<802816xi32, #tpu.memory_space<hbm>> -> memref<256xi32, #tpu.memory_space<hbm>>
        %dma_wait3A_191 = arith.constant 0 : i32
        %dma_wait3A_192 = tpu.memref_slice %arg6[%dma_wait3A_186, %dma_wait3A_191] : memref<2x256xi32, #tpu.memory_space<vmem>> -> memref<1x256xi32, #tpu.memory_space<vmem>>
        %dma_wait3A_193 = tpu.memref_squeeze %dma_wait3A_192 : memref<1x256xi32, #tpu.memory_space<vmem>> -> memref<256xi32, #tpu.memory_space<vmem>>
        %dma_wait3A_194 = tpu.memref_slice %arg2[%add3A_185] : memref<802816xi32, #tpu.memory_space<hbm>> -> memref<256xi32, #tpu.memory_space<hbm>>
        tpu.wait_dma2 semaphore(%arg13 : memref<!tpu.dma_semaphore, #tpu.memory_space<semaphore_mem>>) src(%dma_wait3A_194 : memref<256xi32, #tpu.memory_space<hbm>>) dst(%dma_wait3A_193 : memref<256xi32, #tpu.memory_space<vmem>>)
        %dma_wait3A_195 = arith.constant 0 : i32
        %dma_wait3A_196 = arith.constant 0 : i32
        %dma_wait3A_197 = tpu.memref_slice %arg7[%dma_wait3A_195, %dma_wait3A_196] : memref<2x256xi32, #tpu.memory_space<vmem>> -> memref<1x256xi32, #tpu.memory_space<vmem>>
        %dma_wait3A_198 = tpu.memref_squeeze %dma_wait3A_197 : memref<1x256xi32, #tpu.memory_space<vmem>> -> memref<256xi32, #tpu.memory_space<vmem>>
        %dma_wait3A_199 = tpu.memref_slice %arg3[%add3A_185] : memref<802816xi32, #tpu.memory_space<hbm>> -> memref<256xi32, #tpu.memory_space<hbm>>
        %dma_wait3A_200 = arith.constant 0 : i32
        %dma_wait3A_201 = tpu.memref_slice %arg7[%dma_wait3A_195, %dma_wait3A_200] : memref<2x256xi32, #tpu.memory_space<vmem>> -> memref<1x256xi32, #tpu.memory_space<vmem>>
        %dma_wait3A_202 = tpu.memref_squeeze %dma_wait3A_201 : memref<1x256xi32, #tpu.memory_space<vmem>> -> memref<256xi32, #tpu.memory_space<vmem>>
        %dma_wait3A_203 = tpu.memref_slice %arg3[%add3A_185] : memref<802816xi32, #tpu.memory_space<hbm>> -> memref<256xi32, #tpu.memory_space<hbm>>
        tpu.wait_dma2 semaphore(%arg13 : memref<!tpu.dma_semaphore, #tpu.memory_space<semaphore_mem>>) src(%dma_wait3A_203 : memref<256xi32, #tpu.memory_space<hbm>>) dst(%dma_wait3A_202 : memref<256xi32, #tpu.memory_space<vmem>>)
        %dma_start3A_204 = arith.constant 0 : i32
        %dma_start3A_205 = arith.constant 0 : i32
        %dma_start3A_206 = arith.constant 0 : i32
        %dma_start3A_207 = arith.constant 0 : i32
        %dma_start3A_208 = tpu.memref_slice %arg8[%dma_start3A_205, %dma_start3A_206, %dma_start3A_207] : memref<2x256x32xf32, #tpu.memory_space<vmem>> -> memref<1x256x32xf32, #tpu.memory_space<vmem>>
        %dma_start3A_209 = tpu.memref_squeeze %dma_start3A_208 : memref<1x256x32xf32, #tpu.memory_space<vmem>> -> memref<256x32xf32, #tpu.memory_space<vmem>>
        %dma_start3A_210 = arith.constant 0 : i32
        %dma_start3A_211 = tpu.memref_slice %arg6[%dma_start3A_204, %dma_start3A_210] : memref<2x256xi32, #tpu.memory_space<vmem>> -> memref<1x256xi32, #tpu.memory_space<vmem>>
        %dma_start3A_212 = tpu.memref_squeeze %dma_start3A_211 : memref<1x256xi32, #tpu.memory_space<vmem>> -> memref<256xi32, #tpu.memory_space<vmem>>
        %dma_start3A_213 = arith.constant 0 : i32
        %dma_start3A_214 = arith.constant 0 : i32
        %dma_start3A_215 = tpu.memref_slice %arg4[%dma_start3A_213, %dma_start3A_214] : memref<51200x32xf32, #tpu.memory_space<hbm>> -> memref<51200x32xf32, #tpu.memory_space<hbm>>
        tpu.enqueue_indirect_dma source(%dma_start3A_215 : memref<51200x32xf32, #tpu.memory_space<hbm>>) target(%dma_start3A_209 : memref<256x32xf32, #tpu.memory_space<vmem>>) offsets(%dma_start3A_212 : memref<256xi32, #tpu.memory_space<vmem>>) semaphore(%arg11 : memref<!tpu.dma_semaphore, #tpu.memory_space<semaphore_mem>>)
      } else {
      }
      %run_scoped3A_173 = arith.constant 1 : i32
      %run_scoped3A_174 = arith.constant 1 : i32
      "tpu.region"() ({
        %run_scoped3A_181 = tpu.sem_alloc : memref<!tpu.dma_semaphore, #tpu.memory_space<semaphore_mem>>
        %dma_start3A_182 = arith.constant 0 : i32
        %dma_start3A_183 = arith.constant 0 : i32
        %dma_start3A_184 = tpu.memref_slice %arg8[%run_scoped3A_173, %dma_start3A_182, %dma_start3A_183] : memref<2x256x32xf32, #tpu.memory_space<vmem>> -> memref<1x256x32xf32, #tpu.memory_space<vmem>>
        %dma_start3A_185 = tpu.memref_squeeze %dma_start3A_184 : memref<1x256x32xf32, #tpu.memory_space<vmem>> -> memref<256x32xf32, #tpu.memory_space<vmem>>
        %dma_start3A_186 = arith.constant 0 : i32
        %dma_start3A_187 = tpu.memref_slice %arg7[%run_scoped3A_174, %dma_start3A_186] : memref<2x256xi32, #tpu.memory_space<vmem>> -> memref<1x256xi32, #tpu.memory_space<vmem>>
        %dma_start3A_188 = tpu.memref_squeeze %dma_start3A_187 : memref<1x256xi32, #tpu.memory_space<vmem>> -> memref<256xi32, #tpu.memory_space<vmem>>
        %dma_start3A_189 = arith.constant 0 : i32
        %dma_start3A_190 = arith.constant 0 : i32
        %dma_start3A_191 = tpu.memref_slice %arg10[%dma_start3A_189, %dma_start3A_190] : memref<51200x32xf32, #tpu.memory_space<vmem_shared>> -> memref<51200x32xf32, #tpu.memory_space<vmem_shared>>
        tpu.enqueue_indirect_dma source(%dma_start3A_185 : memref<256x32xf32, #tpu.memory_space<vmem>>) target(%dma_start3A_191 : memref<51200x32xf32, #tpu.memory_space<vmem_shared>>) offsets(%dma_start3A_188 : memref<256xi32, #tpu.memory_space<vmem>>) semaphore(%run_scoped3A_181 : memref<!tpu.dma_semaphore, #tpu.memory_space<semaphore_mem>>) {add = true}
        %dma_wait3A_192 = arith.constant 0 : i32
        %dma_wait3A_193 = arith.constant 0 : i32
        %dma_wait3A_194 = tpu.memref_slice %arg8[%run_scoped3A_173, %dma_wait3A_192, %dma_wait3A_193] : memref<2x256x32xf32, #tpu.memory_space<vmem>> -> memref<1x256x32xf32, #tpu.memory_space<vmem>>
        %dma_wait3A_195 = tpu.memref_squeeze %dma_wait3A_194 : memref<1x256x32xf32, #tpu.memory_space<vmem>> -> memref<256x32xf32, #tpu.memory_space<vmem>>
        %dma_wait3A_196 = arith.constant 0 : i32
        %dma_wait3A_197 = tpu.memref_slice %arg7[%run_scoped3A_174, %dma_wait3A_196] : memref<2x256xi32, #tpu.memory_space<vmem>> -> memref<1x256xi32, #tpu.memory_space<vmem>>
        %dma_wait3A_198 = tpu.memref_squeeze %dma_wait3A_197 : memref<1x256xi32, #tpu.memory_space<vmem>> -> memref<256xi32, #tpu.memory_space<vmem>>
        %dma_wait3A_199 = arith.constant 0 : i32
        %dma_wait3A_200 = arith.constant 0 : i32
        %dma_wait3A_201 = tpu.memref_slice %arg10[%dma_wait3A_199, %dma_wait3A_200] : memref<51200x32xf32, #tpu.memory_space<vmem_shared>> -> memref<51200x32xf32, #tpu.memory_space<vmem_shared>>
        tpu.wait_indirect_dma semaphore(%run_scoped3A_181 : memref<!tpu.dma_semaphore, #tpu.memory_space<semaphore_mem>>) src(%dma_wait3A_195 : memref<256x32xf32, #tpu.memory_space<vmem>>) dst(%dma_wait3A_201 : memref<51200x32xf32, #tpu.memory_space<vmem_shared>>)
        tpu.yield
      }) : () -> ()
      %lt3A_175 = arith.constant 48 : i32
      %lt3A_176 = arith.cmpi slt, %scan3A_96, %lt3A_175 : i32
      %convert_element_type3A_177 = arith.extui %lt3A_176 : i1 to i32
      %cond3A_178 = arith.constant 0 : i32
      %cond3A_179 = arith.cmpi ne, %convert_element_type3A_177, %cond3A_178 : i32
      scf.if %cond3A_179 {
        %add3A_181 = arith.constant 2 : i32
        %add3A_182 = arith.addi %add3A_155, %add3A_181 : i32
        %mul3A_183 = arith.constant 256 : i32
        %mul3A_184 = arith.muli %add3A_182, %mul3A_183 : i32
        %add3A_185 = arith.addi %mul3A_17, %mul3A_184 : i32
        %dma_start3A_186 = arith.constant 1 : i32
        %dma_start3A_187 = arith.constant 0 : i32
        %dma_start3A_188 = tpu.memref_slice %arg6[%dma_start3A_186, %dma_start3A_187] : memref<2x256xi32, #tpu.memory_space<vmem>> -> memref<1x256xi32, #tpu.memory_space<vmem>>
        %dma_start3A_189 = tpu.memref_squeeze %dma_start3A_188 : memref<1x256xi32, #tpu.memory_space<vmem>> -> memref<256xi32, #tpu.memory_space<vmem>>
        %dma_start3A_190 = tpu.memref_slice %arg2[%add3A_185] : memref<802816xi32, #tpu.memory_space<hbm>> -> memref<256xi32, #tpu.memory_space<hbm>>
        %dma_start3A_191 = arith.constant 0 : i32
        %dma_start3A_192 = tpu.memref_slice %arg6[%dma_start3A_186, %dma_start3A_191] : memref<2x256xi32, #tpu.memory_space<vmem>> -> memref<1x256xi32, #tpu.memory_space<vmem>>
        %dma_start3A_193 = tpu.memref_squeeze %dma_start3A_192 : memref<1x256xi32, #tpu.memory_space<vmem>> -> memref<256xi32, #tpu.memory_space<vmem>>
        %dma_start3A_194 = tpu.memref_slice %arg2[%add3A_185] : memref<802816xi32, #tpu.memory_space<hbm>> -> memref<256xi32, #tpu.memory_space<hbm>>
        tpu.enqueue_dma source(%dma_start3A_194 : memref<256xi32, #tpu.memory_space<hbm>>) target(%dma_start3A_193 : memref<256xi32, #tpu.memory_space<vmem>>) target_semaphore(%arg14 : memref<!tpu.dma_semaphore, #tpu.memory_space<semaphore_mem>>)
        %dma_start3A_195 = arith.constant 1 : i32
        %dma_start3A_196 = arith.constant 0 : i32
        %dma_start3A_197 = tpu.memref_slice %arg7[%dma_start3A_195, %dma_start3A_196] : memref<2x256xi32, #tpu.memory_space<vmem>> -> memref<1x256xi32, #tpu.memory_space<vmem>>
        %dma_start3A_198 = tpu.memref_squeeze %dma_start3A_197 : memref<1x256xi32, #tpu.memory_space<vmem>> -> memref<256xi32, #tpu.memory_space<vmem>>
        %dma_start3A_199 = tpu.memref_slice %arg3[%add3A_185] : memref<802816xi32, #tpu.memory_space<hbm>> -> memref<256xi32, #tpu.memory_space<hbm>>
        %dma_start3A_200 = arith.constant 0 : i32
        %dma_start3A_201 = tpu.memref_slice %arg7[%dma_start3A_195, %dma_start3A_200] : memref<2x256xi32, #tpu.memory_space<vmem>> -> memref<1x256xi32, #tpu.memory_space<vmem>>
        %dma_start3A_202 = tpu.memref_squeeze %dma_start3A_201 : memref<1x256xi32, #tpu.memory_space<vmem>> -> memref<256xi32, #tpu.memory_space<vmem>>
        %dma_start3A_203 = tpu.memref_slice %arg3[%add3A_185] : memref<802816xi32, #tpu.memory_space<hbm>> -> memref<256xi32, #tpu.memory_space<hbm>>
        tpu.enqueue_dma source(%dma_start3A_203 : memref<256xi32, #tpu.memory_space<hbm>>) target(%dma_start3A_202 : memref<256xi32, #tpu.memory_space<vmem>>) target_semaphore(%arg14 : memref<!tpu.dma_semaphore, #tpu.memory_space<semaphore_mem>>)
      } else {
      }
      %scan3A_180 = arith.constant 0 : i32
      scf.yield %scan3A_180 : i32
    }
    %scan3A_94 = arith.constant 49 : i32
    %barrier3A_95 = arith.constant 0 : index
    tpu.barrier barrier_id(%barrier3A_95)
    "tpu.region"() ({
      %run_scoped3A = tpu.sem_alloc : memref<!tpu.dma_semaphore, #tpu.memory_space<semaphore_mem>>
      %dma_start3A_96 = arith.constant 0 : i32
      %dma_start3A_97 = tpu.memref_slice %arg5[%arg0, %mul3A_6, %dma_start3A_96] : memref<2x51200x32xf32, #tpu.memory_space<hbm>> -> memref<1x3200x32xf32, #tpu.memory_space<hbm>>
      %dma_start3A_98 = tpu.memref_squeeze %dma_start3A_97 : memref<1x3200x32xf32, #tpu.memory_space<hbm>> -> memref<3200x32xf32, #tpu.memory_space<hbm>>
      %dma_start3A_99 = arith.constant 0 : i32
      %dma_start3A_100 = tpu.memref_slice %arg10[%mul3A_6, %dma_start3A_99] : memref<51200x32xf32, #tpu.memory_space<vmem_shared>> -> memref<3200x32xf32, #tpu.memory_space<vmem_shared>>
      tpu.enqueue_dma source(%dma_start3A_100 : memref<3200x32xf32, #tpu.memory_space<vmem_shared>>) target(%dma_start3A_98 : memref<3200x32xf32, #tpu.memory_space<hbm>>) target_semaphore(%run_scoped3A : memref<!tpu.dma_semaphore, #tpu.memory_space<semaphore_mem>>)
      %dma_wait3A_101 = arith.constant 0 : i32
      %dma_wait3A_102 = tpu.memref_slice %arg5[%arg0, %mul3A_6, %dma_wait3A_101] : memref<2x51200x32xf32, #tpu.memory_space<hbm>> -> memref<1x3200x32xf32, #tpu.memory_space<hbm>>
      %dma_wait3A_103 = tpu.memref_squeeze %dma_wait3A_102 : memref<1x3200x32xf32, #tpu.memory_space<hbm>> -> memref<3200x32xf32, #tpu.memory_space<hbm>>
      %dma_wait3A_104 = arith.constant 0 : i32
      %dma_wait3A_105 = tpu.memref_slice %arg10[%mul3A_6, %dma_wait3A_104] : memref<51200x32xf32, #tpu.memory_space<vmem_shared>> -> memref<3200x32xf32, #tpu.memory_space<vmem_shared>>
      tpu.wait_dma2 semaphore(%run_scoped3A : memref<!tpu.dma_semaphore, #tpu.memory_space<semaphore_mem>>) src(%dma_wait3A_105 : memref<3200x32xf32, #tpu.memory_space<vmem_shared>>) dst(%dma_wait3A_103 : memref<3200x32xf32, #tpu.memory_space<hbm>>)
      tpu.yield
    }) : () -> ()
    return
  }
}

module attributes {stable_mosaic.version = 14 : i64} {
  func.func @body(%arg0: i32, %arg1: memref<400x128xf32, #tpu.memory_space<vmem>>, %arg2: memref<400x128xf32, #tpu.memory_space<vmem>>, %arg3: memref<400x128xf32, #tpu.memory_space<vmem>>) attributes {dimension_semantics = [#tpu.dimension_semantics<arbitrary>], iteration_bounds = array<i64: 1>, scalar_prefetch = 0 : i64, scratch_operands = 0 : i64, tpu.core_type = #tpu.core_type<tc>, window_params = [{transform_indices = @transform_0, window_bounds = array<i64: 400, 128>}, {transform_indices = @transform_1, window_bounds = array<i64: 400, 128>}, {pipeline_mode = #tpu.pipeline_mode<synchronous>, transform_indices = @transform_2, window_bounds = array<i64: 400, 128>}]} {
    %get3A = arith.constant 0 : index
    %get3A_0 = arith.constant 0 : index
    %get3A_1 = vector.load %arg1[%get3A, %get3A_0] : memref<400x128xf32, #tpu.memory_space<vmem>>, vector<400x128xf32>
    %get3A_2 = arith.constant 0 : index
    %get3A_3 = arith.constant 0 : index
    %get3A_4 = vector.load %arg2[%get3A_2, %get3A_3] : memref<400x128xf32, #tpu.memory_space<vmem>>, vector<400x128xf32>
    %add3A = arith.addf %get3A_1, %get3A_4 : vector<400x128xf32>
    %add3A_5 = arith.constant 1.000000e+00 : f32
    %add3A_6 = vector.broadcast %add3A_5 : f32 to vector<400x128xf32>
    %add3A_7 = arith.addf %add3A, %add3A_6 : vector<400x128xf32>
    %rsqrt3A = math.rsqrt %add3A_7 : vector<400x128xf32>
    %swap3A = arith.constant 0 : index
    %swap3A_8 = arith.constant 0 : index
    %swap3A_9 = vector.load %arg3[%swap3A, %swap3A_8] : memref<400x128xf32, #tpu.memory_space<vmem>>, vector<400x128xf32>
    tpu.vector_store %arg3[%swap3A, %swap3A_8], %rsqrt3A {strides = array<i32>} : memref<400x128xf32, #tpu.memory_space<vmem>>, vector<400x128xf32>,
    return
  }
  func.func @transform_0(%arg0: i32) -> (i32, i32) {
    %c0_i32 = arith.constant 0 : i32
    %c0_i32_0 = arith.constant 0 : i32
    %c0_i32_1 = arith.constant 0 : i32
    return %c0_i32, %c0_i32_0 : i32, i32
  }
  func.func @transform_1(%arg0: i32) -> (i32, i32) {
    %c1_i32 = arith.constant 1 : i32
    %c0_i32 = arith.constant 0 : i32
    %c0_i32_0 = arith.constant 0 : i32
    return %c1_i32, %c0_i32 : i32, i32
  }
  func.func @transform_2(%arg0: i32) -> (i32, i32) {
    %c0_i32 = arith.constant 0 : i32
    %c0_i32_0 = arith.constant 0 : i32
    %c0_i32_1 = arith.constant 0 : i32
    return %c0_i32, %c0_i32_0 : i32, i32
  }
}

module attributes {stable_mosaic.version = 14 : i64} {
  func.func @body(%arg0: i32, %arg1: memref<4x512x8xf32, #tpu.memory_space<vmem>>, %arg2: memref<512x128xf32, #tpu.memory_space<vmem>>, %arg3: memref<8x32xf32, #tpu.memory_space<vmem>>, %arg4: memref<512x128xf32, #tpu.memory_space<vmem>>) attributes {dimension_semantics = [#tpu.dimension_semantics<arbitrary>], iteration_bounds = array<i64: 25>, scalar_prefetch = 0 : i64, scratch_operands = 0 : i64, tpu.core_type = #tpu.core_type<tc>, window_params = [{transform_indices = @transform_0, window_bounds = array<i64: 4, 512, 8>}, {transform_indices = @transform_1, window_bounds = array<i64: 512, 128>}, {pipeline_mode = #tpu.pipeline_mode<synchronous>, transform_indices = @transform_2, window_bounds = array<i64: 8, 32>}, {transform_indices = @transform_3, window_bounds = array<i64: 512, 128>}]} {
    %get3A = arith.constant 0 : index
    %get3A_0 = arith.constant 0 : index
    %get3A_1 = arith.constant 0 : index
    %get3A_2 = vector.load %arg1[%get3A, %get3A_0, %get3A_1] : memref<4x512x8xf32, #tpu.memory_space<vmem>>, vector<1x512x8xf32>
    %get3A_3 = vector.shape_cast %get3A_2 : vector<1x512x8xf32> to vector<512x8xf32>
    %get3A_4 = arith.constant 1 : index
    %get3A_5 = arith.constant 0 : index
    %get3A_6 = arith.constant 0 : index
    %get3A_7 = vector.load %arg1[%get3A_4, %get3A_5, %get3A_6] : memref<4x512x8xf32, #tpu.memory_space<vmem>>, vector<1x512x8xf32>
    %get3A_8 = vector.shape_cast %get3A_7 : vector<1x512x8xf32> to vector<512x8xf32>
    %get3A_9 = arith.constant 2 : index
    %get3A_10 = arith.constant 0 : index
    %get3A_11 = arith.constant 0 : index
    %get3A_12 = vector.load %arg1[%get3A_9, %get3A_10, %get3A_11] : memref<4x512x8xf32, #tpu.memory_space<vmem>>, vector<1x512x8xf32>
    %get3A_13 = vector.shape_cast %get3A_12 : vector<1x512x8xf32> to vector<512x8xf32>
    %get3A_14 = arith.constant 3 : index
    %get3A_15 = arith.constant 0 : index
    %get3A_16 = arith.constant 0 : index
    %get3A_17 = vector.load %arg1[%get3A_14, %get3A_15, %get3A_16] : memref<4x512x8xf32, #tpu.memory_space<vmem>>, vector<1x512x8xf32>
    %get3A_18 = vector.shape_cast %get3A_17 : vector<1x512x8xf32> to vector<512x8xf32>
    %concatenate3A = tpu.concatenate %get3A_3, %get3A_8, %get3A_13, %get3A_18 in 0 : vector<512x8xf32>, vector<512x8xf32>, vector<512x8xf32>, vector<512x8xf32> -> vector<2048x8xf32>
    %get3A_19 = arith.constant 0 : index
    %get3A_20 = arith.constant 0 : index
    %get3A_21 = vector.load %arg3[%get3A_19, %get3A_20] : memref<8x32xf32, #tpu.memory_space<vmem>>, vector<8x32xf32>
    %dot_general3A = arith.constant dense<0.000000e+00> : vector<2048x32xf32>
    %dot_general3A_22 = tpu.matmul %concatenate3A, %get3A_21, %dot_general3A {dimension_numbers = #tpu.dot_dimension_numbers<[1], [0], [0], [1], [0, 0, 1, 1], [], []>, transpose_lhs_hint = false} : vector<2048x8xf32>, vector<8x32xf32>, vector<2048x32xf32> -> vector<2048x32xf32>
    %slice3A = vector.extract_strided_slice %dot_general3A_22 {offsets = [0, 0], sizes = [512, 32], strides = [1, 1]} : vector<2048x32xf32> to vector<512x32xf32>
    %slice3A_23 = vector.extract_strided_slice %dot_general3A_22 {offsets = [512, 0], sizes = [512, 32], strides = [1, 1]} : vector<2048x32xf32> to vector<512x32xf32>
    %slice3A_24 = vector.extract_strided_slice %dot_general3A_22 {offsets = [1024, 0], sizes = [512, 32], strides = [1, 1]} : vector<2048x32xf32> to vector<512x32xf32>
    %slice3A_25 = vector.extract_strided_slice %dot_general3A_22 {offsets = [1536, 0], sizes = [512, 32], strides = [1, 1]} : vector<2048x32xf32> to vector<512x32xf32>
    %concatenate3A_26 = tpu.concatenate %slice3A, %slice3A_23, %slice3A_24, %slice3A_25 in 1 : vector<512x32xf32>, vector<512x32xf32>, vector<512x32xf32>, vector<512x32xf32> -> vector<512x128xf32>
    %get3A_27 = arith.constant 0 : index
    %get3A_28 = arith.constant 0 : index
    %get3A_29 = vector.load %arg2[%get3A_27, %get3A_28] : memref<512x128xf32, #tpu.memory_space<vmem>>, vector<512x128xf32>
    %mul3A = arith.mulf %concatenate3A_26, %get3A_29 : vector<512x128xf32>
    %swap3A = arith.constant 0 : index
    %swap3A_30 = arith.constant 0 : index
    %swap3A_31 = vector.load %arg4[%swap3A, %swap3A_30] : memref<512x128xf32, #tpu.memory_space<vmem>>, vector<512x128xf32>
    tpu.vector_store %arg4[%swap3A, %swap3A_30], %mul3A {strides = array<i32>} : memref<512x128xf32, #tpu.memory_space<vmem>>, vector<512x128xf32>,
    return
  }
  func.func @transform_0(%arg0: i32) -> (i32, i32, i32) {
    %c0_i32 = arith.constant 0 : i32
    %c0_i32_0 = arith.constant 0 : i32
    %c0_i32_1 = arith.constant 0 : i32
    return %c0_i32, %arg0, %c0_i32_0 : i32, i32, i32
  }
  func.func @transform_1(%arg0: i32) -> (i32, i32) {
    %c0_i32 = arith.constant 0 : i32
    %c0_i32_0 = arith.constant 0 : i32
    return %arg0, %c0_i32 : i32, i32
  }
  func.func @transform_2(%arg0: i32) -> (i32, i32) {
    %c0_i32 = arith.constant 0 : i32
    %c0_i32_0 = arith.constant 0 : i32
    %c0_i32_1 = arith.constant 0 : i32
    return %c0_i32, %c0_i32_0 : i32, i32
  }
  func.func @transform_3(%arg0: i32) -> (i32, i32) {
    %c0_i32 = arith.constant 0 : i32
    %c0_i32_0 = arith.constant 0 : i32
    return %arg0, %c0_i32 : i32, i32
  }
}

module attributes {stable_mosaic.version = 14 : i64} {
  func.func @body(%arg0: i32, %arg1: memref<2x512x128xf32, #tpu.memory_space<vmem>>, %arg2: memref<512x128xf32, #tpu.memory_space<vmem>>, %arg3: memref<512x128xf32, #tpu.memory_space<vmem>>, %arg4: memref<1x32xf32, #tpu.memory_space<vmem>>, %arg5: memref<32x64xf32, #tpu.memory_space<vmem>>, %arg6: memref<2x512x128xf32, #tpu.memory_space<vmem>>) attributes {dimension_semantics = [#tpu.dimension_semantics<arbitrary>], iteration_bounds = array<i64: 25>, scalar_prefetch = 0 : i64, scratch_operands = 0 : i64, tpu.core_type = #tpu.core_type<tc>, window_params = [{transform_indices = @transform_0, window_bounds = array<i64: 2, 512, 128>}, {transform_indices = @transform_1, window_bounds = array<i64: 512, 128>}, {transform_indices = @transform_2, window_bounds = array<i64: 512, 128>}, {pipeline_mode = #tpu.pipeline_mode<synchronous>, transform_indices = @transform_3, window_bounds = array<i64: 1, 32>}, {pipeline_mode = #tpu.pipeline_mode<synchronous>, transform_indices = @transform_4, window_bounds = array<i64: 32, 64>}, {transform_indices = @transform_5, window_bounds = array<i64: 2, 512, 128>}]} {
    %get3A = arith.constant 0 : index
    %get3A_0 = arith.constant 0 : index
    %get3A_1 = vector.load %arg3[%get3A, %get3A_0] : memref<512x128xf32, #tpu.memory_space<vmem>>, vector<512x128xf32>
    %get3A_2 = arith.constant 0 : index
    %get3A_3 = arith.constant 0 : index
    %get3A_4 = vector.load %arg4[%get3A_2, %get3A_3] : memref<1x32xf32, #tpu.memory_space<vmem>>, vector<1x32xf32>
    %concatenate3A = tpu.concatenate %get3A_4, %get3A_4, %get3A_4, %get3A_4 in 1 : vector<1x32xf32>, vector<1x32xf32>, vector<1x32xf32>, vector<1x32xf32> -> vector<1x128xf32>
    %get3A_5 = arith.constant 0 : index
    %get3A_6 = arith.constant 0 : index
    %get3A_7 = arith.constant 0 : index
    %get3A_8 = vector.load %arg1[%get3A_5, %get3A_6, %get3A_7] : memref<2x512x128xf32, #tpu.memory_space<vmem>>, vector<1x512x128xf32>
    %get3A_9 = vector.shape_cast %get3A_8 : vector<1x512x128xf32> to vector<512x128xf32>
    %get3A_10 = arith.constant 1 : index
    %get3A_11 = arith.constant 0 : index
    %get3A_12 = arith.constant 0 : index
    %get3A_13 = vector.load %arg1[%get3A_10, %get3A_11, %get3A_12] : memref<2x512x128xf32, #tpu.memory_space<vmem>>, vector<1x512x128xf32>
    %get3A_14 = vector.shape_cast %get3A_13 : vector<1x512x128xf32> to vector<512x128xf32>
    %add3A = arith.addf %get3A_9, %get3A_14 : vector<512x128xf32>
    %get3A_15 = arith.constant 0 : index
    %get3A_16 = arith.constant 0 : index
    %get3A_17 = vector.load %arg2[%get3A_15, %get3A_16] : memref<512x128xf32, #tpu.memory_space<vmem>>, vector<512x128xf32>
    %add3A_18 = arith.addf %add3A, %get3A_17 : vector<512x128xf32>
    %mul3A = arith.mulf %add3A_18, %get3A_1 : vector<512x128xf32>
    %add3A_19 = vector.broadcast %concatenate3A : vector<1x128xf32> to vector<512x128xf32>
    %add3A_20 = arith.addf %mul3A, %add3A_19 : vector<512x128xf32>
    %max3A = arith.constant 0.000000e+00 : f32
    %max3A_21 = vector.broadcast %max3A : f32 to vector<512x128xf32>
    %max3A_22 = arith.maximumf %add3A_20, %max3A_21 : vector<512x128xf32>
    %get3A_23 = arith.constant 0 : index
    %get3A_24 = arith.constant 0 : index
    %get3A_25 = vector.load %arg5[%get3A_23, %get3A_24] : memref<32x64xf32, #tpu.memory_space<vmem>>, vector<32x64xf32>
    %broadcast_in_dim3A = arith.constant 0.000000e+00 : f32
    %broadcast_in_dim3A_26 = vector.broadcast %broadcast_in_dim3A : f32 to vector<32x64xf32>
    %broadcast_in_dim3A_27 = arith.constant 0.000000e+00 : f32
    %broadcast_in_dim3A_28 = vector.broadcast %broadcast_in_dim3A_27 : f32 to vector<32x64xf32>
    %broadcast_in_dim3A_29 = arith.constant 0.000000e+00 : f32
    %broadcast_in_dim3A_30 = vector.broadcast %broadcast_in_dim3A_29 : f32 to vector<32x64xf32>
    %concatenate3A_31 = tpu.concatenate %get3A_25, %broadcast_in_dim3A_26, %broadcast_in_dim3A_28, %broadcast_in_dim3A_30 in 1 : vector<32x64xf32>, vector<32x64xf32>, vector<32x64xf32>, vector<32x64xf32> -> vector<32x256xf32>
    %broadcast_in_dim3A_32 = arith.constant 0.000000e+00 : f32
    %broadcast_in_dim3A_33 = vector.broadcast %broadcast_in_dim3A_32 : f32 to vector<32x64xf32>
    %get3A_34 = arith.constant 0 : index
    %get3A_35 = arith.constant 0 : index
    %get3A_36 = vector.load %arg5[%get3A_34, %get3A_35] : memref<32x64xf32, #tpu.memory_space<vmem>>, vector<32x64xf32>
    %broadcast_in_dim3A_37 = arith.constant 0.000000e+00 : f32
    %broadcast_in_dim3A_38 = vector.broadcast %broadcast_in_dim3A_37 : f32 to vector<32x64xf32>
    %broadcast_in_dim3A_39 = arith.constant 0.000000e+00 : f32
    %broadcast_in_dim3A_40 = vector.broadcast %broadcast_in_dim3A_39 : f32 to vector<32x64xf32>
    %concatenate3A_41 = tpu.concatenate %broadcast_in_dim3A_33, %get3A_36, %broadcast_in_dim3A_38, %broadcast_in_dim3A_40 in 1 : vector<32x64xf32>, vector<32x64xf32>, vector<32x64xf32>, vector<32x64xf32> -> vector<32x256xf32>
    %broadcast_in_dim3A_42 = arith.constant 0.000000e+00 : f32
    %broadcast_in_dim3A_43 = vector.broadcast %broadcast_in_dim3A_42 : f32 to vector<32x64xf32>
    %broadcast_in_dim3A_44 = arith.constant 0.000000e+00 : f32
    %broadcast_in_dim3A_45 = vector.broadcast %broadcast_in_dim3A_44 : f32 to vector<32x64xf32>
    %get3A_46 = arith.constant 0 : index
    %get3A_47 = arith.constant 0 : index
    %get3A_48 = vector.load %arg5[%get3A_46, %get3A_47] : memref<32x64xf32, #tpu.memory_space<vmem>>, vector<32x64xf32>
    %broadcast_in_dim3A_49 = arith.constant 0.000000e+00 : f32
    %broadcast_in_dim3A_50 = vector.broadcast %broadcast_in_dim3A_49 : f32 to vector<32x64xf32>
    %concatenate3A_51 = tpu.concatenate %broadcast_in_dim3A_43, %broadcast_in_dim3A_45, %get3A_48, %broadcast_in_dim3A_50 in 1 : vector<32x64xf32>, vector<32x64xf32>, vector<32x64xf32>, vector<32x64xf32> -> vector<32x256xf32>
    %broadcast_in_dim3A_52 = arith.constant 0.000000e+00 : f32
    %broadcast_in_dim3A_53 = vector.broadcast %broadcast_in_dim3A_52 : f32 to vector<32x64xf32>
    %broadcast_in_dim3A_54 = arith.constant 0.000000e+00 : f32
    %broadcast_in_dim3A_55 = vector.broadcast %broadcast_in_dim3A_54 : f32 to vector<32x64xf32>
    %broadcast_in_dim3A_56 = arith.constant 0.000000e+00 : f32
    %broadcast_in_dim3A_57 = vector.broadcast %broadcast_in_dim3A_56 : f32 to vector<32x64xf32>
    %get3A_58 = arith.constant 0 : index
    %get3A_59 = arith.constant 0 : index
    %get3A_60 = vector.load %arg5[%get3A_58, %get3A_59] : memref<32x64xf32, #tpu.memory_space<vmem>>, vector<32x64xf32>
    %concatenate3A_61 = tpu.concatenate %broadcast_in_dim3A_53, %broadcast_in_dim3A_55, %broadcast_in_dim3A_57, %get3A_60 in 1 : vector<32x64xf32>, vector<32x64xf32>, vector<32x64xf32>, vector<32x64xf32> -> vector<32x256xf32>
    %concatenate3A_62 = tpu.concatenate %concatenate3A_31, %concatenate3A_41, %concatenate3A_51, %concatenate3A_61 in 0 : vector<32x256xf32>, vector<32x256xf32>, vector<32x256xf32>, vector<32x256xf32> -> vector<128x256xf32>
    %dot_general3A = arith.constant dense<0.000000e+00> : vector<512x256xf32>
    %dot_general3A_63 = tpu.matmul %max3A_22, %concatenate3A_62, %dot_general3A {dimension_numbers = #tpu.dot_dimension_numbers<[1], [0], [0], [1], [0, 0, 1, 1], [], []>, transpose_lhs_hint = false} : vector<512x128xf32>, vector<128x256xf32>, vector<512x256xf32> -> vector<512x256xf32>
    %slice3A = vector.extract_strided_slice %dot_general3A_63 {offsets = [0, 0], sizes = [512, 32], strides = [1, 1]} : vector<512x256xf32> to vector<512x32xf32>
    %slice3A_64 = vector.extract_strided_slice %dot_general3A_63 {offsets = [0, 64], sizes = [512, 32], strides = [1, 1]} : vector<512x256xf32> to vector<512x32xf32>
    %slice3A_65 = vector.extract_strided_slice %dot_general3A_63 {offsets = [0, 128], sizes = [512, 32], strides = [1, 1]} : vector<512x256xf32> to vector<512x32xf32>
    %slice3A_66 = vector.extract_strided_slice %dot_general3A_63 {offsets = [0, 192], sizes = [512, 32], strides = [1, 1]} : vector<512x256xf32> to vector<512x32xf32>
    %concatenate3A_67 = tpu.concatenate %slice3A, %slice3A_64, %slice3A_65, %slice3A_66 in 1 : vector<512x32xf32>, vector<512x32xf32>, vector<512x32xf32>, vector<512x32xf32> -> vector<512x128xf32>
    %mul3A_68 = arith.mulf %concatenate3A_67, %get3A_1 : vector<512x128xf32>
    %slice3A_69 = vector.extract_strided_slice %dot_general3A_63 {offsets = [0, 32], sizes = [512, 32], strides = [1, 1]} : vector<512x256xf32> to vector<512x32xf32>
    %slice3A_70 = vector.extract_strided_slice %dot_general3A_63 {offsets = [0, 96], sizes = [512, 32], strides = [1, 1]} : vector<512x256xf32> to vector<512x32xf32>
    %slice3A_71 = vector.extract_strided_slice %dot_general3A_63 {offsets = [0, 160], sizes = [512, 32], strides = [1, 1]} : vector<512x256xf32> to vector<512x32xf32>
    %slice3A_72 = vector.extract_strided_slice %dot_general3A_63 {offsets = [0, 224], sizes = [512, 32], strides = [1, 1]} : vector<512x256xf32> to vector<512x32xf32>
    %concatenate3A_73 = tpu.concatenate %slice3A_69, %slice3A_70, %slice3A_71, %slice3A_72 in 1 : vector<512x32xf32>, vector<512x32xf32>, vector<512x32xf32>, vector<512x32xf32> -> vector<512x128xf32>
    %mul3A_74 = arith.mulf %concatenate3A_73, %get3A_1 : vector<512x128xf32>
    %swap3A = arith.constant 0 : index
    %swap3A_75 = arith.constant 0 : index
    %swap3A_76 = arith.constant 0 : index
    %swap3A_77 = vector.load %arg6[%swap3A, %swap3A_75, %swap3A_76] : memref<2x512x128xf32, #tpu.memory_space<vmem>>, vector<1x512x128xf32>
    %swap3A_78 = vector.shape_cast %swap3A_77 : vector<1x512x128xf32> to vector<512x128xf32>
    %swap3A_79 = vector.shape_cast %mul3A_68 : vector<512x128xf32> to vector<1x512x128xf32>
    tpu.vector_store %arg6[%swap3A, %swap3A_75, %swap3A_76], %swap3A_79 {strides = array<i32>} : memref<2x512x128xf32, #tpu.memory_space<vmem>>, vector<1x512x128xf32>,
    %swap3A_80 = arith.constant 1 : index
    %swap3A_81 = arith.constant 0 : index
    %swap3A_82 = arith.constant 0 : index
    %swap3A_83 = vector.load %arg6[%swap3A_80, %swap3A_81, %swap3A_82] : memref<2x512x128xf32, #tpu.memory_space<vmem>>, vector<1x512x128xf32>
    %swap3A_84 = vector.shape_cast %swap3A_83 : vector<1x512x128xf32> to vector<512x128xf32>
    %swap3A_85 = vector.shape_cast %mul3A_74 : vector<512x128xf32> to vector<1x512x128xf32>
    tpu.vector_store %arg6[%swap3A_80, %swap3A_81, %swap3A_82], %swap3A_85 {strides = array<i32>} : memref<2x512x128xf32, #tpu.memory_space<vmem>>, vector<1x512x128xf32>,
    return
  }
  func.func @transform_0(%arg0: i32) -> (i32, i32, i32) {
    %c0_i32 = arith.constant 0 : i32
    %c0_i32_0 = arith.constant 0 : i32
    %c0_i32_1 = arith.constant 0 : i32
    return %c0_i32, %arg0, %c0_i32_0 : i32, i32, i32
  }
  func.func @transform_1(%arg0: i32) -> (i32, i32) {
    %c0_i32 = arith.constant 0 : i32
    %c0_i32_0 = arith.constant 0 : i32
    return %arg0, %c0_i32 : i32, i32
  }
  func.func @transform_2(%arg0: i32) -> (i32, i32) {
    %c0_i32 = arith.constant 0 : i32
    %c0_i32_0 = arith.constant 0 : i32
    return %arg0, %c0_i32 : i32, i32
  }
  func.func @transform_3(%arg0: i32) -> (i32, i32) {
    %c0_i32 = arith.constant 0 : i32
    %c0_i32_0 = arith.constant 0 : i32
    %c0_i32_1 = arith.constant 0 : i32
    return %c0_i32, %c0_i32_0 : i32, i32
  }
  func.func @transform_4(%arg0: i32) -> (i32, i32) {
    %c0_i32 = arith.constant 0 : i32
    %c0_i32_0 = arith.constant 0 : i32
    %c0_i32_1 = arith.constant 0 : i32
    return %c0_i32, %c0_i32_0 : i32, i32
  }
  func.func @transform_5(%arg0: i32) -> (i32, i32, i32) {
    %c0_i32 = arith.constant 0 : i32
    %c0_i32_0 = arith.constant 0 : i32
    %c0_i32_1 = arith.constant 0 : i32
    return %c0_i32, %arg0, %c0_i32_0 : i32, i32, i32
  }
}

module attributes {stable_mosaic.version = 14 : i64} {
  func.func @body(%arg0: i32, %arg1: memref<2x512x128xf32, #tpu.memory_space<vmem>>, %arg2: memref<2x512x128xf32, #tpu.memory_space<vmem>>, %arg3: memref<512x128xf32, #tpu.memory_space<vmem>>, %arg4: memref<512x128xi32, #tpu.memory_space<vmem>>, %arg5: memref<1x64xf32, #tpu.memory_space<vmem>>, %arg6: memref<64x72xf32, #tpu.memory_space<vmem>>) attributes {dimension_semantics = [#tpu.dimension_semantics<arbitrary>], iteration_bounds = array<i64: 25>, scalar_prefetch = 0 : i64, scratch_operands = 0 : i64, tpu.core_type = #tpu.core_type<tc>, window_params = [{transform_indices = @transform_0, window_bounds = array<i64: 2, 512, 128>}, {transform_indices = @transform_1, window_bounds = array<i64: 2, 512, 128>}, {transform_indices = @transform_2, window_bounds = array<i64: 512, 128>}, {transform_indices = @transform_3, window_bounds = array<i64: 512, 128>}, {pipeline_mode = #tpu.pipeline_mode<synchronous>, transform_indices = @transform_4, window_bounds = array<i64: 1, 64>}, {pipeline_mode = #tpu.pipeline_mode<synchronous>, transform_indices = @transform_5, window_bounds = array<i64: 64, 72>}]} {
    %get3A = arith.constant 0 : index
    %get3A_0 = arith.constant 0 : index
    %get3A_1 = vector.load %arg3[%get3A, %get3A_0] : memref<512x128xf32, #tpu.memory_space<vmem>>, vector<512x128xf32>
    %get3A_2 = arith.constant 0 : index
    %get3A_3 = arith.constant 0 : index
    %get3A_4 = vector.load %arg5[%get3A_2, %get3A_3] : memref<1x64xf32, #tpu.memory_space<vmem>>, vector<1x32xf32>
    %concatenate3A = tpu.concatenate %get3A_4, %get3A_4, %get3A_4, %get3A_4 in 1 : vector<1x32xf32>, vector<1x32xf32>, vector<1x32xf32>, vector<1x32xf32> -> vector<1x128xf32>
    %get3A_5 = arith.constant 0 : index
    %get3A_6 = arith.constant 32 : index
    %get3A_7 = vector.load %arg5[%get3A_5, %get3A_6] : memref<1x64xf32, #tpu.memory_space<vmem>>, vector<1x32xf32>
    %concatenate3A_8 = tpu.concatenate %get3A_7, %get3A_7, %get3A_7, %get3A_7 in 1 : vector<1x32xf32>, vector<1x32xf32>, vector<1x32xf32>, vector<1x32xf32> -> vector<1x128xf32>
    %get3A_9 = arith.constant 0 : index
    %get3A_10 = arith.constant 0 : index
    %get3A_11 = arith.constant 0 : index
    %get3A_12 = vector.load %arg1[%get3A_9, %get3A_10, %get3A_11] : memref<2x512x128xf32, #tpu.memory_space<vmem>>, vector<1x512x128xf32>
    %get3A_13 = vector.shape_cast %get3A_12 : vector<1x512x128xf32> to vector<512x128xf32>
    %get3A_14 = arith.constant 0 : index
    %get3A_15 = arith.constant 0 : index
    %get3A_16 = arith.constant 0 : index
    %get3A_17 = vector.load %arg2[%get3A_14, %get3A_15, %get3A_16] : memref<2x512x128xf32, #tpu.memory_space<vmem>>, vector<1x512x128xf32>
    %get3A_18 = vector.shape_cast %get3A_17 : vector<1x512x128xf32> to vector<512x128xf32>
    %add3A = arith.addf %get3A_13, %get3A_18 : vector<512x128xf32>
    %mul3A = arith.mulf %add3A, %get3A_1 : vector<512x128xf32>
    %add3A_19 = vector.broadcast %concatenate3A : vector<1x128xf32> to vector<512x128xf32>
    %add3A_20 = arith.addf %mul3A, %add3A_19 : vector<512x128xf32>
    %max3A = arith.constant 0.000000e+00 : f32
    %max3A_21 = vector.broadcast %max3A : f32 to vector<512x128xf32>
    %max3A_22 = arith.maximumf %add3A_20, %max3A_21 : vector<512x128xf32>
    %get3A_23 = arith.constant 1 : index
    %get3A_24 = arith.constant 0 : index
    %get3A_25 = arith.constant 0 : index
    %get3A_26 = vector.load %arg1[%get3A_23, %get3A_24, %get3A_25] : memref<2x512x128xf32, #tpu.memory_space<vmem>>, vector<1x512x128xf32>
    %get3A_27 = vector.shape_cast %get3A_26 : vector<1x512x128xf32> to vector<512x128xf32>
    %get3A_28 = arith.constant 1 : index
    %get3A_29 = arith.constant 0 : index
    %get3A_30 = arith.constant 0 : index
    %get3A_31 = vector.load %arg2[%get3A_28, %get3A_29, %get3A_30] : memref<2x512x128xf32, #tpu.memory_space<vmem>>, vector<1x512x128xf32>
    %get3A_32 = vector.shape_cast %get3A_31 : vector<1x512x128xf32> to vector<512x128xf32>
    %add3A_33 = arith.addf %get3A_27, %get3A_32 : vector<512x128xf32>
    %mul3A_34 = arith.mulf %add3A_33, %get3A_1 : vector<512x128xf32>
    %add3A_35 = vector.broadcast %concatenate3A_8 : vector<1x128xf32> to vector<512x128xf32>
    %add3A_36 = arith.addf %mul3A_34, %add3A_35 : vector<512x128xf32>
    %max3A_37 = arith.constant 0.000000e+00 : f32
    %max3A_38 = vector.broadcast %max3A_37 : f32 to vector<512x128xf32>
    %max3A_39 = arith.maximumf %add3A_36, %max3A_38 : vector<512x128xf32>
    %iota3A = tpu.iota {dimensions = array<i32: 1>} : vector<512x64xi32>
    %broadcast_in_dim3A = arith.constant 1.000000e+00 : f32
    %broadcast_in_dim3A_40 = vector.broadcast %broadcast_in_dim3A : f32 to vector<512x8xf32>
    %broadcast_in_dim3A_41 = arith.constant 0.000000e+00 : f32
    %broadcast_in_dim3A_42 = vector.broadcast %broadcast_in_dim3A_41 : f32 to vector<64x72xf32>
    %slice3A = vector.extract_strided_slice %max3A_22 {offsets = [0, 0], sizes = [512, 32], strides = [1, 1]} : vector<512x128xf32> to vector<512x32xf32>
    %slice3A_43 = vector.extract_strided_slice %max3A_39 {offsets = [0, 0], sizes = [512, 32], strides = [1, 1]} : vector<512x128xf32> to vector<512x32xf32>
    %concatenate3A_44 = tpu.concatenate %slice3A, %slice3A_43, %broadcast_in_dim3A_40 in 1 : vector<512x32xf32>, vector<512x32xf32>, vector<512x8xf32> -> vector<512x72xf32>
    %get3A_45 = arith.constant 0 : index
    %get3A_46 = arith.constant 0 : index
    %get3A_47 = vector.load %arg4[%get3A_45, %get3A_46] : memref<512x128xi32, #tpu.memory_space<vmem>>, vector<512x1xi32>
    %eq3A = vector.broadcast %get3A_47 : vector<512x1xi32> to vector<512x64xi32>
    %eq3A_48 = arith.cmpi eq, %eq3A, %iota3A : vector<512x64xi32>
    %convert_element_type3A = arith.extui %eq3A_48 : vector<512x64xi1> to vector<512x64xi32>
    %convert_element_type3A_49 = arith.sitofp %convert_element_type3A : vector<512x64xi32> to vector<512x64xf32>
    %dot_general3A = arith.constant dense<0.000000e+00> : vector<64x72xf32>
    %dot_general3A_50 = tpu.matmul %convert_element_type3A_49, %concatenate3A_44, %dot_general3A {dimension_numbers = #tpu.dot_dimension_numbers<[0], [0], [1], [1], [0, 1, 1, 1], [], []>, precision = #tpu.contract_precision<fp32>, transpose_lhs_hint = false} : vector<512x64xf32>, vector<512x72xf32>, vector<64x72xf32> -> vector<64x72xf32>
    %add3A_51 = arith.addf %broadcast_in_dim3A_42, %dot_general3A_50 : vector<64x72xf32>
    %slice3A_52 = vector.extract_strided_slice %max3A_22 {offsets = [0, 32], sizes = [512, 32], strides = [1, 1]} : vector<512x128xf32> to vector<512x32xf32>
    %slice3A_53 = vector.extract_strided_slice %max3A_39 {offsets = [0, 32], sizes = [512, 32], strides = [1, 1]} : vector<512x128xf32> to vector<512x32xf32>
    %concatenate3A_54 = tpu.concatenate %slice3A_52, %slice3A_53, %broadcast_in_dim3A_40 in 1 : vector<512x32xf32>, vector<512x32xf32>, vector<512x8xf32> -> vector<512x72xf32>
    %get3A_55 = arith.constant 0 : index
    %get3A_56 = arith.constant 32 : index
    %get3A_57 = vector.load %arg4[%get3A_55, %get3A_56] : memref<512x128xi32, #tpu.memory_space<vmem>>, vector<512x1xi32>
    %eq3A_58 = vector.broadcast %get3A_57 : vector<512x1xi32> to vector<512x64xi32>
    %eq3A_59 = arith.cmpi eq, %eq3A_58, %iota3A : vector<512x64xi32>
    %convert_element_type3A_60 = arith.extui %eq3A_59 : vector<512x64xi1> to vector<512x64xi32>
    %convert_element_type3A_61 = arith.sitofp %convert_element_type3A_60 : vector<512x64xi32> to vector<512x64xf32>
    %dot_general3A_62 = arith.constant dense<0.000000e+00> : vector<64x72xf32>
    %dot_general3A_63 = tpu.matmul %convert_element_type3A_61, %concatenate3A_54, %dot_general3A_62 {dimension_numbers = #tpu.dot_dimension_numbers<[0], [0], [1], [1], [0, 1, 1, 1], [], []>, precision = #tpu.contract_precision<fp32>, transpose_lhs_hint = false} : vector<512x64xf32>, vector<512x72xf32>, vector<64x72xf32> -> vector<64x72xf32>
    %add3A_64 = arith.addf %add3A_51, %dot_general3A_63 : vector<64x72xf32>
    %slice3A_65 = vector.extract_strided_slice %max3A_22 {offsets = [0, 64], sizes = [512, 32], strides = [1, 1]} : vector<512x128xf32> to vector<512x32xf32>
    %slice3A_66 = vector.extract_strided_slice %max3A_39 {offsets = [0, 64], sizes = [512, 32], strides = [1, 1]} : vector<512x128xf32> to vector<512x32xf32>
    %concatenate3A_67 = tpu.concatenate %slice3A_65, %slice3A_66, %broadcast_in_dim3A_40 in 1 : vector<512x32xf32>, vector<512x32xf32>, vector<512x8xf32> -> vector<512x72xf32>
    %get3A_68 = arith.constant 0 : index
    %get3A_69 = arith.constant 64 : index
    %get3A_70 = vector.load %arg4[%get3A_68, %get3A_69] : memref<512x128xi32, #tpu.memory_space<vmem>>, vector<512x1xi32>
    %eq3A_71 = vector.broadcast %get3A_70 : vector<512x1xi32> to vector<512x64xi32>
    %eq3A_72 = arith.cmpi eq, %eq3A_71, %iota3A : vector<512x64xi32>
    %convert_element_type3A_73 = arith.extui %eq3A_72 : vector<512x64xi1> to vector<512x64xi32>
    %convert_element_type3A_74 = arith.sitofp %convert_element_type3A_73 : vector<512x64xi32> to vector<512x64xf32>
    %dot_general3A_75 = arith.constant dense<0.000000e+00> : vector<64x72xf32>
    %dot_general3A_76 = tpu.matmul %convert_element_type3A_74, %concatenate3A_67, %dot_general3A_75 {dimension_numbers = #tpu.dot_dimension_numbers<[0], [0], [1], [1], [0, 1, 1, 1], [], []>, precision = #tpu.contract_precision<fp32>, transpose_lhs_hint = false} : vector<512x64xf32>, vector<512x72xf32>, vector<64x72xf32> -> vector<64x72xf32>
    %add3A_77 = arith.addf %add3A_64, %dot_general3A_76 : vector<64x72xf32>
    %slice3A_78 = vector.extract_strided_slice %max3A_22 {offsets = [0, 96], sizes = [512, 32], strides = [1, 1]} : vector<512x128xf32> to vector<512x32xf32>
    %slice3A_79 = vector.extract_strided_slice %max3A_39 {offsets = [0, 96], sizes = [512, 32], strides = [1, 1]} : vector<512x128xf32> to vector<512x32xf32>
    %concatenate3A_80 = tpu.concatenate %slice3A_78, %slice3A_79, %broadcast_in_dim3A_40 in 1 : vector<512x32xf32>, vector<512x32xf32>, vector<512x8xf32> -> vector<512x72xf32>
    %get3A_81 = arith.constant 0 : index
    %get3A_82 = arith.constant 96 : index
    %get3A_83 = vector.load %arg4[%get3A_81, %get3A_82] : memref<512x128xi32, #tpu.memory_space<vmem>>, vector<512x1xi32>
    %eq3A_84 = vector.broadcast %get3A_83 : vector<512x1xi32> to vector<512x64xi32>
    %eq3A_85 = arith.cmpi eq, %eq3A_84, %iota3A : vector<512x64xi32>
    %convert_element_type3A_86 = arith.extui %eq3A_85 : vector<512x64xi1> to vector<512x64xi32>
    %convert_element_type3A_87 = arith.sitofp %convert_element_type3A_86 : vector<512x64xi32> to vector<512x64xf32>
    %dot_general3A_88 = arith.constant dense<0.000000e+00> : vector<64x72xf32>
    %dot_general3A_89 = tpu.matmul %convert_element_type3A_87, %concatenate3A_80, %dot_general3A_88 {dimension_numbers = #tpu.dot_dimension_numbers<[0], [0], [1], [1], [0, 1, 1, 1], [], []>, precision = #tpu.contract_precision<fp32>, transpose_lhs_hint = false} : vector<512x64xf32>, vector<512x72xf32>, vector<64x72xf32> -> vector<64x72xf32>
    %add3A_90 = arith.addf %add3A_77, %dot_general3A_89 : vector<64x72xf32>
    %eq3A_91 = arith.constant 0 : i32
    %eq3A_92 = arith.cmpi eq, %arg0, %eq3A_91 : i32
    %convert_element_type3A_93 = arith.extui %eq3A_92 : i1 to i32
    %cond3A = arith.constant 0 : i32
    %cond3A_94 = arith.cmpi ne, %convert_element_type3A_93, %cond3A : i32
    scf.if %cond3A_94 {
      %broadcast_in_dim3A_101 = arith.constant 0.000000e+00 : f32
      %broadcast_in_dim3A_102 = vector.broadcast %broadcast_in_dim3A_101 : f32 to vector<64x72xf32>
      %swap3A_103 = arith.constant 0 : index
      %swap3A_104 = arith.constant 0 : index
      %swap3A_105 = vector.load %arg6[%swap3A_103, %swap3A_104] : memref<64x72xf32, #tpu.memory_space<vmem>>, vector<64x72xf32>
      tpu.vector_store %arg6[%swap3A_103, %swap3A_104], %broadcast_in_dim3A_102 {strides = array<i32>} : memref<64x72xf32, #tpu.memory_space<vmem>>, vector<64x72xf32>,
    } else {
    }
    %get3A_95 = arith.constant 0 : index
    %get3A_96 = arith.constant 0 : index
    %get3A_97 = vector.load %arg6[%get3A_95, %get3A_96] : memref<64x72xf32, #tpu.memory_space<vmem>>, vector<64x72xf32>
    %add3A_98 = arith.addf %get3A_97, %add3A_90 : vector<64x72xf32>
    %swap3A = arith.constant 0 : index
    %swap3A_99 = arith.constant 0 : index
    %swap3A_100 = vector.load %arg6[%swap3A, %swap3A_99] : memref<64x72xf32, #tpu.memory_space<vmem>>, vector<64x72xf32>
    tpu.vector_store %arg6[%swap3A, %swap3A_99], %add3A_98 {strides = array<i32>} : memref<64x72xf32, #tpu.memory_space<vmem>>, vector<64x72xf32>,
    return
  }
  func.func @transform_0(%arg0: i32) -> (i32, i32, i32) {
    %c0_i32 = arith.constant 0 : i32
    %c0_i32_0 = arith.constant 0 : i32
    %c0_i32_1 = arith.constant 0 : i32
    return %c0_i32, %arg0, %c0_i32_0 : i32, i32, i32
  }
  func.func @transform_1(%arg0: i32) -> (i32, i32, i32) {
    %c0_i32 = arith.constant 0 : i32
    %c0_i32_0 = arith.constant 0 : i32
    %c0_i32_1 = arith.constant 0 : i32
    return %c0_i32, %arg0, %c0_i32_0 : i32, i32, i32
  }
  func.func @transform_2(%arg0: i32) -> (i32, i32) {
    %c0_i32 = arith.constant 0 : i32
    %c0_i32_0 = arith.constant 0 : i32
    return %arg0, %c0_i32 : i32, i32
  }
  func.func @transform_3(%arg0: i32) -> (i32, i32) {
    %c0_i32 = arith.constant 0 : i32
    %c0_i32_0 = arith.constant 0 : i32
    return %arg0, %c0_i32 : i32, i32
  }
  func.func @transform_4(%arg0: i32) -> (i32, i32) {
    %c0_i32 = arith.constant 0 : i32
    %c0_i32_0 = arith.constant 0 : i32
    %c0_i32_1 = arith.constant 0 : i32
    return %c0_i32, %c0_i32_0 : i32, i32
  }
  func.func @transform_5(%arg0: i32) -> (i32, i32) {
    %c0_i32 = arith.constant 0 : i32
    %c0_i32_0 = arith.constant 0 : i32
    %c0_i32_1 = arith.constant 0 : i32
    return %c0_i32, %c0_i32_0 : i32, i32
  }
}

module attributes {stable_mosaic.version = 14 : i64} {
  func.func @body(%arg0: memref<64x72xf32, #tpu.memory_space<vmem>>, %arg1: memref<64x32xf32, #tpu.memory_space<vmem>>, %arg2: memref<1x32xf32, #tpu.memory_space<vmem>>, %arg3: memref<32x2xf32, #tpu.memory_space<vmem>>, %arg4: memref<1x2xf32, #tpu.memory_space<vmem>>, %arg5: memref<64x2xf32, #tpu.memory_space<vmem>>) attributes {dimension_semantics = [], scalar_prefetch = 0 : i64, scratch_operands = 0 : i64, tpu.core_type = #tpu.core_type<tc>} {
    %get3A = arith.constant 0 : index
    %get3A_0 = arith.constant 0 : index
    %get3A_1 = vector.load %arg0[%get3A, %get3A_0] : memref<64x72xf32, #tpu.memory_space<vmem>>, vector<64x64xf32>
    %get3A_2 = arith.constant 0 : index
    %get3A_3 = arith.constant 64 : index
    %get3A_4 = vector.load %arg0[%get3A_2, %get3A_3] : memref<64x72xf32, #tpu.memory_space<vmem>>, vector<64x1xf32>
    %max3A = arith.constant 1.000000e+00 : f32
    %max3A_5 = vector.broadcast %max3A : f32 to vector<64x1xf32>
    %max3A_6 = arith.maximumf %get3A_4, %max3A_5 : vector<64x1xf32>
    %div3A = vector.broadcast %max3A_6 : vector<64x1xf32> to vector<64x64xf32>
    %div3A_7 = arith.divf %get3A_1, %div3A : vector<64x64xf32>
    %get3A_8 = arith.constant 0 : index
    %get3A_9 = arith.constant 0 : index
    %get3A_10 = vector.load %arg1[%get3A_8, %get3A_9] : memref<64x32xf32, #tpu.memory_space<vmem>>, vector<64x32xf32>
    %dot_general3A = arith.constant dense<0.000000e+00> : vector<64x32xf32>
    %dot_general3A_11 = tpu.matmul %div3A_7, %get3A_10, %dot_general3A {dimension_numbers = #tpu.dot_dimension_numbers<[1], [0], [0], [1], [0, 0, 1, 1], [], []>, transpose_lhs_hint = false} : vector<64x64xf32>, vector<64x32xf32>, vector<64x32xf32> -> vector<64x32xf32>
    %get3A_12 = arith.constant 0 : index
    %get3A_13 = arith.constant 0 : index
    %get3A_14 = vector.load %arg2[%get3A_12, %get3A_13] : memref<1x32xf32, #tpu.memory_space<vmem>>, vector<1x32xf32>
    %add3A = vector.broadcast %get3A_14 : vector<1x32xf32> to vector<64x32xf32>
    %add3A_15 = arith.addf %dot_general3A_11, %add3A : vector<64x32xf32>
    %max3A_16 = arith.constant 0.000000e+00 : f32
    %max3A_17 = vector.broadcast %max3A_16 : f32 to vector<64x32xf32>
    %max3A_18 = arith.maximumf %add3A_15, %max3A_17 : vector<64x32xf32>
    %get3A_19 = arith.constant 0 : index
    %get3A_20 = arith.constant 0 : index
    %get3A_21 = vector.load %arg3[%get3A_19, %get3A_20] : memref<32x2xf32, #tpu.memory_space<vmem>>, vector<32x2xf32>
    %dot_general3A_22 = arith.constant dense<0.000000e+00> : vector<64x2xf32>
    %dot_general3A_23 = tpu.matmul %max3A_18, %get3A_21, %dot_general3A_22 {dimension_numbers = #tpu.dot_dimension_numbers<[1], [0], [0], [1], [0, 0, 1, 1], [], []>, transpose_lhs_hint = false} : vector<64x32xf32>, vector<32x2xf32>, vector<64x2xf32> -> vector<64x2xf32>
    %get3A_24 = arith.constant 0 : index
    %get3A_25 = arith.constant 0 : index
    %get3A_26 = vector.load %arg4[%get3A_24, %get3A_25] : memref<1x2xf32, #tpu.memory_space<vmem>>, vector<1x2xf32>
    %add3A_27 = vector.broadcast %get3A_26 : vector<1x2xf32> to vector<64x2xf32>
    %add3A_28 = arith.addf %dot_general3A_23, %add3A_27 : vector<64x2xf32>
    %swap3A = arith.constant 0 : index
    %swap3A_29 = arith.constant 0 : index
    %swap3A_30 = vector.load %arg5[%swap3A, %swap3A_29] : memref<64x2xf32, #tpu.memory_space<vmem>>, vector<64x2xf32>
    tpu.vector_store %arg5[%swap3A, %swap3A_29], %add3A_28 {strides = array<i32>} : memref<64x2xf32, #tpu.memory_space<vmem>>, vector<64x2xf32>,
    return
  }
}

</mosaic_0001>

<sc_bundles>
// kernel: kernel.10.cloned.1.call-start
scs
__scs_entry_jumppad:
0x0: {  	(pc) =	sbr.rel $0x88, $3  }
0x1: {  	(tag) =	ssettag $0x0;
	lr =	simm.s32 $0x1  }
0x2: {  	[smem:$0x3F96] =	sst lr;
	_ =	strace $0xD0000000  }
0x3: {  	_ = 	snop  }
0x4: {  	_ = 	snop  }
0x5: {  	_ = 	snop  }
0x6: {  	_ = 	snop  }
0x7: {  	_ = 	snop  }
__scs_overlays_trampoline_lowered:
0x8: {  	[smem:$0x3FA5] =	sst s0  }
0x9: {  	[smem:$0x3FA6] =	sst s1  }
0xa: {  	[smem:$0x3FA7] =	sst s2  }
0xb: {  	[smem:$0x3FA8] =	sst s3  }
0xc: {  	[smem:$0x3FA9] =	sst s4  }
0xd: {  	[smem:$0x3FAA] =	sst s5  }
0xe: {  	[smem:$0x3FAB] =	sst s6  }
0xf: {  	[smem:$0x3FAC] =	sst s7  }
0x10: {  	[smem:$0x3FAD] =	sst s8  }
0x11: {  	[smem:$0x3FAE] =	sst s9;
	s0 =	simm.s32 @!p0 $0x0  }
0x12: {  	s1 =	sld [smem:$0x3F94];
	s0 =	simm.s32 @p0 $0x1  }
0x13: {  	[smem:$0x3FAF] =	sst s0;
	s0 =	simm.s32 @!p1 $0x0  }
0x14: {  	s2 =	sld [smem:$0x3F93];
	s0 =	simm.s32 @p1 $0x1  }
0x15: {  	[smem:$0x3FB0] =	sst s0;
	s0 =	simm.s32 @!p2 $0x0  }
0x16: {  	s3 =	sld [smem:$0x3FDB];
	s0 =	simm.s32 @p2 $0x1  }
0x17: {  	s4 =	simm.s32 $0x1BF5;
	[smem:$0x3FB2] =	sst s0  }
0x18: {  	s0 =	sld [smem:$0x3F95];
	_ =	swait.ge [sflag:s4], $0x0  }
0x19: {  	s7 =	sld [smem:$0x3F96]  }
0x1a: {  	s8 =	sadd.s32 $0xFFFFE003, lr  }
0x1b: {  	s9 =	sadd.s32 $0xFFFFFEF7, lr;
	s5 =	simm.s32 $0xFFFFFFFF;
	p2 =	slt.u32 s8, $0xFFFFF086  }
0x1c: {  	p1 =	slt.u32 s9, $0xF7A;
	s5 =	simm.s32 @!p2 $0x0  }
0x1d: {  	s5 =	simm.s32 @p1 $0x1;
	p0 =	seq.s32 s7, s2  }
0x1e: {  	s7 =	smul.u32 @!p0 $0xF7A, s2;
	p2 =	seq.s32 @!p0 s5, $0x0  }
0x1f: {  	s9 =	smul.u32 $0xF7A, s1;
	s8 =	simm.s32 @!p0 $0x1BF5;
	p2 =	por !p2, p0  }
0x20: {  	[sflag:s8] =	ssyncset.s32 @!p0 $0xFFFFF086;
	s6 =	sadd.s32 @!p0 s3, s7;
	s7 =	simm.s32 @!p0 $0x108  }
0x21: {  	s3 =	sadd.s32 s3, s9;
	s6 =	sadd.s32 @!p0 $0x88, s6;
	s7 =	simm.s32 @p2 $0x1082  }
0x22: {  	[simem:s7], [sflag:s8] =	dma.local @!p0 [hbm:s6], $0xF7A  }
0x23: {  	s9 =	sor.u32 $0xD0000000, s2;
	s6 =	simm.s32 $0x108;
	_ =	swait.ge @!p0 [sflag:s8], $0x0  }
0x24: {  	s3 =	sadd.s32 $0x88, s3;
	s6 =	simm.s32 @!p1 $0x1082;
	[sflag:s4] =	ssyncset.s32 $0xFFFFF086  }
0x25: {  	[simem:s6], [sflag:s4] =	dma.local [hbm:s3], $0xF7A  }
0x26: {  	[smem:$0x3F96] =	sst s1;
	(tag) =	ssettag s2;
	_ =	strace s9  }
0x27: {  	s1 =	sld [smem:$0x3FA6]  }
0x28: {  	s2 =	sld [smem:$0x3FA7]  }
0x29: {  	s4 =	sld [smem:$0x3FA9]  }
0x2a: {  	p0 =	seq.s32 s5, $0x0;
	s5 =	sld [smem:$0x3FAA]  }
0x2b: {  	s6 =	sld [smem:$0x3FAB]  }
0x2c: {  	s7 =	sld [smem:$0x3FAC]  }
0x2d: {  	s3 =	simm.s32 $0x108;
	s8 =	sld [smem:$0x3FAD]  }
0x2e: {  	s3 =	simm.s32 @!p0 $0x1082;
	s9 =	sld [smem:$0x3FAE]  }
0x2f: {  	lr =	sadd.s32 s0, s3;
	s0 =	sld [smem:$0x3FA5]  }
0x30: {  	s3 =	sld [smem:$0x3FA8]  }
0x31: {  	[smem:$0x3FB1] =	sst s10  }
0x32: {  	s10 =	sld [smem:$0x3FAF];
	_ =	sdelay $0x3  }
0x33: {  	p0 =	seq.s32 s10, $0x1;
	s10 =	sld [smem:$0x3FB1];
	_ =	sdelay $0x3  }
0x34: {  	[smem:$0x3FB1] =	sst s10  }
0x35: {  	s10 =	sld [smem:$0x3FB0];
	_ =	sdelay $0x3  }
0x36: {  	p1 =	seq.s32 s10, $0x1;
	s10 =	sld [smem:$0x3FB1];
	_ =	sdelay $0x3  }
0x37: {  	[smem:$0x3FB1] =	sst s10  }
0x38: {  	s10 =	sld [smem:$0x3FB2]  }
0x39: {  	_ = 	snop;
	(pc) =	sbr.ind lr, $3  }
0x3a: {  	_ = 	snop  }
0x3b: {  	_ = 	snop  }
0x3c: {  	p2 =	seq.s32 s10, $0x1;
	s10 =	sld [smem:$0x3FB1]  }
0x3d: {  	_ =	shalt  }
0x3e: {  	_ =	shalt  }
0x3f: {  	_ =	shalt  }
0x40: {  	_ =	shalt  }
0x41: {  	_ =	shalt  }
0x42: {  	_ =	shalt  }
0x43: {  	_ =	shalt  }
0x44: {  	_ =	shalt  }
0x45: {  	_ =	shalt  }
0x46: {  	_ =	shalt  }
0x47: {  	_ =	shalt  }
0x48: {  	_ =	shalt  }
0x49: {  	_ =	shalt  }
0x4a: {  	_ =	shalt  }
0x4b: {  	_ =	shalt  }
0x4c: {  	_ =	shalt  }
0x4d: {  	_ =	shalt  }
0x4e: {  	_ =	shalt  }
0x4f: {  	_ =	shalt  }
0x50: {  	_ =	shalt  }
0x51: {  	_ =	shalt  }
0x52: {  	_ =	shalt  }
0x53: {  	_ =	shalt  }
0x54: {  	_ =	shalt  }
0x55: {  	_ =	shalt  }
0x56: {  	_ =	shalt  }
0x57: {  	_ =	shalt  }
0x58: {  	_ =	shalt  }
0x59: {  	_ =	shalt  }
0x5a: {  	_ =	shalt  }
0x5b: {  	_ =	shalt  }
0x5c: {  	_ =	shalt  }
0x5d: {  	_ =	shalt  }
0x5e: {  	_ =	shalt  }
0x5f: {  	_ =	shalt  }
0x60: {  	_ =	shalt  }
0x61: {  	_ =	shalt  }
0x62: {  	_ =	shalt  }
0x63: {  	_ =	shalt  }
0x64: {  	_ =	shalt  }
0x65: {  	_ =	shalt  }
0x66: {  	_ =	shalt  }
0x67: {  	_ =	shalt  }
0x68: {  	_ =	shalt  }
0x69: {  	_ =	shalt  }
0x6a: {  	_ =	shalt  }
0x6b: {  	_ =	shalt  }
0x6c: {  	_ =	shalt  }
0x6d: {  	_ =	shalt  }
0x6e: {  	_ =	shalt  }
0x6f: {  	_ =	shalt  }
0x70: {  	_ =	shalt  }
0x71: {  	_ =	shalt  }
0x72: {  	_ =	shalt  }
0x73: {  	_ =	shalt  }
0x74: {  	_ =	shalt  }
0x75: {  	_ =	shalt  }
0x76: {  	_ =	shalt  }
0x77: {  	_ =	shalt  }
0x78: {  	_ =	shalt  }
0x79: {  	_ =	shalt  }
0x7a: {  	_ =	shalt  }
0x7b: {  	_ =	shalt  }
0x7c: {  	_ =	shalt  }
0x7d: {  	_ =	shalt  }
0x7e: {  	_ =	shalt  }
0x7f: {  	_ =	shalt  }
0x80: {  	_ =	shalt  }
0x81: {  	_ =	shalt  }
0x82: {  	_ =	shalt  }
0x83: {  	_ =	shalt  }
0x84: {  	_ =	shalt  }
0x85: {  	_ =	shalt  }
0x86: {  	_ =	shalt  }
0x87: {  	_ =	shalt  }
.Lfunc_end0:
.L_simem_size_0:
called_computation_lowered:
.L_overlay_start_0:
0x88: {  	s2 =	sld [smem:$0x3FD9]  }
0x89: {  	s3 =	sld [smem:$0x3FFE];
	_ =	sdelay $0x1  }
0x8a: {  	s1 =	srdreg.scid  }
0x8b: {  	s0 =	sand.u32 $0x1, s1  }
0x8c: {  	s16 =	sshll.u32 s0, $0xA;
	s2 =	sadd.s32 s3, s2  }
0x8d: {  	s2 =	sadd.s32 s2, s16  }
0x8e: {  	[smem:$0x3FBD] =	sst s2  }
0x8f: {  	_ = 	snop  }
0x90: {  	(tm) =	ssettm $0x1  }
0x91: {  	s17 =	sld [smem:$0x3FFB];
	_ =	sdelay $0x3  }
0x92: {  	_ =	strace s17  }
0x93: {  	s2 =	sld [smem:$0x3FFC];
	_ =	sdelay $0x3  }
0x94: {  	_ =	strace s2  }
0x95: {  	s2 =	sld [smem:$0x3FFD];
	_ =	sdelay $0x3  }
0x96: {  	_ =	strace s2  }
0x97: {  	_ =	strace $0x8FFFFFFF  }
0x98: {  	s18 =	sld [smem:$0x3FDB];
	_ =	sdelay $0x1  }
0x99: {  	s19 =	simm.s32 $_scs_section_size  }
0x9a: {  	s4 =	simm.s32 $_size__tile_overlayer_lowered;
	s5 =	simm.s32 $_tile_overlayer_lowered  }
0x9b: {  	s22 =	simm.s32 $0x1BFF;
	s21 =	sshll.u32 s5, $0x1;
	s2 =	sadd.s32 s19, s18  }
0x9c: {  	s6 =	simm.s32 $0x0;
	s20 =	sshll.u32 s4, $0x1;
	s4 =	sadd.s32 s21, s2  }
0x9d: {  	[timem:s6], [sflag:s22] =	dma.local [hbm:s4], s20  }
0x9e: {  	_ =	swait.ge [sflag:s22], s20  }
0x9f: {  	s3 =	ssub.s32 $0x0, s20;
	[sflag:s22] =	ssyncset.done $0x0  }
0xa0: {  	[sflag:s22] =	ssyncadd.s32 s3;
	_ =	sdelay $0x1  }
0xa1: {  	s23 =	simm.s32 $0x1B8B  }
0xa2: {  	_ =	swait.ge [sflag:s23], $0x1  }
0xa3: {  	[sflag:s23] =	ssyncset.done $0x0  }
0xa4: {  	s25 =	simm.s32 $0x1B8E;
	s24 =	sld [smem:$0x3FFE];
	[sflag:s23] =	ssyncadd.s32 $0xFFFFFFFF  }
0xa5: {  	s26 =	simm.s32 $execute0_lowered;
	[smem:$0x3FD2] =	sst s25  }
0xa6: {  	s4 =	sshll.u32 s26, $0x1;
	_ =	strace $0x80000046;
	[dreg:$0x1] =	wrdreg $0xFFFFFFFF  }
0xa7: {  	s28 =	simm.s32 $_size_execute0_lowered;
	s2 =	sadd.s32 s2, s4;
	[dreg:$0x0] =	wrdreg $0x0  }
0xa8: {  	s4 =	sshll.u32 s28, $0x1;
	[dreg:$0x2] =	wrdreg s2  }
0xa9: {  	[dreg:$0x3] =	wrdreg s4  }
0xaa: {  	[dreg:$0x4] =	wrdreg $0xC0  }
0xab: {  	_ =	task [dreg:s6], $0x5FFFF  }
0xac: {  	[dreg:$0x1] =	wrdreg $0xFFFFFFFF  }
0xad: {  	[dreg:$0x0] =	wrdreg $0x60  }
0xae: {  	[dreg:$0x2] =	wrdreg s24  }
0xaf: {  	[dreg:$0x3] =	wrdreg $0x8600  }
0xb0: {  	[dreg:$0x4] =	wrdreg $0x9  }
0xb1: {  	_ =	task.clear_ibuf [dreg:s6], $0x5FFFF;
	_ =	strace $0x90000046  }
0xb2: {  	s29 =	simm.s32 $0x9;
	_ =	strace $0x80000048  }
0xb3: {  	_ =	swait.ge [sflag:s29], $0x1  }
0xb4: {  	[sflag:s29] =	ssyncadd.s32 $0xFFFFFFFF  }
0xb5: {  	_ =	strace $0x90000048  }
0xb6: {  	_ =	sfence  }
0xb7: {  	s30 =	sld [smem:$0x0];
	_ =	sdelay $0x2  }
0xb8: {  	s31 =	sshll.u32 s1, $0xD;
	s1 =	sshrl.u32 s1, $0x2  }
0xb9: {  	s3 =	sand.u32 $0x4000, s31;
	s1 =	sadd.s32 s1, s30  }
0xba: {  	s0 =	sor.u32 s3, s0;
	s1 =	sshll.u32 s1, $0x11  }
0xbb: {  	s0 =	sor.u32 s1, s0  }
0xbc: {  	s0 =	sadd.s32 $0x8F2B, s0  }
0xbd: {  	[sflag:s0] =	ssyncadd.remote.s32 $0x1  }
0xbe: {  	_ =	sfence.sel $0xFFFF  }
0xbf: {  	[dreg:$0x0] =	wrdreg $0xFFFFFFFF;
	(pc) =	sbr.abs _section_cstart, $3  }
0xc0: {  	[dreg:$0x1] =	wrdreg $0xFFFFFFFF  }
0xc1: {  	_ =	task.clear_ibuf [dreg:s6], $0x2FFFF;
	_ =	strace $0x9FFFFFFF  }
0xc2: {  	(tm) =	ssettm $0x7FFFFFFF  }
0xc3: {  	_ =	shalt  }
tec
execute0_lowered:
.L_overlay_start_1:
0x0: {  	(tag) =	ssettag $0x1  }
0x1: {  	s5 =	rddreg [dreg:$0x0]  }
0x2: {  	s2 =	rddreg [dreg:$0x1]  }
0x3: {  	s0 =	rddreg [dreg:$0x2];
	s4 =	srdreg.scid  }
0x4: {  	s1 =	stileid.u32;
	s3 =	simm.s32 $0x0;
	s15 =	simm.s32 $0x540  }
0x5: {  	s16 =	simm.s32 $0x3;
	s17 =	simm.s32 $0x1C0;
	s18 =	simm.s32 $0x1  }
0x6: {  	s19 =	simm.s32 $0x380;
	s20 =	simm.s32 $0x2;
	s7 =	smul.u32 $0xC80, s1  }
0x7: {  	s22 =	simm.s32 $0x0;
	s6 =	sand.u32 $0x1, s4;
	s12 =	smul.u32 $0x6200, s1  }
0x8: {  	[smem:$0x7FF] =	sst s3;
	s21 =	sshll.u32 s1, $0x6;
	s8 =	smul.u32 $0xC800, s6  }
0x9: {  	s4 =	sshll.u32 s6, $0x4;
	_ =	strace $0x80000047;
	s10 =	ssub.s32 $0x2, s6  }
0xa: {  	s11 =	smul.u32 $0x62000, s6;
	s21 =	sor.u32 $0x1C03, s21;
	s9 =	sor.u32 s1, s4  }
0xb: {  	s4 =	sadd.s32 $0x2800, s5;
	s31 =	sshrl.u32 s10, $0x1;
	s6 =	sadd.s32 s7, s2  }
0xc: {  	s8 =	sadd.s32 s7, s8;
	s9 =	smul.u32 $0x6200, s9;
	s10 =	ssub.s32 s10, s31  }
0xd: {  	s14 =	sadd.s32 s12, s11;
	s11 =	sadd.s32 $0x640, s6;
	s8 =	sshrl.u32 s8, $0x3  }
0xe: {  	s12 =	sadd.s32 $0x540, s14;
	s14 =	sadd.s32 $0x380, s14;
	s9 =	sshrl.u32 s9, $0x3  }
0xf: {  	s8 =	sadd.s32 s8, s5;
	s13 =	sshrl.u32 s12, $0x3;
	s12 =	sadd.s32 $0x960, s6  }
0x10: {  	s5 =	sadd.s32 s4, s9;
	s8 =	sadd.s32 $0x1B000, s8;
	s9 =	smax.u32 s10, $0x1  }
0x11: {  	v0 =	vimm.f32 $1.000000000e+00;
	v1 =	vimm.f32 $0.0e+00;
	s10 =	sadd.s32 $0x320, s6;
	s13 =	sadd.s32 s13, s4;
	s7 =	sadd.s32 $0x38, s5  }
.LBB2_1:
0x12: {  	[tilespmem:$0x380] =	vst v0  }
0x13: {  	[tilespmem:$0x390] =	vst v0  }
0x14: {  	[tilespmem:$0x3A0] =	vst v0  }
0x15: {  	[tilespmem:$0x3B0] =	vst v0  }
0x16: {  	[tilespmem:$0x3C0] =	vst v0  }
0x17: {  	[tilespmem:$0x3D0] =	vst v0  }
0x18: {  	[tilespmem:$0x3E0] =	vst v0  }
0x19: {  	[tilespmem:$0x3F0] =	vst v0  }
0x1a: {  	[tilespmem:$0x400] =	vst v0  }
0x1b: {  	[tilespmem:$0x410] =	vst v0  }
0x1c: {  	[tilespmem:$0x420] =	vst v0  }
0x1d: {  	[tilespmem:$0x430] =	vst v0  }
0x1e: {  	[tilespmem:$0x440] =	vst v0  }
0x1f: {  	[tilespmem:$0x450] =	vst v0  }
0x20: {  	[tilespmem:$0x460] =	vst v0  }
0x21: {  	[tilespmem:$0x470] =	vst v0  }
0x22: {  	[tilespmem:$0x480] =	vst v0  }
0x23: {  	[tilespmem:$0x490] =	vst v0  }
0x24: {  	[tilespmem:$0x4A0] =	vst v0  }
0x25: {  	[tilespmem:$0x4B0] =	vst v0  }
0x26: {  	[tilespmem:$0x4C0] =	vst v0  }
0x27: {  	[tilespmem:$0x4D0] =	vst v0  }
0x28: {  	[tilespmem:$0x4E0] =	vst v0  }
0x29: {  	[tilespmem:$0x4F0] =	vst v0  }
0x2a: {  	[tilespmem:$0x500] =	vst v0  }
0x2b: {  	[tilespmem:$0x510] =	vst v0  }
0x2c: {  	[tilespmem:$0x520] =	vst v0  }
0x2d: {  	[tilespmem:$0x530] =	vst v0;
	s23 =	simm.s32 $0x40;
	s24 =	simm.s32 $0x0  }
.LBB2_2:
0x2e: {  	p0 =	sne.s32 s23, $0xC40;
	[tilespmem:s24+$0x540] =	vst v1;
	s24 =	smov.u32 s23;
	s23 =	sadd.s32 $0x40, s23  }
.Ltmp0:
0x2f: {  	(pc) =	sbr.rel @p0 .LBB2_2-.Ltmp0, $2  }
0x30: {  	_ =	sdelay $0x2  }
0x31: {  	s24 =	sshra.s32 s24, $0x2  }
0x32: {  	[tilespmem:s24+$0x540] =	vst v1  }
0x33: {  	[spmem:s6] =	stream.linear.scatter [tilespmem:s15], [sflag:$0x3], $0x320, $0x38;
	[tilespmem:$0x14E0] =	vst v63  }
0x34: {  	_ =	swait.ge [sflag:s16], $0x320  }
0x35: {  	[sflag:s16] =	ssyncset.done $0x0  }
0x36: {  	[sflag:s16] =	ssyncadd.s32 $0xFFFFFCE0  }
0x37: {  	[spmem:s10] =	stream.linear.scatter [tilespmem:s15], [sflag:$0x3], $0x320, $0x38;
	[tilespmem:$0x14E0] =	vst v63  }
0x38: {  	_ =	swait.ge [sflag:s16], $0x320  }
0x39: {  	[sflag:s16] =	ssyncset.done $0x0  }
0x3a: {  	[sflag:s16] =	ssyncadd.s32 $0xFFFFFCE0  }
0x3b: {  	[spmem:s11] =	stream.linear.scatter [tilespmem:s15], [sflag:$0x3], $0x320, $0x38;
	[tilespmem:$0x14E0] =	vst v63  }
0x3c: {  	_ =	swait.ge [sflag:s16], $0x320  }
0x3d: {  	[sflag:s16] =	ssyncset.done $0x0  }
0x3e: {  	[sflag:s16] =	ssyncadd.s32 $0xFFFFFCE0  }
0x3f: {  	[spmem:s12] =	stream.linear.scatter [tilespmem:s15], [sflag:$0x3], $0x320, $0x38;
	[tilespmem:$0x14E0] =	vst v63  }
0x40: {  	_ =	swait.ge [sflag:s16], $0x320  }
0x41: {  	[sflag:s16] =	ssyncset.done $0x0  }
0x42: {  	[sflag:s16] =	ssyncadd.s32 $0xFFFFFCE0  }
0x43: {  	s23 =	simm.s32 $0x0;
	[bflag:$0x0] =	sbarrier.arrive $0xFFFF  }
0x44: {  	[tilespmem:s23], [sflag:$0x1] =	stream.linear.gather [hbm4b:s5+s23], $0x1C0, $0x38;
	[tilespmem:$0x14E0] =	vst v63  }
0x45: {  	_ = 	snop  }
0x46: {  	[tilespmem:s17], [sflag:$0x2] =	stream.linear.gather [hbm4b:s7+s23], $0x1C0, $0x38;
	[tilespmem:$0x14E0] =	vst v63  }
0x47: {  	_ =	swait.ge [sflag:s18], $0x1C0  }
0x48: {  	[sflag:s18] =	ssyncset.done $0x0  }
0x49: {  	[sflag:s18] =	ssyncadd.s32 $0xFFFFFE40  }
0x4a: {  	[spmem:s2] =	stream.indirect.scatter.add.f32 [tilespmem:s19], [sflag:$0x3], $0x1, s3, s17, $0xb8;
	[tilespmem:$0x14E0] =	vst v63  }
0x4b: {  	_ =	swait.ge [sflag:s16], $0x1C0  }
0x4c: {  	s31 =	sshrl.u32 s14, $0x3;
	[sflag:s16] =	ssyncset.done $0x0  }
0x4d: {  	s23 =	sadd.s32 s4, s31;
	[sflag:s16] =	ssyncadd.s32 $0xFFFFFE40  }
0x4e: {  	[tilespmem:s3], [sflag:$0x1] =	stream.linear.gather [hbm4b:s23+s3], $0x1C0, $0x38;
	[tilespmem:$0x14E0] =	vst v63  }
0x4f: {  	_ =	swait.ge [sflag:s20], $0x1C0  }
0x50: {  	[sflag:s20] =	ssyncset.done $0x0  }
0x51: {  	[sflag:s20] =	ssyncadd.s32 $0xFFFFFE40  }
0x52: {  	[spmem:s2] =	stream.indirect.scatter.add.f32 [tilespmem:s19], [sflag:$0x3], $0x1, s17, s17, $0xb8;
	[tilespmem:$0x14E0] =	vst v63  }
0x53: {  	_ =	swait.ge [sflag:s16], $0x1C0  }
0x54: {  	s25 =	sadd.s32 $0x0, s13;
	[sflag:s16] =	ssyncset.done $0x0  }
0x55: {  	s24 =	sadd.s32 $0x380, s14;
	s23 =	simm.s32 $0x70;
	[sflag:s16] =	ssyncadd.s32 $0xFFFFFE40  }
.LBB2_4:
0x56: {  	[tilespmem:s17], [sflag:$0x2] =	stream.linear.gather [hbm4b:s25+s3], $0x1C0, $0x38;
	[tilespmem:$0x14E0] =	vst v63  }
0x57: {  	s25 =	smov.u32 s23  }
0x58: {  	p0 =	sne.s32 s23, $0xB60;
	s23 =	sadd.s32 $0x70, s23;
	_ =	swait.ge [sflag:s18], $0x1C0  }
0x59: {  	[sflag:s18] =	ssyncset.done $0x0  }
0x5a: {  	[sflag:s18] =	ssyncadd.s32 $0xFFFFFE40  }
0x5b: {  	[spmem:s2] =	stream.indirect.scatter.add.f32 [tilespmem:s19], [sflag:$0x3], $0x1, s3, s17, $0xb8;
	[tilespmem:$0x14E0] =	vst v63  }
0x5c: {  	_ =	swait.ge [sflag:s16], $0x1C0  }
0x5d: {  	s26 =	sshrl.u32 s24, $0x3;
	[sflag:s16] =	ssyncset.done $0x0  }
0x5e: {  	s26 =	sadd.s32 s4, s26;
	[sflag:s16] =	ssyncadd.s32 $0xFFFFFE40  }
0x5f: {  	[tilespmem:s3], [sflag:$0x1] =	stream.linear.gather [hbm4b:s26+s3], $0x1C0, $0x38;
	[tilespmem:$0x14E0] =	vst v63  }
0x60: {  	_ =	swait.ge [sflag:s20], $0x1C0  }
0x61: {  	[sflag:s20] =	ssyncset.done $0x0  }
.Ltmp1:
0x62: {  	[sflag:s20] =	ssyncadd.s32 $0xFFFFFE40;
	(pc) =	sbr.rel @p0 .LBB2_4-.Ltmp1, $4  }
0x63: {  	[spmem:s2] =	stream.indirect.scatter.add.f32 [tilespmem:s19], [sflag:$0x3], $0x1, s17, s17, $0xb8;
	[tilespmem:$0x14E0] =	vst v63  }
0x64: {  	_ =	swait.ge [sflag:s16], $0x1C0  }
0x65: {  	[sflag:s16] =	ssyncset.done $0x0  }
0x66: {  	s24 =	sadd.s32 $0x380, s24;
	s25 =	sadd.s32 s25, s13;
	[sflag:s16] =	ssyncadd.s32 $0xFFFFFE40  }
0x67: {  	[tilespmem:s17], [sflag:$0x2] =	stream.linear.gather [hbm4b:s25+s3], $0x1C0, $0x38;
	[tilespmem:$0x14E0] =	vst v63  }
0x68: {  	_ =	swait.ge [sflag:s18], $0x1C0  }
0x69: {  	[sflag:s18] =	ssyncset.done $0x0  }
0x6a: {  	[sflag:s18] =	ssyncadd.s32 $0xFFFFFE40  }
0x6b: {  	[spmem:s2] =	stream.indirect.scatter.add.f32 [tilespmem:s19], [sflag:$0x3], $0x1, s3, s17, $0xb8;
	[tilespmem:$0x14E0] =	vst v63  }
0x6c: {  	_ =	swait.ge [sflag:s16], $0x1C0  }
0x6d: {  	[sflag:s16] =	ssyncset.done $0x0  }
0x6e: {  	[sflag:s16] =	ssyncadd.s32 $0xFFFFFE40  }
0x6f: {  	_ =	swait.ge [sflag:s20], $0x1C0  }
0x70: {  	[sflag:s20] =	ssyncset.done $0x0  }
0x71: {  	[sflag:s20] =	ssyncadd.s32 $0xFFFFFE40  }
0x72: {  	[spmem:s2] =	stream.indirect.scatter.add.f32 [tilespmem:s19], [sflag:$0x3], $0x1, s17, s17, $0xb8;
	[tilespmem:$0x14E0] =	vst v63  }
0x73: {  	_ =	swait.ge [sflag:s16], $0x1C0  }
0x74: {  	s22 =	sadd.s32 $0x1, s22;
	[sflag:s16] =	ssyncset.done $0x0  }
0x75: {  	p0 =	sne.s32 s22, s9;
	[sflag:s16] =	ssyncadd.s32 $0xFFFFFE40  }
.Ltmp2:
0x76: {  	s23 =	sshrl.u32 s6, $0x3;
	[bflag:$0x0] =	sbarrier.arrive $0xFFFF;
	(pc) =	sbr.rel @p0 .LBB2_1-.Ltmp2, $4  }
0x77: {  	[hbm:s8], [sflag:s21] =	dma.local [spmem:s23], $0x190  }
0x78: {  	_ =	swait.ge [sflag:s16], $0x190  }
0x79: {  	[sflag:s16] =	ssyncset.done $0x0  }
0x7a: {  	[sflag:s16] =	ssyncadd.s32 $0xFFFFFE70  }
0x7b: {  	_ =	sfence.sel $0x180000  }
0x7c: {  	[bflag:$0x0] =	sbarrier.arrive $0xFFFF  }
0x7d: {  	p0 =	sne.s32 s1, $0x0;
	_ =	strace $0x90000047  }
0x7e: {  	s0 =	sadd.s32 @!p0 $0x100000, s0;
	[bflag:$0x2] =	sbarrier.arrive $0xFFFF  }
0x7f: {  	[sflag:s0] =	ssyncadd.tile.s32 @!p0 $0x1;
	_ =	shalt  }
.Lfunc_end2:
_tile_overlayer_lowered:
.L_overlay_start_2:
0x80: {  	(tag) =	ssettag $0x2  }
0x81: {  	s0 =	rddreg [dreg:$0x0];
	s2 =	stileid.u32  }
0x82: {  	s1 =	rddreg [dreg:$0x1];
	p0 =	sne.s32 s2, $0x0  }
0x83: {  	s3 =	rddreg [dreg:$0x2];
	[bflag:$0x3] =	sbarrier.arrive $0xFFFF;
	s2 =	simm.s32 @!p0 $0x1C03  }
0x84: {  	[timem:s3], [sflag:s2] =	dma.local @!p0 [hbm:s0], s1  }
0x85: {  	s0 =	simm.s32 @!p0 $0x3  }
0x86: {  	_ =	swait.ge @!p0 [sflag:s0], s1  }
0x87: {  	s1 =	ssub.s32 @!p0 $0x0, s1;
	[sflag:s0] =	ssyncset.done @!p0 $0x0  }
0x88: {  	[sflag:s0] =	ssyncadd.s32 @!p0 s1  }
0x89: {  	[bflag:$0x3] =	sbarrier.arrive $0xFFFF  }
0x8a: {  	_ =	shalt  }

// kernel: kernel.13.cloned.1.call-start
scs
__scs_entry_jumppad:
0x0: {  	(pc) =	sbr.rel $0x88, $3  }
0x1: {  	(tag) =	ssettag $0x0;
	lr =	simm.s32 $0x1  }
0x2: {  	[smem:$0x3F96] =	sst lr;
	_ =	strace $0xD0000000  }
0x3: {  	_ = 	snop  }
0x4: {  	_ = 	snop  }
0x5: {  	_ = 	snop  }
0x6: {  	_ = 	snop  }
0x7: {  	_ = 	snop  }
__scs_overlays_trampoline_lowered:
0x8: {  	[smem:$0x3FA5] =	sst s0  }
0x9: {  	[smem:$0x3FA6] =	sst s1  }
0xa: {  	[smem:$0x3FA7] =	sst s2  }
0xb: {  	[smem:$0x3FA8] =	sst s3  }
0xc: {  	[smem:$0x3FA9] =	sst s4  }
0xd: {  	[smem:$0x3FAA] =	sst s5  }
0xe: {  	[smem:$0x3FAB] =	sst s6  }
0xf: {  	[smem:$0x3FAC] =	sst s7  }
0x10: {  	[smem:$0x3FAD] =	sst s8  }
0x11: {  	[smem:$0x3FAE] =	sst s9;
	s0 =	simm.s32 @!p0 $0x0  }
0x12: {  	s1 =	sld [smem:$0x3F94];
	s0 =	simm.s32 @p0 $0x1  }
0x13: {  	[smem:$0x3FAF] =	sst s0;
	s0 =	simm.s32 @!p1 $0x0  }
0x14: {  	s2 =	sld [smem:$0x3F93];
	s0 =	simm.s32 @p1 $0x1  }
0x15: {  	[smem:$0x3FB0] =	sst s0;
	s0 =	simm.s32 @!p2 $0x0  }
0x16: {  	s3 =	sld [smem:$0x3FDB];
	s0 =	simm.s32 @p2 $0x1  }
0x17: {  	s4 =	simm.s32 $0x1BF5;
	[smem:$0x3FB2] =	sst s0  }
0x18: {  	s0 =	sld [smem:$0x3F95];
	_ =	swait.ge [sflag:s4], $0x0  }
0x19: {  	s7 =	sld [smem:$0x3F96]  }
0x1a: {  	s8 =	sadd.s32 $0xFFFFE003, lr  }
0x1b: {  	s9 =	sadd.s32 $0xFFFFFEF7, lr;
	s5 =	simm.s32 $0xFFFFFFFF;
	p2 =	slt.u32 s8, $0xFFFFF086  }
0x1c: {  	p1 =	slt.u32 s9, $0xF7A;
	s5 =	simm.s32 @!p2 $0x0  }
0x1d: {  	s5 =	simm.s32 @p1 $0x1;
	p0 =	seq.s32 s7, s2  }
0x1e: {  	s7 =	smul.u32 @!p0 $0xF7A, s2;
	p2 =	seq.s32 @!p0 s5, $0x0  }
0x1f: {  	s9 =	smul.u32 $0xF7A, s1;
	s8 =	simm.s32 @!p0 $0x1BF5;
	p2 =	por !p2, p0  }
0x20: {  	[sflag:s8] =	ssyncset.s32 @!p0 $0xFFFFF086;
	s6 =	sadd.s32 @!p0 s3, s7;
	s7 =	simm.s32 @!p0 $0x108  }
0x21: {  	s3 =	sadd.s32 s3, s9;
	s6 =	sadd.s32 @!p0 $0x88, s6;
	s7 =	simm.s32 @p2 $0x1082  }
0x22: {  	[simem:s7], [sflag:s8] =	dma.local @!p0 [hbm:s6], $0xF7A  }
0x23: {  	s9 =	sor.u32 $0xD0000000, s2;
	s6 =	simm.s32 $0x108;
	_ =	swait.ge @!p0 [sflag:s8], $0x0  }
0x24: {  	s3 =	sadd.s32 $0x88, s3;
	s6 =	simm.s32 @!p1 $0x1082;
	[sflag:s4] =	ssyncset.s32 $0xFFFFF086  }
0x25: {  	[simem:s6], [sflag:s4] =	dma.local [hbm:s3], $0xF7A  }
0x26: {  	[smem:$0x3F96] =	sst s1;
	(tag) =	ssettag s2;
	_ =	strace s9  }
0x27: {  	s1 =	sld [smem:$0x3FA6]  }
0x28: {  	s2 =	sld [smem:$0x3FA7]  }
0x29: {  	s4 =	sld [smem:$0x3FA9]  }
0x2a: {  	p0 =	seq.s32 s5, $0x0;
	s5 =	sld [smem:$0x3FAA]  }
0x2b: {  	s6 =	sld [smem:$0x3FAB]  }
0x2c: {  	s7 =	sld [smem:$0x3FAC]  }
0x2d: {  	s3 =	simm.s32 $0x108;
	s8 =	sld [smem:$0x3FAD]  }
0x2e: {  	s3 =	simm.s32 @!p0 $0x1082;
	s9 =	sld [smem:$0x3FAE]  }
0x2f: {  	lr =	sadd.s32 s0, s3;
	s0 =	sld [smem:$0x3FA5]  }
0x30: {  	s3 =	sld [smem:$0x3FA8]  }
0x31: {  	[smem:$0x3FB1] =	sst s10  }
0x32: {  	s10 =	sld [smem:$0x3FAF];
	_ =	sdelay $0x3  }
0x33: {  	p0 =	seq.s32 s10, $0x1;
	s10 =	sld [smem:$0x3FB1];
	_ =	sdelay $0x3  }
0x34: {  	[smem:$0x3FB1] =	sst s10  }
0x35: {  	s10 =	sld [smem:$0x3FB0];
	_ =	sdelay $0x3  }
0x36: {  	p1 =	seq.s32 s10, $0x1;
	s10 =	sld [smem:$0x3FB1];
	_ =	sdelay $0x3  }
0x37: {  	[smem:$0x3FB1] =	sst s10  }
0x38: {  	s10 =	sld [smem:$0x3FB2]  }
0x39: {  	_ = 	snop;
	(pc) =	sbr.ind lr, $3  }
0x3a: {  	_ = 	snop  }
0x3b: {  	_ = 	snop  }
0x3c: {  	p2 =	seq.s32 s10, $0x1;
	s10 =	sld [smem:$0x3FB1]  }
0x3d: {  	_ =	shalt  }
0x3e: {  	_ =	shalt  }
0x3f: {  	_ =	shalt  }
0x40: {  	_ =	shalt  }
0x41: {  	_ =	shalt  }
0x42: {  	_ =	shalt  }
0x43: {  	_ =	shalt  }
0x44: {  	_ =	shalt  }
0x45: {  	_ =	shalt  }
0x46: {  	_ =	shalt  }
0x47: {  	_ =	shalt  }
0x48: {  	_ =	shalt  }
0x49: {  	_ =	shalt  }
0x4a: {  	_ =	shalt  }
0x4b: {  	_ =	shalt  }
0x4c: {  	_ =	shalt  }
0x4d: {  	_ =	shalt  }
0x4e: {  	_ =	shalt  }
0x4f: {  	_ =	shalt  }
0x50: {  	_ =	shalt  }
0x51: {  	_ =	shalt  }
0x52: {  	_ =	shalt  }
0x53: {  	_ =	shalt  }
0x54: {  	_ =	shalt  }
0x55: {  	_ =	shalt  }
0x56: {  	_ =	shalt  }
0x57: {  	_ =	shalt  }
0x58: {  	_ =	shalt  }
0x59: {  	_ =	shalt  }
0x5a: {  	_ =	shalt  }
0x5b: {  	_ =	shalt  }
0x5c: {  	_ =	shalt  }
0x5d: {  	_ =	shalt  }
0x5e: {  	_ =	shalt  }
0x5f: {  	_ =	shalt  }
0x60: {  	_ =	shalt  }
0x61: {  	_ =	shalt  }
0x62: {  	_ =	shalt  }
0x63: {  	_ =	shalt  }
0x64: {  	_ =	shalt  }
0x65: {  	_ =	shalt  }
0x66: {  	_ =	shalt  }
0x67: {  	_ =	shalt  }
0x68: {  	_ =	shalt  }
0x69: {  	_ =	shalt  }
0x6a: {  	_ =	shalt  }
0x6b: {  	_ =	shalt  }
0x6c: {  	_ =	shalt  }
0x6d: {  	_ =	shalt  }
0x6e: {  	_ =	shalt  }
0x6f: {  	_ =	shalt  }
0x70: {  	_ =	shalt  }
0x71: {  	_ =	shalt  }
0x72: {  	_ =	shalt  }
0x73: {  	_ =	shalt  }
0x74: {  	_ =	shalt  }
0x75: {  	_ =	shalt  }
0x76: {  	_ =	shalt  }
0x77: {  	_ =	shalt  }
0x78: {  	_ =	shalt  }
0x79: {  	_ =	shalt  }
0x7a: {  	_ =	shalt  }
0x7b: {  	_ =	shalt  }
0x7c: {  	_ =	shalt  }
0x7d: {  	_ =	shalt  }
0x7e: {  	_ =	shalt  }
0x7f: {  	_ =	shalt  }
0x80: {  	_ =	shalt  }
0x81: {  	_ =	shalt  }
0x82: {  	_ =	shalt  }
0x83: {  	_ =	shalt  }
0x84: {  	_ =	shalt  }
0x85: {  	_ =	shalt  }
0x86: {  	_ =	shalt  }
0x87: {  	_ =	shalt  }
.Lfunc_end0:
.L_simem_size_0:
called_computation.1_lowered:
.L_overlay_start_0:
0x88: {  	s2 =	sld [smem:$0x3FD9]  }
0x89: {  	s3 =	sld [smem:$0x3FFE];
	_ =	sdelay $0x1  }
0x8a: {  	s1 =	srdreg.scid  }
0x8b: {  	s0 =	sand.u32 $0x1, s1  }
0x8c: {  	s16 =	sshll.u32 s0, $0xA;
	s2 =	sadd.s32 s3, s2  }
0x8d: {  	s2 =	sadd.s32 s2, s16  }
0x8e: {  	[smem:$0x3FBD] =	sst s2  }
0x8f: {  	_ = 	snop  }
0x90: {  	(tm) =	ssettm $0x1  }
0x91: {  	s17 =	sld [smem:$0x3FFB];
	_ =	sdelay $0x3  }
0x92: {  	_ =	strace s17  }
0x93: {  	s2 =	sld [smem:$0x3FFC];
	_ =	sdelay $0x3  }
0x94: {  	_ =	strace s2  }
0x95: {  	s2 =	sld [smem:$0x3FFD];
	_ =	sdelay $0x3  }
0x96: {  	_ =	strace s2  }
0x97: {  	_ =	strace $0x8FFFFFFF  }
0x98: {  	s18 =	sld [smem:$0x3FDB];
	_ =	sdelay $0x1  }
0x99: {  	s19 =	simm.s32 $_scs_section_size  }
0x9a: {  	s4 =	simm.s32 $_size__tile_overlayer_lowered;
	s5 =	simm.s32 $_tile_overlayer_lowered  }
0x9b: {  	s22 =	simm.s32 $0x1BFF;
	s21 =	sshll.u32 s5, $0x1;
	s2 =	sadd.s32 s19, s18  }
0x9c: {  	s6 =	simm.s32 $0x0;
	s20 =	sshll.u32 s4, $0x1;
	s4 =	sadd.s32 s21, s2  }
0x9d: {  	[timem:s6], [sflag:s22] =	dma.local [hbm:s4], s20  }
0x9e: {  	_ =	swait.ge [sflag:s22], s20  }
0x9f: {  	s3 =	ssub.s32 $0x0, s20;
	[sflag:s22] =	ssyncset.done $0x0  }
0xa0: {  	[sflag:s22] =	ssyncadd.s32 s3;
	_ =	sdelay $0x1  }
0xa1: {  	s23 =	simm.s32 $0x1B8B  }
0xa2: {  	_ =	swait.ge [sflag:s23], $0x1  }
0xa3: {  	[sflag:s23] =	ssyncset.done $0x0  }
0xa4: {  	s25 =	simm.s32 $0x1B8E;
	s24 =	sld [smem:$0x3FFE];
	[sflag:s23] =	ssyncadd.s32 $0xFFFFFFFF  }
0xa5: {  	s26 =	simm.s32 $execute0_lowered;
	[smem:$0x3FD2] =	sst s25  }
0xa6: {  	s4 =	sshll.u32 s26, $0x1;
	_ =	strace $0x80000049;
	[dreg:$0x1] =	wrdreg $0xFFFFFFFF  }
0xa7: {  	s28 =	simm.s32 $_size_execute0_lowered;
	s2 =	sadd.s32 s2, s4;
	[dreg:$0x0] =	wrdreg $0x0  }
0xa8: {  	s4 =	sshll.u32 s28, $0x1;
	[dreg:$0x2] =	wrdreg s2  }
0xa9: {  	[dreg:$0x3] =	wrdreg s4  }
0xaa: {  	[dreg:$0x4] =	wrdreg $0xC0  }
0xab: {  	_ =	task [dreg:s6], $0x5FFFF  }
0xac: {  	[dreg:$0x1] =	wrdreg $0xFFFFFFFF  }
0xad: {  	[dreg:$0x0] =	wrdreg $0x60  }
0xae: {  	[dreg:$0x2] =	wrdreg s24  }
0xaf: {  	[dreg:$0x3] =	wrdreg $0x5D000  }
0xb0: {  	[dreg:$0x4] =	wrdreg $0x9  }
0xb1: {  	_ =	task.clear_ibuf [dreg:s6], $0x5FFFF;
	_ =	strace $0x90000049  }
0xb2: {  	s29 =	simm.s32 $0x9;
	_ =	strace $0x8000004B  }
0xb3: {  	_ =	swait.ge [sflag:s29], $0x1  }
0xb4: {  	[sflag:s29] =	ssyncadd.s32 $0xFFFFFFFF  }
0xb5: {  	_ =	strace $0x9000004B  }
0xb6: {  	_ =	sfence  }
0xb7: {  	s30 =	sld [smem:$0x0];
	_ =	sdelay $0x2  }
0xb8: {  	s31 =	sshll.u32 s1, $0xD;
	s1 =	sshrl.u32 s1, $0x2  }
0xb9: {  	s3 =	sand.u32 $0x4000, s31;
	s1 =	sadd.s32 s1, s30  }
0xba: {  	s0 =	sor.u32 s3, s0;
	s1 =	sshll.u32 s1, $0x11  }
0xbb: {  	s0 =	sor.u32 s1, s0  }
0xbc: {  	s0 =	sadd.s32 $0x8F2B, s0  }
0xbd: {  	[sflag:s0] =	ssyncadd.remote.s32 $0x1  }
0xbe: {  	_ =	sfence.sel $0xFFFF  }
0xbf: {  	[dreg:$0x0] =	wrdreg $0xFFFFFFFF;
	(pc) =	sbr.abs _section_cstart, $3  }
0xc0: {  	[dreg:$0x1] =	wrdreg $0xFFFFFFFF  }
0xc1: {  	_ =	task.clear_ibuf [dreg:s6], $0x2FFFF;
	_ =	strace $0x9FFFFFFF  }
0xc2: {  	(tm) =	ssettm $0x7FFFFFFF  }
0xc3: {  	_ =	shalt  }
tec
execute0_lowered:
.L_overlay_start_1:
0x0: {  	(tag) =	ssettag $0x1  }
0x1: {  	s0 =	rddreg [dreg:$0x0];
	s13 =	stileid.u32  }
0x2: {  	s1 =	rddreg [dreg:$0x1];
	s7 =	smul.u32 $0x19000, s13  }
0x3: {  	s2 =	srdreg.scid;
	s11 =	smul.u32 $0x64000, s13  }
0x4: {  	s3 =	simm.s32 $0x0;
	s2 =	sand.u32 $0x1, s2;
	s14 =	smul.u32 $0x6200, s13  }
0x5: {  	[smem:$0x7FF] =	sst s3;
	s4 =	sadd.s32 $0xE6200, s0;
	s6 =	smul.u32 $0x190000, s2  }
0x6: {  	s5 =	sshll.u32 s2, $0x4;
	_ =	strace $0x8000004A;
	s10 =	ssub.s32 $0x2, s2  }
0x7: {  	s2 =	smul.u32 $0x62000, s2;
	s8 =	sor.u32 s13, s5;
	s5 =	sadd.s32 $0x2800, s0  }
0x8: {  	s25 =	sshrl.u32 s10, $0x1;
	s9 =	sadd.s32 s7, s6;
	s8 =	smul.u32 $0x6200, s8  }
0x9: {  	s13 =	simm.s32 $0x3;
	s6 =	sadd.s32 $0x1B000, s0;
	s9 =	sshrl.u32 s9, $0x3  }
0xa: {  	s7 =	sadd.s32 s7, s1;
	s0 =	sadd.s32 s9, s0;
	s8 =	sshrl.u32 s8, $0x3  }
0xb: {  	s9 =	ssub.s32 s10, s25;
	s25 =	sshrl.u32 s7, $0x3;
	s7 =	simm.s32 $0x4400  }
0xc: {  	s26 =	sor.u32 $0x20, s8;
	s12 =	sadd.s32 s4, s8;
	[dreg:$0x11] =	wrdreg s25  }
0xd: {  	s8 =	sadd.s32 s5, s8;
	s0 =	sadd.s32 $0x4D000, s0;
	[dreg:$0x3] =	wrdreg s12  }
0xe: {  	s15 =	smax.u32 s9, $0x1;
	s9 =	simm.s32 $0x200;
	[dreg:$0x4] =	wrdreg s8  }
0xf: {  	s28 =	sadd.s32 s4, s26;
	s10 =	sadd.s32 s5, s26;
	[dreg:$0x7] =	wrdreg s0  }
0x10: {  	s12 =	sshrl.u32 s11, $0x2;
	[dreg:$0x8] =	wrdreg s15;
	s0 =	sadd.s32 s14, s2  }
0x11: {  	s8 =	simm.s32 $0x5;
	[dreg:$0x5] =	wrdreg s28;
	s12 =	sadd.s32 s12, s1  }
0x12: {  	s11 =	simm.s32 $0x300;
	[dreg:$0x6] =	wrdreg s10;
	s16 =	sadd.s32 $0x1900, s12  }
0x13: {  	s14 =	simm.s32 $0x400;
	s17 =	sadd.s32 $0x3200, s12;
	[dreg:$0x9] =	wrdreg s16  }
0x14: {  	s15 =	simm.s32 $0x1;
	s18 =	sadd.s32 $0x4B00, s12;
	[dreg:$0xa] =	wrdreg s17  }
0x15: {  	s21 =	sadd.s32 $0x300, s0;
	s19 =	sadd.s32 $0x6400, s12;
	[dreg:$0xb] =	wrdreg s18  }
0x16: {  	s10 =	simm.s32 $0x100;
	s20 =	sadd.s32 $0x7D00, s12;
	[dreg:$0xc] =	wrdreg s19  }
0x17: {  	s22 =	sadd.s32 $0x9600, s12;
	s23 =	sadd.s32 $0xAF00, s12;
	[dreg:$0xd] =	wrdreg s20  }
0x18: {  	s2 =	sshrl.u32 s21, $0x3;
	s24 =	sadd.s32 $0xC800, s12;
	[dreg:$0xe] =	wrdreg s22  }
0x19: {  	s26 =	sadd.s32 $0xE100, s12;
	s28 =	sadd.s32 $0xFA00, s12;
	[dreg:$0xf] =	wrdreg s23  }
0x1a: {  	s29 =	sadd.s32 $0x11300, s12;
	s30 =	sadd.s32 $0x12C00, s12;
	[dreg:$0x10] =	wrdreg s24  }
0x1b: {  	s31 =	sadd.s32 $0x14500, s12;
	s22 =	sadd.s32 s2, s5;
	[dreg:$0x12] =	wrdreg s26  }
0x1c: {  	s23 =	sadd.s32 s2, s4;
	s24 =	sadd.s32 $0x200, s0;
	[dreg:$0x13] =	wrdreg s28  }
0x1d: {  	s0 =	sadd.s32 $0x15E00, s12;
	s2 =	sadd.s32 $0x17700, s12;
	s16 =	simm.s32 $0x4  }
0x1e: {  	v0 =	vimm.f32 $0.0e+00;
	s17 =	simm.s32 $0x2400;
	s18 =	simm.s32 $0x2;
	s19 =	simm.s32 $0x0  }
.LBB2_1:
0x1f: {  	s20 =	simm.s32 $0x80;
	s21 =	simm.s32 $0x0  }
.LBB2_2:
0x20: {  	p0 =	sne.s32 s20, $0x6380;
	[tilespmem:s21+$0x4400] =	vst v0;
	s25 =	smov.u32 s20;
	s20 =	sadd.s32 $0x80, s20  }
.Ltmp0:
0x21: {  	[tilespmem:s21+$0x4410] =	vst v0;
	(pc) =	sbr.rel @p0 .LBB2_2-.Ltmp0, $2  }
0x22: {  	_ =	sdelay $0x2  }
0x23: {  	s21 =	sshra.s32 s25, $0x2  }
0x24: {  	[tilespmem:s21+$0x4400] =	vst v0  }
0x25: {  	[tilespmem:s21+$0x4410] =	vst v0  }
0x26: {  	[spmem:s12] =	stream.linear.scatter [tilespmem:s7], [sflag:$0x5], $0x1900, $0x38;
	[tilespmem:$0x1ED00] =	vst v63  }
0x27: {  	_ =	swait.ge [sflag:s8], $0x1900  }
0x28: {  	[sflag:s8] =	ssyncset.done $0x0  }
0x29: {  	s20 =	rddreg [dreg:$0x9];
	[sflag:s8] =	ssyncadd.s32 $0xFFFFE700  }
0x2a: {  	[spmem:s20] =	stream.linear.scatter [tilespmem:s7], [sflag:$0x5], $0x1900, $0x38;
	[tilespmem:$0x1ED00] =	vst v63  }
0x2b: {  	_ =	swait.ge [sflag:s8], $0x1900  }
0x2c: {  	[sflag:s8] =	ssyncset.done $0x0  }
0x2d: {  	s26 =	rddreg [dreg:$0xa];
	[sflag:s8] =	ssyncadd.s32 $0xFFFFE700  }
0x2e: {  	[spmem:s26] =	stream.linear.scatter [tilespmem:s7], [sflag:$0x5], $0x1900, $0x38;
	[tilespmem:$0x1ED00] =	vst v63  }
0x2f: {  	_ =	swait.ge [sflag:s8], $0x1900  }
0x30: {  	[sflag:s8] =	ssyncset.done $0x0  }
0x31: {  	s28 =	rddreg [dreg:$0xb];
	[sflag:s8] =	ssyncadd.s32 $0xFFFFE700  }
0x32: {  	[spmem:s28] =	stream.linear.scatter [tilespmem:s7], [sflag:$0x5], $0x1900, $0x38;
	[tilespmem:$0x1ED00] =	vst v63  }
0x33: {  	_ =	swait.ge [sflag:s8], $0x1900  }
0x34: {  	[sflag:s8] =	ssyncset.done $0x0  }
0x35: {  	s21 =	rddreg [dreg:$0xc];
	[sflag:s8] =	ssyncadd.s32 $0xFFFFE700  }
0x36: {  	[spmem:s21] =	stream.linear.scatter [tilespmem:s7], [sflag:$0x5], $0x1900, $0x38;
	[tilespmem:$0x1ED00] =	vst v63  }
0x37: {  	_ =	swait.ge [sflag:s8], $0x1900  }
0x38: {  	[sflag:s8] =	ssyncset.done $0x0  }
0x39: {  	s25 =	rddreg [dreg:$0xd];
	[sflag:s8] =	ssyncadd.s32 $0xFFFFE700  }
0x3a: {  	[spmem:s25] =	stream.linear.scatter [tilespmem:s7], [sflag:$0x5], $0x1900, $0x38;
	[tilespmem:$0x1ED00] =	vst v63  }
0x3b: {  	_ =	swait.ge [sflag:s8], $0x1900  }
0x3c: {  	[sflag:s8] =	ssyncset.done $0x0  }
0x3d: {  	s26 =	rddreg [dreg:$0xe];
	[sflag:s8] =	ssyncadd.s32 $0xFFFFE700  }
0x3e: {  	[spmem:s26] =	stream.linear.scatter [tilespmem:s7], [sflag:$0x5], $0x1900, $0x38;
	[tilespmem:$0x1ED00] =	vst v63  }
0x3f: {  	_ =	swait.ge [sflag:s8], $0x1900  }
0x40: {  	[sflag:s8] =	ssyncset.done $0x0  }
0x41: {  	s28 =	rddreg [dreg:$0xf];
	[sflag:s8] =	ssyncadd.s32 $0xFFFFE700  }
0x42: {  	[spmem:s28] =	stream.linear.scatter [tilespmem:s7], [sflag:$0x5], $0x1900, $0x38;
	[tilespmem:$0x1ED00] =	vst v63  }
0x43: {  	_ =	swait.ge [sflag:s8], $0x1900  }
0x44: {  	[sflag:s8] =	ssyncset.done $0x0  }
0x45: {  	s21 =	rddreg [dreg:$0x10];
	[sflag:s8] =	ssyncadd.s32 $0xFFFFE700  }
0x46: {  	[spmem:s21] =	stream.linear.scatter [tilespmem:s7], [sflag:$0x5], $0x1900, $0x38;
	[tilespmem:$0x1ED00] =	vst v63  }
0x47: {  	_ =	swait.ge [sflag:s8], $0x1900  }
0x48: {  	[sflag:s8] =	ssyncset.done $0x0  }
0x49: {  	s25 =	rddreg [dreg:$0x12];
	[sflag:s8] =	ssyncadd.s32 $0xFFFFE700  }
0x4a: {  	[spmem:s25] =	stream.linear.scatter [tilespmem:s7], [sflag:$0x5], $0x1900, $0x38;
	[tilespmem:$0x1ED00] =	vst v63  }
0x4b: {  	_ =	swait.ge [sflag:s8], $0x1900  }
0x4c: {  	[sflag:s8] =	ssyncset.done $0x0  }
0x4d: {  	s26 =	rddreg [dreg:$0x13];
	[sflag:s8] =	ssyncadd.s32 $0xFFFFE700  }
0x4e: {  	[spmem:s26] =	stream.linear.scatter [tilespmem:s7], [sflag:$0x5], $0x1900, $0x38;
	[tilespmem:$0x1ED00] =	vst v63  }
0x4f: {  	_ =	swait.ge [sflag:s8], $0x1900  }
0x50: {  	[sflag:s8] =	ssyncset.done $0x0  }
0x51: {  	[sflag:s8] =	ssyncadd.s32 $0xFFFFE700  }
0x52: {  	[spmem:s29] =	stream.linear.scatter [tilespmem:s7], [sflag:$0x5], $0x1900, $0x38;
	[tilespmem:$0x1ED00] =	vst v63  }
0x53: {  	_ =	swait.ge [sflag:s8], $0x1900  }
0x54: {  	[sflag:s8] =	ssyncset.done $0x0  }
0x55: {  	[sflag:s8] =	ssyncadd.s32 $0xFFFFE700  }
0x56: {  	[spmem:s30] =	stream.linear.scatter [tilespmem:s7], [sflag:$0x5], $0x1900, $0x38;
	[tilespmem:$0x1ED00] =	vst v63  }
0x57: {  	_ =	swait.ge [sflag:s8], $0x1900  }
0x58: {  	[sflag:s8] =	ssyncset.done $0x0  }
0x59: {  	[sflag:s8] =	ssyncadd.s32 $0xFFFFE700  }
0x5a: {  	[spmem:s31] =	stream.linear.scatter [tilespmem:s7], [sflag:$0x5], $0x1900, $0x38;
	[tilespmem:$0x1ED00] =	vst v63  }
0x5b: {  	_ =	swait.ge [sflag:s8], $0x1900  }
0x5c: {  	[sflag:s8] =	ssyncset.done $0x0  }
0x5d: {  	[sflag:s8] =	ssyncadd.s32 $0xFFFFE700  }
0x5e: {  	[spmem:s0] =	stream.linear.scatter [tilespmem:s7], [sflag:$0x5], $0x1900, $0x38;
	[tilespmem:$0x1ED00] =	vst v63  }
0x5f: {  	_ =	swait.ge [sflag:s8], $0x1900  }
0x60: {  	[sflag:s8] =	ssyncset.done $0x0  }
0x61: {  	[sflag:s8] =	ssyncadd.s32 $0xFFFFE700  }
0x62: {  	[spmem:s2] =	stream.linear.scatter [tilespmem:s7], [sflag:$0x5], $0x1900, $0x38;
	[tilespmem:$0x1ED00] =	vst v63  }
0x63: {  	_ =	swait.ge [sflag:s8], $0x1900  }
0x64: {  	[sflag:s8] =	ssyncset.done $0x0  }
0x65: {  	[sflag:s8] =	ssyncadd.s32 $0xFFFFE700  }
0x66: {  	[bflag:$0x0] =	sbarrier.arrive $0xFFFF  }
0x67: {  	s20 =	simm.s32 $0x0;
	s28 =	rddreg [dreg:$0x3]  }
0x68: {  	[tilespmem:s20], [sflag:$0x3] =	stream.linear.gather [hbm4b:s28+s20], $0x100, $0x38;
	[tilespmem:$0x1ED00] =	vst v63  }
0x69: {  	s25 =	rddreg [dreg:$0x4]  }
0x6a: {  	[tilespmem:s9], [sflag:$0x3] =	stream.linear.gather [hbm4b:s25+s20], $0x100, $0x38;
	[tilespmem:$0x1ED00] =	vst v63  }
0x6b: {  	s26 =	rddreg [dreg:$0x5]  }
0x6c: {  	[tilespmem:s10], [sflag:$0x4] =	stream.linear.gather [hbm4b:s26+s20], $0x100, $0x38;
	[tilespmem:$0x1ED00] =	vst v63  }
0x6d: {  	s28 =	rddreg [dreg:$0x6]  }
0x6e: {  	[tilespmem:s11], [sflag:$0x4] =	stream.linear.gather [hbm4b:s28+s20], $0x100, $0x38;
	[tilespmem:$0x1ED00] =	vst v63  }
0x6f: {  	_ =	swait.ge [sflag:s13], $0x100  }
0x70: {  	[sflag:s13] =	ssyncset.done $0x0  }
0x71: {  	[sflag:s13] =	ssyncadd.s32 $0xFFFFFF00  }
0x72: {  	_ =	swait.ge [sflag:s13], $0x100  }
0x73: {  	[sflag:s13] =	ssyncset.done $0x0  }
0x74: {  	[sflag:s13] =	ssyncadd.s32 $0xFFFFFF00  }
0x75: {  	[tilespmem:s14], [sflag:$0x1] =	stream.indirect.gather [hbm4b:s6+s10], $0x20, s20, s10, $0xb8;
	[tilespmem:$0x1ED00] =	vst v63  }
0x76: {  	_ =	swait.ge [sflag:s15], $0x2000  }
0x77: {  	[sflag:s15] =	ssyncset.done $0x0  }
0x78: {  	[sflag:s15] =	ssyncadd.s32 $0xFFFFE000  }
0x79: {  	_ =	swait.ge [sflag:s16], $0x100  }
0x7a: {  	[sflag:s16] =	ssyncset.done $0x0  }
0x7b: {  	[sflag:s16] =	ssyncadd.s32 $0xFFFFFF00  }
0x7c: {  	_ =	swait.ge [sflag:s16], $0x100  }
0x7d: {  	[sflag:s16] =	ssyncset.done $0x0  }
0x7e: {  	[sflag:s16] =	ssyncadd.s32 $0xFFFFFF00  }
0x7f: {  	[tilespmem:s17], [sflag:$0x2] =	stream.indirect.gather [hbm4b:s6+s10], $0x20, s10, s10, $0xb8;
	[tilespmem:$0x1ED00] =	vst v63  }
0x80: {  	_ = 	snop  }
0x81: {  	[spmem:s1] =	stream.indirect.scatter.add.f32 [tilespmem:s14], [sflag:$0x5], $0x20, s9, s10, $0xb8;
	[tilespmem:$0x1ED00] =	vst v63  }
0x82: {  	_ =	swait.ge [sflag:s8], $0x2000  }
0x83: {  	s25 =	sshrl.u32 s24, $0x3;
	[sflag:s8] =	ssyncset.done $0x0  }
0x84: {  	s26 =	sadd.s32 s4, s25;
	[sflag:s8] =	ssyncadd.s32 $0xFFFFE000  }
0x85: {  	[tilespmem:s3], [sflag:$0x3] =	stream.linear.gather [hbm4b:s26+s3], $0x100, $0x38;
	[tilespmem:$0x1ED00] =	vst v63  }
0x86: {  	s20 =	sadd.s32 s5, s25  }
0x87: {  	[tilespmem:s9], [sflag:$0x3] =	stream.linear.gather [hbm4b:s20+s3], $0x100, $0x38;
	[tilespmem:$0x1ED00] =	vst v63  }
0x88: {  	_ =	swait.ge [sflag:s18], $0x2000  }
0x89: {  	[sflag:s18] =	ssyncset.done $0x0  }
0x8a: {  	[sflag:s18] =	ssyncadd.s32 $0xFFFFE000  }
0x8b: {  	_ =	swait.ge [sflag:s13], $0x100  }
0x8c: {  	[sflag:s13] =	ssyncset.done $0x0  }
0x8d: {  	[sflag:s13] =	ssyncadd.s32 $0xFFFFFF00  }
0x8e: {  	_ =	swait.ge [sflag:s13], $0x100  }
0x8f: {  	[sflag:s13] =	ssyncset.done $0x0  }
0x90: {  	[sflag:s13] =	ssyncadd.s32 $0xFFFFFF00  }
0x91: {  	[tilespmem:s14], [sflag:$0x1] =	stream.indirect.gather [hbm4b:s6+s10], $0x20, s3, s10, $0xb8;
	[tilespmem:$0x1ED00] =	vst v63  }
0x92: {  	_ = 	snop  }
0x93: {  	[spmem:s1] =	stream.indirect.scatter.add.f32 [tilespmem:s17], [sflag:$0x5], $0x20, s11, s10, $0xb8;
	[tilespmem:$0x1ED00] =	vst v63  }
0x94: {  	_ =	swait.ge [sflag:s8], $0x2000  }
0x95: {  	s21 =	sadd.s32 $0x200, s24;
	s28 =	sadd.s32 $0x0, s23;
	[sflag:s8] =	ssyncset.done $0x0  }
0x96: {  	s25 =	sadd.s32 $0x0, s22;
	s20 =	simm.s32 $0x40;
	[sflag:s8] =	ssyncadd.s32 $0xFFFFE000  }
0x97: {  	[tilespmem:s10], [sflag:$0x4] =	stream.linear.gather [hbm4b:s28+s3], $0x100, $0x38;
	[tilespmem:$0x1ED00] =	vst v63  }
.LBB2_4:
0x98: {  	[tilespmem:s11], [sflag:$0x4] =	stream.linear.gather [hbm4b:s25+s3], $0x100, $0x38;
	[tilespmem:$0x1ED00] =	vst v63  }
0x99: {  	s25 =	smov.u32 s20  }
0x9a: {  	p0 =	sne.s32 s20, $0xBC0;
	s20 =	sadd.s32 $0x40, s20;
	_ =	swait.ge [sflag:s15], $0x2000  }
0x9b: {  	[sflag:s15] =	ssyncset.done $0x0  }
0x9c: {  	[sflag:s15] =	ssyncadd.s32 $0xFFFFE000  }
0x9d: {  	_ =	swait.ge [sflag:s16], $0x100  }
0x9e: {  	[sflag:s16] =	ssyncset.done $0x0  }
0x9f: {  	[sflag:s16] =	ssyncadd.s32 $0xFFFFFF00  }
0xa0: {  	_ =	swait.ge [sflag:s16], $0x100  }
0xa1: {  	[sflag:s16] =	ssyncset.done $0x0  }
0xa2: {  	[sflag:s16] =	ssyncadd.s32 $0xFFFFFF00  }
0xa3: {  	[tilespmem:s17], [sflag:$0x2] =	stream.indirect.gather [hbm4b:s6+s10], $0x20, s10, s10, $0xb8;
	[tilespmem:$0x1ED00] =	vst v63  }
0xa4: {  	_ = 	snop  }
0xa5: {  	[spmem:s1] =	stream.indirect.scatter.add.f32 [tilespmem:s14], [sflag:$0x5], $0x20, s9, s10, $0xb8;
	[tilespmem:$0x1ED00] =	vst v63  }
0xa6: {  	_ =	swait.ge [sflag:s8], $0x2000  }
0xa7: {  	s26 =	sshrl.u32 s21, $0x3;
	[sflag:s8] =	ssyncset.done $0x0  }
0xa8: {  	s28 =	sadd.s32 s4, s26;
	[sflag:s8] =	ssyncadd.s32 $0xFFFFE000  }
0xa9: {  	[tilespmem:s3], [sflag:$0x3] =	stream.linear.gather [hbm4b:s28+s3], $0x100, $0x38;
	[tilespmem:$0x1ED00] =	vst v63  }
0xaa: {  	s26 =	sadd.s32 s5, s26  }
0xab: {  	[tilespmem:s9], [sflag:$0x3] =	stream.linear.gather [hbm4b:s26+s3], $0x100, $0x38;
	[tilespmem:$0x1ED00] =	vst v63  }
0xac: {  	_ =	swait.ge [sflag:s18], $0x2000  }
0xad: {  	[sflag:s18] =	ssyncset.done $0x0  }
0xae: {  	[sflag:s18] =	ssyncadd.s32 $0xFFFFE000  }
0xaf: {  	_ =	swait.ge [sflag:s13], $0x100  }
0xb0: {  	[sflag:s13] =	ssyncset.done $0x0  }
0xb1: {  	[sflag:s13] =	ssyncadd.s32 $0xFFFFFF00  }
0xb2: {  	_ =	swait.ge [sflag:s13], $0x100  }
0xb3: {  	[sflag:s13] =	ssyncset.done $0x0  }
0xb4: {  	[sflag:s13] =	ssyncadd.s32 $0xFFFFFF00  }
0xb5: {  	[tilespmem:s14], [sflag:$0x1] =	stream.indirect.gather [hbm4b:s6+s10], $0x20, s3, s10, $0xb8;
	[tilespmem:$0x1ED00] =	vst v63  }
0xb6: {  	_ = 	snop  }
0xb7: {  	[spmem:s1] =	stream.indirect.scatter.add.f32 [tilespmem:s17], [sflag:$0x5], $0x20, s11, s10, $0xb8;
	[tilespmem:$0x1ED00] =	vst v63  }
.Ltmp1:
0xb8: {  	_ =	swait.ge [sflag:s8], $0x2000;
	(pc) =	sbr.rel @p0 .LBB2_4-.Ltmp1, $4  }
0xb9: {  	[sflag:s8] =	ssyncset.done $0x0  }
0xba: {  	s26 =	sadd.s32 s25, s23;
	[sflag:s8] =	ssyncadd.s32 $0xFFFFE000  }
0xbb: {  	[tilespmem:s10], [sflag:$0x4] =	stream.linear.gather [hbm4b:s26+s3], $0x100, $0x38;
	[tilespmem:$0x1ED00] =	vst v63  }
0xbc: {  	s21 =	sadd.s32 $0x200, s21;
	s25 =	sadd.s32 s25, s22  }
0xbd: {  	[tilespmem:s11], [sflag:$0x4] =	stream.linear.gather [hbm4b:s25+s3], $0x100, $0x38;
	[tilespmem:$0x1ED00] =	vst v63  }
0xbe: {  	_ =	swait.ge [sflag:s15], $0x2000  }
0xbf: {  	[sflag:s15] =	ssyncset.done $0x0  }
0xc0: {  	[sflag:s15] =	ssyncadd.s32 $0xFFFFE000  }
0xc1: {  	_ =	swait.ge [sflag:s16], $0x100  }
0xc2: {  	[sflag:s16] =	ssyncset.done $0x0  }
0xc3: {  	[sflag:s16] =	ssyncadd.s32 $0xFFFFFF00  }
0xc4: {  	_ =	swait.ge [sflag:s16], $0x100  }
0xc5: {  	[sflag:s16] =	ssyncset.done $0x0  }
0xc6: {  	[sflag:s16] =	ssyncadd.s32 $0xFFFFFF00  }
0xc7: {  	[tilespmem:s17], [sflag:$0x2] =	stream.indirect.gather [hbm4b:s6+s10], $0x20, s10, s10, $0xb8;
	[tilespmem:$0x1ED00] =	vst v63  }
0xc8: {  	_ = 	snop  }
0xc9: {  	[spmem:s1] =	stream.indirect.scatter.add.f32 [tilespmem:s14], [sflag:$0x5], $0x20, s9, s10, $0xb8;
	[tilespmem:$0x1ED00] =	vst v63  }
0xca: {  	_ =	swait.ge [sflag:s8], $0x2000  }
0xcb: {  	[sflag:s8] =	ssyncset.done $0x0  }
0xcc: {  	[sflag:s8] =	ssyncadd.s32 $0xFFFFE000  }
0xcd: {  	_ =	swait.ge [sflag:s18], $0x2000  }
0xce: {  	[sflag:s18] =	ssyncset.done $0x0  }
0xcf: {  	[sflag:s18] =	ssyncadd.s32 $0xFFFFE000  }
0xd0: {  	[spmem:s1] =	stream.indirect.scatter.add.f32 [tilespmem:s17], [sflag:$0x5], $0x20, s11, s10, $0xb8;
	[tilespmem:$0x1ED00] =	vst v63  }
0xd1: {  	_ =	swait.ge [sflag:s8], $0x2000  }
0xd2: {  	[sflag:s8] =	ssyncset.done $0x0  }
0xd3: {  	[sflag:s8] =	ssyncadd.s32 $0xFFFFE000  }
0xd4: {  	s20 =	stileid.u32;
	[bflag:$0x0] =	sbarrier.arrive $0xFFFF  }
0xd5: {  	s20 =	sshll.u32 s20, $0x6;
	s21 =	rddreg [dreg:$0x7]  }
0xd6: {  	s20 =	sor.u32 $0x1C05, s20;
	s26 =	rddreg [dreg:$0x11]  }
0xd7: {  	[hbm:s21], [sflag:s20] =	dma.local [spmem:s26], $0x3200  }
0xd8: {  	_ =	swait.ge [sflag:s8], $0x3200  }
0xd9: {  	s19 =	sadd.s32 $0x1, s19;
	s28 =	rddreg [dreg:$0x8]  }
0xda: {  	p0 =	sne.s32 s19, s28  }
.Ltmp2:
0xdb: {  	_ = 	snop;
	(pc) =	sbr.rel @p0 .LBB2_1-.Ltmp2, $3  }
0xdc: {  	_ =	sdelay $0x1  }
0xdd: {  	[sflag:s8] =	ssyncset.done $0x0  }
0xde: {  	[sflag:s8] =	ssyncadd.s32 $0xFFFFCE00  }
0xdf: {  	_ =	sfence.sel $0x180000  }
0xe0: {  	[bflag:$0x0] =	sbarrier.arrive $0xFFFF  }
0xe1: {  	_ =	strace $0x9000004A  }
0xe2: {  	s0 =	stileid.u32;
	[bflag:$0x2] =	sbarrier.arrive $0xFFFF  }
0xe3: {  	p0 =	sne.s32 s0, $0x0;
	s0 =	rddreg [dreg:$0x2]  }
0xe4: {  	s0 =	sadd.s32 @!p0 $0x100000, s0  }
0xe5: {  	[sflag:s0] =	ssyncadd.tile.s32 @!p0 $0x1;
	_ =	shalt  }
.Lfunc_end2:
_tile_overlayer_lowered:
.L_overlay_start_2:
0xe6: {  	(tag) =	ssettag $0x2  }
0xe7: {  	s0 =	rddreg [dreg:$0x0];
	s2 =	stileid.u32  }
0xe8: {  	s1 =	rddreg [dreg:$0x1];
	p0 =	sne.s32 s2, $0x0  }
0xe9: {  	s3 =	rddreg [dreg:$0x2];
	[bflag:$0x3] =	sbarrier.arrive $0xFFFF;
	s2 =	simm.s32 @!p0 $0x1C05  }
0xea: {  	[timem:s3], [sflag:s2] =	dma.local @!p0 [hbm:s0], s1  }
0xeb: {  	s0 =	simm.s32 @!p0 $0x5  }
0xec: {  	_ =	swait.ge @!p0 [sflag:s0], s1  }
0xed: {  	s1 =	ssub.s32 @!p0 $0x0, s1;
	[sflag:s0] =	ssyncset.done @!p0 $0x0  }
0xee: {  	[sflag:s0] =	ssyncadd.s32 @!p0 s1  }
0xef: {  	[bflag:$0x3] =	sbarrier.arrive $0xFFFF  }
0xf0: {  	_ =	shalt  }

// kernel: kernel.16.cloned.1.call-start
scs
__scs_entry_jumppad:
0x0: {  	(pc) =	sbr.rel $0x88, $3  }
0x1: {  	(tag) =	ssettag $0x0;
	lr =	simm.s32 $0x1  }
0x2: {  	[smem:$0x3F96] =	sst lr;
	_ =	strace $0xD0000000  }
0x3: {  	_ = 	snop  }
0x4: {  	_ = 	snop  }
0x5: {  	_ = 	snop  }
0x6: {  	_ = 	snop  }
0x7: {  	_ = 	snop  }
__scs_overlays_trampoline_lowered:
0x8: {  	[smem:$0x3FA5] =	sst s0  }
0x9: {  	[smem:$0x3FA6] =	sst s1  }
0xa: {  	[smem:$0x3FA7] =	sst s2  }
0xb: {  	[smem:$0x3FA8] =	sst s3  }
0xc: {  	[smem:$0x3FA9] =	sst s4  }
0xd: {  	[smem:$0x3FAA] =	sst s5  }
0xe: {  	[smem:$0x3FAB] =	sst s6  }
0xf: {  	[smem:$0x3FAC] =	sst s7  }
0x10: {  	[smem:$0x3FAD] =	sst s8  }
0x11: {  	[smem:$0x3FAE] =	sst s9;
	s0 =	simm.s32 @!p0 $0x0  }
0x12: {  	s1 =	sld [smem:$0x3F94];
	s0 =	simm.s32 @p0 $0x1  }
0x13: {  	[smem:$0x3FAF] =	sst s0;
	s0 =	simm.s32 @!p1 $0x0  }
0x14: {  	s2 =	sld [smem:$0x3F93];
	s0 =	simm.s32 @p1 $0x1  }
0x15: {  	[smem:$0x3FB0] =	sst s0;
	s0 =	simm.s32 @!p2 $0x0  }
0x16: {  	s3 =	sld [smem:$0x3FDB];
	s0 =	simm.s32 @p2 $0x1  }
0x17: {  	s4 =	simm.s32 $0x1BF5;
	[smem:$0x3FB2] =	sst s0  }
0x18: {  	s0 =	sld [smem:$0x3F95];
	_ =	swait.ge [sflag:s4], $0x0  }
0x19: {  	s7 =	sld [smem:$0x3F96]  }
0x1a: {  	s8 =	sadd.s32 $0xFFFFE003, lr  }
0x1b: {  	s9 =	sadd.s32 $0xFFFFFEF7, lr;
	s5 =	simm.s32 $0xFFFFFFFF;
	p2 =	slt.u32 s8, $0xFFFFF086  }
0x1c: {  	p1 =	slt.u32 s9, $0xF7A;
	s5 =	simm.s32 @!p2 $0x0  }
0x1d: {  	s5 =	simm.s32 @p1 $0x1;
	p0 =	seq.s32 s7, s2  }
0x1e: {  	s7 =	smul.u32 @!p0 $0xF7A, s2;
	p2 =	seq.s32 @!p0 s5, $0x0  }
0x1f: {  	s9 =	smul.u32 $0xF7A, s1;
	s8 =	simm.s32 @!p0 $0x1BF5;
	p2 =	por !p2, p0  }
0x20: {  	[sflag:s8] =	ssyncset.s32 @!p0 $0xFFFFF086;
	s6 =	sadd.s32 @!p0 s3, s7;
	s7 =	simm.s32 @!p0 $0x108  }
0x21: {  	s3 =	sadd.s32 s3, s9;
	s6 =	sadd.s32 @!p0 $0x88, s6;
	s7 =	simm.s32 @p2 $0x1082  }
0x22: {  	[simem:s7], [sflag:s8] =	dma.local @!p0 [hbm:s6], $0xF7A  }
0x23: {  	s9 =	sor.u32 $0xD0000000, s2;
	s6 =	simm.s32 $0x108;
	_ =	swait.ge @!p0 [sflag:s8], $0x0  }
0x24: {  	s3 =	sadd.s32 $0x88, s3;
	s6 =	simm.s32 @!p1 $0x1082;
	[sflag:s4] =	ssyncset.s32 $0xFFFFF086  }
0x25: {  	[simem:s6], [sflag:s4] =	dma.local [hbm:s3], $0xF7A  }
0x26: {  	[smem:$0x3F96] =	sst s1;
	(tag) =	ssettag s2;
	_ =	strace s9  }
0x27: {  	s1 =	sld [smem:$0x3FA6]  }
0x28: {  	s2 =	sld [smem:$0x3FA7]  }
0x29: {  	s4 =	sld [smem:$0x3FA9]  }
0x2a: {  	p0 =	seq.s32 s5, $0x0;
	s5 =	sld [smem:$0x3FAA]  }
0x2b: {  	s6 =	sld [smem:$0x3FAB]  }
0x2c: {  	s7 =	sld [smem:$0x3FAC]  }
0x2d: {  	s3 =	simm.s32 $0x108;
	s8 =	sld [smem:$0x3FAD]  }
0x2e: {  	s3 =	simm.s32 @!p0 $0x1082;
	s9 =	sld [smem:$0x3FAE]  }
0x2f: {  	lr =	sadd.s32 s0, s3;
	s0 =	sld [smem:$0x3FA5]  }
0x30: {  	s3 =	sld [smem:$0x3FA8]  }
0x31: {  	[smem:$0x3FB1] =	sst s10  }
0x32: {  	s10 =	sld [smem:$0x3FAF];
	_ =	sdelay $0x3  }
0x33: {  	p0 =	seq.s32 s10, $0x1;
	s10 =	sld [smem:$0x3FB1];
	_ =	sdelay $0x3  }
0x34: {  	[smem:$0x3FB1] =	sst s10  }
0x35: {  	s10 =	sld [smem:$0x3FB0];
	_ =	sdelay $0x3  }
0x36: {  	p1 =	seq.s32 s10, $0x1;
	s10 =	sld [smem:$0x3FB1];
	_ =	sdelay $0x3  }
0x37: {  	[smem:$0x3FB1] =	sst s10  }
0x38: {  	s10 =	sld [smem:$0x3FB2]  }
0x39: {  	_ = 	snop;
	(pc) =	sbr.ind lr, $3  }
0x3a: {  	_ = 	snop  }
0x3b: {  	_ = 	snop  }
0x3c: {  	p2 =	seq.s32 s10, $0x1;
	s10 =	sld [smem:$0x3FB1]  }
0x3d: {  	_ =	shalt  }
0x3e: {  	_ =	shalt  }
0x3f: {  	_ =	shalt  }
0x40: {  	_ =	shalt  }
0x41: {  	_ =	shalt  }
0x42: {  	_ =	shalt  }
0x43: {  	_ =	shalt  }
0x44: {  	_ =	shalt  }
0x45: {  	_ =	shalt  }
0x46: {  	_ =	shalt  }
0x47: {  	_ =	shalt  }
0x48: {  	_ =	shalt  }
0x49: {  	_ =	shalt  }
0x4a: {  	_ =	shalt  }
0x4b: {  	_ =	shalt  }
0x4c: {  	_ =	shalt  }
0x4d: {  	_ =	shalt  }
0x4e: {  	_ =	shalt  }
0x4f: {  	_ =	shalt  }
0x50: {  	_ =	shalt  }
0x51: {  	_ =	shalt  }
0x52: {  	_ =	shalt  }
0x53: {  	_ =	shalt  }
0x54: {  	_ =	shalt  }
0x55: {  	_ =	shalt  }
0x56: {  	_ =	shalt  }
0x57: {  	_ =	shalt  }
0x58: {  	_ =	shalt  }
0x59: {  	_ =	shalt  }
0x5a: {  	_ =	shalt  }
0x5b: {  	_ =	shalt  }
0x5c: {  	_ =	shalt  }
0x5d: {  	_ =	shalt  }
0x5e: {  	_ =	shalt  }
0x5f: {  	_ =	shalt  }
0x60: {  	_ =	shalt  }
0x61: {  	_ =	shalt  }
0x62: {  	_ =	shalt  }
0x63: {  	_ =	shalt  }
0x64: {  	_ =	shalt  }
0x65: {  	_ =	shalt  }
0x66: {  	_ =	shalt  }
0x67: {  	_ =	shalt  }
0x68: {  	_ =	shalt  }
0x69: {  	_ =	shalt  }
0x6a: {  	_ =	shalt  }
0x6b: {  	_ =	shalt  }
0x6c: {  	_ =	shalt  }
0x6d: {  	_ =	shalt  }
0x6e: {  	_ =	shalt  }
0x6f: {  	_ =	shalt  }
0x70: {  	_ =	shalt  }
0x71: {  	_ =	shalt  }
0x72: {  	_ =	shalt  }
0x73: {  	_ =	shalt  }
0x74: {  	_ =	shalt  }
0x75: {  	_ =	shalt  }
0x76: {  	_ =	shalt  }
0x77: {  	_ =	shalt  }
0x78: {  	_ =	shalt  }
0x79: {  	_ =	shalt  }
0x7a: {  	_ =	shalt  }
0x7b: {  	_ =	shalt  }
0x7c: {  	_ =	shalt  }
0x7d: {  	_ =	shalt  }
0x7e: {  	_ =	shalt  }
0x7f: {  	_ =	shalt  }
0x80: {  	_ =	shalt  }
0x81: {  	_ =	shalt  }
0x82: {  	_ =	shalt  }
0x83: {  	_ =	shalt  }
0x84: {  	_ =	shalt  }
0x85: {  	_ =	shalt  }
0x86: {  	_ =	shalt  }
0x87: {  	_ =	shalt  }
.Lfunc_end0:
.L_simem_size_0:
called_computation.2_lowered:
.L_overlay_start_0:
0x88: {  	s2 =	sld [smem:$0x3FD9]  }
0x89: {  	s3 =	sld [smem:$0x3FFE];
	_ =	sdelay $0x1  }
0x8a: {  	s1 =	srdreg.scid  }
0x8b: {  	s0 =	sand.u32 $0x1, s1  }
0x8c: {  	s16 =	sshll.u32 s0, $0xA;
	s2 =	sadd.s32 s3, s2  }
0x8d: {  	s2 =	sadd.s32 s2, s16  }
0x8e: {  	[smem:$0x3FBD] =	sst s2  }
0x8f: {  	_ = 	snop  }
0x90: {  	(tm) =	ssettm $0x1  }
0x91: {  	s17 =	sld [smem:$0x3FFB];
	_ =	sdelay $0x3  }
0x92: {  	_ =	strace s17  }
0x93: {  	s2 =	sld [smem:$0x3FFC];
	_ =	sdelay $0x3  }
0x94: {  	_ =	strace s2  }
0x95: {  	s2 =	sld [smem:$0x3FFD];
	_ =	sdelay $0x3  }
0x96: {  	_ =	strace s2  }
0x97: {  	_ =	strace $0x8FFFFFFF  }
0x98: {  	s18 =	sld [smem:$0x3FDB];
	_ =	sdelay $0x1  }
0x99: {  	s19 =	simm.s32 $_scs_section_size  }
0x9a: {  	s4 =	simm.s32 $_size__tile_overlayer_lowered;
	s5 =	simm.s32 $_tile_overlayer_lowered  }
0x9b: {  	s22 =	simm.s32 $0x1BFF;
	s21 =	sshll.u32 s5, $0x1;
	s2 =	sadd.s32 s19, s18  }
0x9c: {  	s6 =	simm.s32 $0x0;
	s20 =	sshll.u32 s4, $0x1;
	s4 =	sadd.s32 s21, s2  }
0x9d: {  	[timem:s6], [sflag:s22] =	dma.local [hbm:s4], s20  }
0x9e: {  	_ =	swait.ge [sflag:s22], s20  }
0x9f: {  	s3 =	ssub.s32 $0x0, s20;
	[sflag:s22] =	ssyncset.done $0x0  }
0xa0: {  	[sflag:s22] =	ssyncadd.s32 s3;
	_ =	sdelay $0x1  }
0xa1: {  	s23 =	simm.s32 $0x1B8B  }
0xa2: {  	_ =	swait.ge [sflag:s23], $0x1  }
0xa3: {  	[sflag:s23] =	ssyncset.done $0x0  }
0xa4: {  	s25 =	simm.s32 $0x1B8E;
	s24 =	sld [smem:$0x3FFE];
	[sflag:s23] =	ssyncadd.s32 $0xFFFFFFFF  }
0xa5: {  	s26 =	simm.s32 $execute0_lowered;
	[smem:$0x3FD2] =	sst s25  }
0xa6: {  	s4 =	sshll.u32 s26, $0x1;
	_ =	strace $0x8000004C;
	[dreg:$0x1] =	wrdreg $0xFFFFFFFF  }
0xa7: {  	s28 =	simm.s32 $_size_execute0_lowered;
	s2 =	sadd.s32 s2, s4;
	[dreg:$0x0] =	wrdreg $0x0  }
0xa8: {  	s4 =	sshll.u32 s28, $0x1;
	[dreg:$0x2] =	wrdreg s2  }
0xa9: {  	[dreg:$0x3] =	wrdreg s4  }
0xaa: {  	[dreg:$0x4] =	wrdreg $0xC0  }
0xab: {  	_ =	task [dreg:s6], $0x5FFFF  }
0xac: {  	[dreg:$0x1] =	wrdreg $0xFFFFFFFF  }
0xad: {  	[dreg:$0x0] =	wrdreg $0x60  }
0xae: {  	[dreg:$0x2] =	wrdreg s24  }
0xaf: {  	[dreg:$0x3] =	wrdreg $0x5D000  }
0xb0: {  	[dreg:$0x4] =	wrdreg $0x9  }
0xb1: {  	_ =	task.clear_ibuf [dreg:s6], $0x5FFFF;
	_ =	strace $0x9000004C  }
0xb2: {  	s29 =	simm.s32 $0x9;
	_ =	strace $0x8000004E  }
0xb3: {  	_ =	swait.ge [sflag:s29], $0x1  }
0xb4: {  	[sflag:s29] =	ssyncadd.s32 $0xFFFFFFFF  }
0xb5: {  	_ =	strace $0x9000004E  }
0xb6: {  	_ =	sfence  }
0xb7: {  	s30 =	sld [smem:$0x0];
	_ =	sdelay $0x2  }
0xb8: {  	s31 =	sshll.u32 s1, $0xD;
	s1 =	sshrl.u32 s1, $0x2  }
0xb9: {  	s3 =	sand.u32 $0x4000, s31;
	s1 =	sadd.s32 s1, s30  }
0xba: {  	s0 =	sor.u32 s3, s0;
	s1 =	sshll.u32 s1, $0x11  }
0xbb: {  	s0 =	sor.u32 s1, s0  }
0xbc: {  	s0 =	sadd.s32 $0x8F2B, s0  }
0xbd: {  	[sflag:s0] =	ssyncadd.remote.s32 $0x1  }
0xbe: {  	_ =	sfence.sel $0xFFFF  }
0xbf: {  	[dreg:$0x0] =	wrdreg $0xFFFFFFFF;
	(pc) =	sbr.abs _section_cstart, $3  }
0xc0: {  	[dreg:$0x1] =	wrdreg $0xFFFFFFFF  }
0xc1: {  	_ =	task.clear_ibuf [dreg:s6], $0x2FFFF;
	_ =	strace $0x9FFFFFFF  }
0xc2: {  	(tm) =	ssettm $0x7FFFFFFF  }
0xc3: {  	_ =	shalt  }
tec
execute0_lowered:
.L_overlay_start_1:
0x0: {  	(tag) =	ssettag $0x1  }
0x1: {  	s0 =	rddreg [dreg:$0x0]  }
0x2: {  	s1 =	rddreg [dreg:$0x1];
	s11 =	stileid.u32  }
0x3: {  	s2 =	srdreg.scid;
	s3 =	simm.s32 $0x0;
	s5 =	smul.u32 $0x19000, s11  }
0x4: {  	s31 =	simm.s32 $0x4400;
	s2 =	sand.u32 $0x1, s2;
	s9 =	smul.u32 $0xC400, s11  }
0x5: {  	[smem:$0x7FF] =	sst s3;
	s6 =	sadd.s32 $0xE6200, s0;
	s14 =	smul.u32 $0x64000, s11  }
0x6: {  	s7 =	sadd.s32 $0x2800, s0;
	s26 =	smul.u32 $0x1880, s11;
	s11 =	simm.s32 $0x4  }
0x7: {  	s4 =	smul.u32 $0x190000, s2;
	_ =	strace $0x8000004D;
	s2 =	ssub.s32 $0x2, s2  }
0x8: {  	s12 =	sshrl.u32 s2, $0x1;
	s13 =	sshrl.u32 s9, $0x3;
	s17 =	sshrl.u32 s14, $0x2  }
0x9: {  	s18 =	sadd.s32 s5, s1;
	s9 =	simm.s32 $0x1;
	s14 =	simm.s32 $0x0  }
0xa: {  	s8 =	sshrl.u32 s4, $0x3;
	s4 =	sadd.s32 s5, s4;
	s2 =	ssub.s32 s2, s12  }
0xb: {  	s10 =	sadd.s32 s6, s13;
	s15 =	sadd.s32 s7, s13;
	s5 =	simm.s32 $0x300  }
0xc: {  	s12 =	simm.s32 $0x2400;
	s4 =	sshrl.u32 s4, $0x3;
	[dreg:$0x3] =	wrdreg s10  }
0xd: {  	s8 =	sadd.s32 s8, s0;
	[dreg:$0x4] =	wrdreg s15;
	s10 =	sadd.s32 s17, s1  }
0xe: {  	s2 =	smax.u32 s2, $0x1;
	s0 =	sadd.s32 s4, s0;
	s4 =	sor.u32 $0x20, s13  }
0xf: {  	s8 =	sadd.s32 $0xFEA00, s8;
	[dreg:$0x8] =	wrdreg s2;
	s20 =	sadd.s32 $0x1900, s10  }
0x10: {  	s21 =	sadd.s32 $0x3200, s10;
	s22 =	sadd.s32 $0x4B00, s10;
	s23 =	sadd.s32 $0x6400, s10  }
0x11: {  	s24 =	sadd.s32 $0x7D00, s10;
	s25 =	sadd.s32 $0x9600, s10;
	[dreg:$0x9] =	wrdreg s20  }
0x12: {  	s19 =	sadd.s32 $0xC800, s10;
	s28 =	sadd.s32 $0x14500, s10;
	[dreg:$0xa] =	wrdreg s21  }
0x13: {  	s29 =	sadd.s32 $0x15E00, s10;
	s30 =	sadd.s32 $0x17700, s10;
	[dreg:$0xb] =	wrdreg s22  }
0x14: {  	s2 =	simm.s32 $0x200;
	s13 =	simm.s32 $0x2;
	[dreg:$0xc] =	wrdreg s23  }
0x15: {  	s16 =	sadd.s32 s6, s4;
	s4 =	sadd.s32 s7, s4;
	[dreg:$0xd] =	wrdreg s24  }
0x16: {  	s0 =	sadd.s32 $0x1B000, s0;
	[dreg:$0xe] =	wrdreg s25;
	s20 =	sadd.s32 $0xE100, s10  }
0x17: {  	s21 =	sadd.s32 $0xFA00, s10;
	s22 =	sadd.s32 s26, s7;
	s23 =	sadd.s32 s26, s6  }
0x18: {  	s24 =	sadd.s32 $0x11300, s10;
	s25 =	sshrl.u32 s18, $0x3;
	[dreg:$0x5] =	wrdreg s16  }
0x19: {  	s26 =	sadd.s32 $0x12C00, s10;
	s6 =	simm.s32 $0x3;
	[dreg:$0x6] =	wrdreg s4  }
0x1a: {  	s7 =	simm.s32 $0x400;
	[dreg:$0x7] =	wrdreg s0;
	s4 =	sadd.s32 $0xAF00, s10  }
0x1b: {  	v0 =	vimm.f32 $0.0e+00;
	s0 =	simm.s32 $0x5;
	[dreg:$0xf] =	wrdreg s4;
	s4 =	simm.s32 $0x100  }
.LBB2_1:
0x1c: {  	s15 =	simm.s32 $0x80;
	s16 =	simm.s32 $0x0  }
.LBB2_2:
0x1d: {  	p0 =	sne.s32 s15, $0x6380;
	[tilespmem:s16+$0x4400] =	vst v0;
	s17 =	smov.u32 s15;
	s15 =	sadd.s32 $0x80, s15  }
.Ltmp0:
0x1e: {  	[tilespmem:s16+$0x4410] =	vst v0;
	(pc) =	sbr.rel @p0 .LBB2_2-.Ltmp0, $2  }
0x1f: {  	_ =	sdelay $0x2  }
0x20: {  	s16 =	sshra.s32 s17, $0x2  }
0x21: {  	[tilespmem:s16+$0x4400] =	vst v0  }
0x22: {  	[tilespmem:s16+$0x4410] =	vst v0  }
0x23: {  	[spmem:s10] =	stream.linear.scatter [tilespmem:s31], [sflag:$0x5], $0x1900, $0x38;
	[tilespmem:$0x1ED00] =	vst v63  }
0x24: {  	_ =	swait.ge [sflag:s0], $0x1900  }
0x25: {  	[sflag:s0] =	ssyncset.done $0x0  }
0x26: {  	s15 =	rddreg [dreg:$0x9];
	[sflag:s0] =	ssyncadd.s32 $0xFFFFE700  }
0x27: {  	[spmem:s15] =	stream.linear.scatter [tilespmem:s31], [sflag:$0x5], $0x1900, $0x38;
	[tilespmem:$0x1ED00] =	vst v63  }
0x28: {  	_ =	swait.ge [sflag:s0], $0x1900  }
0x29: {  	[sflag:s0] =	ssyncset.done $0x0  }
0x2a: {  	s17 =	rddreg [dreg:$0xa];
	[sflag:s0] =	ssyncadd.s32 $0xFFFFE700  }
0x2b: {  	[spmem:s17] =	stream.linear.scatter [tilespmem:s31], [sflag:$0x5], $0x1900, $0x38;
	[tilespmem:$0x1ED00] =	vst v63  }
0x2c: {  	_ =	swait.ge [sflag:s0], $0x1900  }
0x2d: {  	[sflag:s0] =	ssyncset.done $0x0  }
0x2e: {  	s18 =	rddreg [dreg:$0xb];
	[sflag:s0] =	ssyncadd.s32 $0xFFFFE700  }
0x2f: {  	[spmem:s18] =	stream.linear.scatter [tilespmem:s31], [sflag:$0x5], $0x1900, $0x38;
	[tilespmem:$0x1ED00] =	vst v63  }
0x30: {  	_ =	swait.ge [sflag:s0], $0x1900  }
0x31: {  	[sflag:s0] =	ssyncset.done $0x0  }
0x32: {  	s16 =	rddreg [dreg:$0xc];
	[sflag:s0] =	ssyncadd.s32 $0xFFFFE700  }
0x33: {  	[spmem:s16] =	stream.linear.scatter [tilespmem:s31], [sflag:$0x5], $0x1900, $0x38;
	[tilespmem:$0x1ED00] =	vst v63  }
0x34: {  	_ =	swait.ge [sflag:s0], $0x1900  }
0x35: {  	[sflag:s0] =	ssyncset.done $0x0  }
0x36: {  	s17 =	rddreg [dreg:$0xd];
	[sflag:s0] =	ssyncadd.s32 $0xFFFFE700  }
0x37: {  	[spmem:s17] =	stream.linear.scatter [tilespmem:s31], [sflag:$0x5], $0x1900, $0x38;
	[tilespmem:$0x1ED00] =	vst v63  }
0x38: {  	_ =	swait.ge [sflag:s0], $0x1900  }
0x39: {  	[sflag:s0] =	ssyncset.done $0x0  }
0x3a: {  	s18 =	rddreg [dreg:$0xe];
	[sflag:s0] =	ssyncadd.s32 $0xFFFFE700  }
0x3b: {  	[spmem:s18] =	stream.linear.scatter [tilespmem:s31], [sflag:$0x5], $0x1900, $0x38;
	[tilespmem:$0x1ED00] =	vst v63  }
0x3c: {  	_ =	swait.ge [sflag:s0], $0x1900  }
0x3d: {  	[sflag:s0] =	ssyncset.done $0x0  }
0x3e: {  	s16 =	rddreg [dreg:$0xf];
	[sflag:s0] =	ssyncadd.s32 $0xFFFFE700  }
0x3f: {  	[spmem:s16] =	stream.linear.scatter [tilespmem:s31], [sflag:$0x5], $0x1900, $0x38;
	[tilespmem:$0x1ED00] =	vst v63  }
0x40: {  	_ =	swait.ge [sflag:s0], $0x1900  }
0x41: {  	[sflag:s0] =	ssyncset.done $0x0  }
0x42: {  	[sflag:s0] =	ssyncadd.s32 $0xFFFFE700  }
0x43: {  	[spmem:s19] =	stream.linear.scatter [tilespmem:s31], [sflag:$0x5], $0x1900, $0x38;
	[tilespmem:$0x1ED00] =	vst v63  }
0x44: {  	_ =	swait.ge [sflag:s0], $0x1900  }
0x45: {  	[sflag:s0] =	ssyncset.done $0x0  }
0x46: {  	[sflag:s0] =	ssyncadd.s32 $0xFFFFE700  }
0x47: {  	[spmem:s20] =	stream.linear.scatter [tilespmem:s31], [sflag:$0x5], $0x1900, $0x38;
	[tilespmem:$0x1ED00] =	vst v63  }
0x48: {  	_ =	swait.ge [sflag:s0], $0x1900  }
0x49: {  	[sflag:s0] =	ssyncset.done $0x0  }
0x4a: {  	[sflag:s0] =	ssyncadd.s32 $0xFFFFE700  }
0x4b: {  	[spmem:s21] =	stream.linear.scatter [tilespmem:s31], [sflag:$0x5], $0x1900, $0x38;
	[tilespmem:$0x1ED00] =	vst v63  }
0x4c: {  	_ =	swait.ge [sflag:s0], $0x1900  }
0x4d: {  	[sflag:s0] =	ssyncset.done $0x0  }
0x4e: {  	[sflag:s0] =	ssyncadd.s32 $0xFFFFE700  }
0x4f: {  	[spmem:s24] =	stream.linear.scatter [tilespmem:s31], [sflag:$0x5], $0x1900, $0x38;
	[tilespmem:$0x1ED00] =	vst v63  }
0x50: {  	_ =	swait.ge [sflag:s0], $0x1900  }
0x51: {  	[sflag:s0] =	ssyncset.done $0x0  }
0x52: {  	[sflag:s0] =	ssyncadd.s32 $0xFFFFE700  }
0x53: {  	[spmem:s26] =	stream.linear.scatter [tilespmem:s31], [sflag:$0x5], $0x1900, $0x38;
	[tilespmem:$0x1ED00] =	vst v63  }
0x54: {  	_ =	swait.ge [sflag:s0], $0x1900  }
0x55: {  	[sflag:s0] =	ssyncset.done $0x0  }
0x56: {  	[sflag:s0] =	ssyncadd.s32 $0xFFFFE700  }
0x57: {  	[spmem:s28] =	stream.linear.scatter [tilespmem:s31], [sflag:$0x5], $0x1900, $0x38;
	[tilespmem:$0x1ED00] =	vst v63  }
0x58: {  	_ =	swait.ge [sflag:s0], $0x1900  }
0x59: {  	[sflag:s0] =	ssyncset.done $0x0  }
0x5a: {  	[sflag:s0] =	ssyncadd.s32 $0xFFFFE700  }
0x5b: {  	[spmem:s29] =	stream.linear.scatter [tilespmem:s31], [sflag:$0x5], $0x1900, $0x38;
	[tilespmem:$0x1ED00] =	vst v63  }
0x5c: {  	_ =	swait.ge [sflag:s0], $0x1900  }
0x5d: {  	[sflag:s0] =	ssyncset.done $0x0  }
0x5e: {  	[sflag:s0] =	ssyncadd.s32 $0xFFFFE700  }
0x5f: {  	[spmem:s30] =	stream.linear.scatter [tilespmem:s31], [sflag:$0x5], $0x1900, $0x38;
	[tilespmem:$0x1ED00] =	vst v63  }
0x60: {  	_ =	swait.ge [sflag:s0], $0x1900  }
0x61: {  	[sflag:s0] =	ssyncset.done $0x0  }
0x62: {  	[sflag:s0] =	ssyncadd.s32 $0xFFFFE700  }
0x63: {  	[bflag:$0x0] =	sbarrier.arrive $0xFFFF  }
0x64: {  	s17 =	rddreg [dreg:$0x3]  }
0x65: {  	[tilespmem:s3], [sflag:$0x3] =	stream.linear.gather [hbm4b:s17+s3], $0x100, $0x38;
	[tilespmem:$0x1ED00] =	vst v63  }
0x66: {  	s18 =	rddreg [dreg:$0x4]  }
0x67: {  	[tilespmem:s2], [sflag:$0x3] =	stream.linear.gather [hbm4b:s18+s3], $0x100, $0x38;
	[tilespmem:$0x1ED00] =	vst v63  }
0x68: {  	s16 =	rddreg [dreg:$0x5]  }
0x69: {  	[tilespmem:s4], [sflag:$0x4] =	stream.linear.gather [hbm4b:s16+s3], $0x100, $0x38;
	[tilespmem:$0x1ED00] =	vst v63  }
0x6a: {  	s17 =	rddreg [dreg:$0x6]  }
0x6b: {  	[tilespmem:s5], [sflag:$0x4] =	stream.linear.gather [hbm4b:s17+s3], $0x100, $0x38;
	[tilespmem:$0x1ED00] =	vst v63  }
0x6c: {  	_ =	swait.ge [sflag:s6], $0x100  }
0x6d: {  	[sflag:s6] =	ssyncset.done $0x0  }
0x6e: {  	[sflag:s6] =	ssyncadd.s32 $0xFFFFFF00  }
0x6f: {  	_ =	swait.ge [sflag:s6], $0x100  }
0x70: {  	[sflag:s6] =	ssyncset.done $0x0  }
0x71: {  	[sflag:s6] =	ssyncadd.s32 $0xFFFFFF00  }
0x72: {  	[tilespmem:s7], [sflag:$0x1] =	stream.indirect.gather [hbm4b:s8+s4], $0x20, s3, s4, $0xb8;
	[tilespmem:$0x1ED00] =	vst v63  }
0x73: {  	_ =	swait.ge [sflag:s9], $0x2000  }
0x74: {  	[sflag:s9] =	ssyncset.done $0x0  }
0x75: {  	[sflag:s9] =	ssyncadd.s32 $0xFFFFE000  }
0x76: {  	_ =	swait.ge [sflag:s11], $0x100  }
0x77: {  	[sflag:s11] =	ssyncset.done $0x0  }
0x78: {  	[sflag:s11] =	ssyncadd.s32 $0xFFFFFF00  }
0x79: {  	_ =	swait.ge [sflag:s11], $0x100  }
0x7a: {  	[sflag:s11] =	ssyncset.done $0x0  }
0x7b: {  	[sflag:s11] =	ssyncadd.s32 $0xFFFFFF00  }
0x7c: {  	[tilespmem:s12], [sflag:$0x2] =	stream.indirect.gather [hbm4b:s8+s4], $0x20, s4, s4, $0xb8;
	[tilespmem:$0x1ED00] =	vst v63  }
0x7d: {  	_ = 	snop  }
0x7e: {  	[spmem:s1] =	stream.indirect.scatter.add.f32 [tilespmem:s7], [sflag:$0x5], $0x20, s2, s4, $0xb8;
	[tilespmem:$0x1ED00] =	vst v63  }
0x7f: {  	_ =	swait.ge [sflag:s0], $0x2000  }
0x80: {  	s15 =	sadd.s32 $0xFFFFE7C0, s23;
	[sflag:s0] =	ssyncset.done $0x0  }
0x81: {  	s18 =	sadd.s32 $0x1880, s15;
	s17 =	sadd.s32 $0xFFFFE7C0, s22;
	[sflag:s0] =	ssyncadd.s32 $0xFFFFE000  }
0x82: {  	[tilespmem:s3], [sflag:$0x3] =	stream.linear.gather [hbm4b:s18+s3], $0x100, $0x38;
	[tilespmem:$0x1ED00] =	vst v63  }
0x83: {  	s18 =	sadd.s32 $0x1880, s17  }
0x84: {  	[tilespmem:s2], [sflag:$0x3] =	stream.linear.gather [hbm4b:s18+s3], $0x100, $0x38;
	[tilespmem:$0x1ED00] =	vst v63  }
0x85: {  	_ =	swait.ge [sflag:s13], $0x2000  }
0x86: {  	[sflag:s13] =	ssyncset.done $0x0  }
0x87: {  	[sflag:s13] =	ssyncadd.s32 $0xFFFFE000  }
0x88: {  	_ =	swait.ge [sflag:s6], $0x100  }
0x89: {  	[sflag:s6] =	ssyncset.done $0x0  }
0x8a: {  	[sflag:s6] =	ssyncadd.s32 $0xFFFFFF00  }
0x8b: {  	_ =	swait.ge [sflag:s6], $0x100  }
0x8c: {  	[sflag:s6] =	ssyncset.done $0x0  }
0x8d: {  	[sflag:s6] =	ssyncadd.s32 $0xFFFFFF00  }
0x8e: {  	[tilespmem:s7], [sflag:$0x1] =	stream.indirect.gather [hbm4b:s8+s4], $0x20, s3, s4, $0xb8;
	[tilespmem:$0x1ED00] =	vst v63  }
0x8f: {  	_ = 	snop  }
0x90: {  	[spmem:s1] =	stream.indirect.scatter.add.f32 [tilespmem:s12], [sflag:$0x5], $0x20, s5, s4, $0xb8;
	[tilespmem:$0x1ED00] =	vst v63  }
0x91: {  	_ =	swait.ge [sflag:s0], $0x2000  }
0x92: {  	[sflag:s0] =	ssyncset.done $0x0  }
0x93: {  	s15 =	sadd.s32 $0x18A0, s15;
	[sflag:s0] =	ssyncadd.s32 $0xFFFFE000  }
0x94: {  	[tilespmem:s4], [sflag:$0x4] =	stream.linear.gather [hbm4b:s15+s3], $0x100, $0x38;
	[tilespmem:$0x1ED00] =	vst v63  }
0x95: {  	s16 =	sadd.s32 $0x18A0, s17;
	s15 =	simm.s32 $0xFFFFE800  }
.LBB2_4:
0x96: {  	[tilespmem:s5], [sflag:$0x4] =	stream.linear.gather [hbm4b:s16+s3], $0x100, $0x38;
	[tilespmem:$0x1ED00] =	vst v63  }
0x97: {  	s16 =	smov.u32 s15  }
0x98: {  	p0 =	sne.s32 s15, $0xFFFFFFC0;
	s15 =	sadd.s32 $0x40, s15;
	_ =	swait.ge [sflag:s9], $0x2000  }
0x99: {  	[sflag:s9] =	ssyncset.done $0x0  }
0x9a: {  	[sflag:s9] =	ssyncadd.s32 $0xFFFFE000  }
0x9b: {  	_ =	swait.ge [sflag:s11], $0x100  }
0x9c: {  	[sflag:s11] =	ssyncset.done $0x0  }
0x9d: {  	[sflag:s11] =	ssyncadd.s32 $0xFFFFFF00  }
0x9e: {  	_ =	swait.ge [sflag:s11], $0x100  }
0x9f: {  	[sflag:s11] =	ssyncset.done $0x0  }
0xa0: {  	[sflag:s11] =	ssyncadd.s32 $0xFFFFFF00  }
0xa1: {  	[tilespmem:s12], [sflag:$0x2] =	stream.indirect.gather [hbm4b:s8+s4], $0x20, s4, s4, $0xb8;
	[tilespmem:$0x1ED00] =	vst v63  }
0xa2: {  	_ = 	snop  }
0xa3: {  	[spmem:s1] =	stream.indirect.scatter.add.f32 [tilespmem:s7], [sflag:$0x5], $0x20, s2, s4, $0xb8;
	[tilespmem:$0x1ED00] =	vst v63  }
0xa4: {  	_ =	swait.ge [sflag:s0], $0x2000  }
0xa5: {  	s17 =	sadd.s32 s16, s23;
	[sflag:s0] =	ssyncset.done $0x0  }
0xa6: {  	s16 =	sadd.s32 s16, s22;
	s18 =	sadd.s32 $0x1880, s17;
	[sflag:s0] =	ssyncadd.s32 $0xFFFFE000  }
0xa7: {  	[tilespmem:s3], [sflag:$0x3] =	stream.linear.gather [hbm4b:s18+s3], $0x100, $0x38;
	[tilespmem:$0x1ED00] =	vst v63  }
0xa8: {  	s18 =	sadd.s32 $0x1880, s16  }
0xa9: {  	[tilespmem:s2], [sflag:$0x3] =	stream.linear.gather [hbm4b:s18+s3], $0x100, $0x38;
	[tilespmem:$0x1ED00] =	vst v63  }
0xaa: {  	_ =	swait.ge [sflag:s13], $0x2000  }
0xab: {  	[sflag:s13] =	ssyncset.done $0x0  }
0xac: {  	[sflag:s13] =	ssyncadd.s32 $0xFFFFE000  }
0xad: {  	_ =	swait.ge [sflag:s6], $0x100  }
0xae: {  	[sflag:s6] =	ssyncset.done $0x0  }
0xaf: {  	[sflag:s6] =	ssyncadd.s32 $0xFFFFFF00  }
0xb0: {  	_ =	swait.ge [sflag:s6], $0x100  }
0xb1: {  	[sflag:s6] =	ssyncset.done $0x0  }
0xb2: {  	[sflag:s6] =	ssyncadd.s32 $0xFFFFFF00  }
0xb3: {  	[tilespmem:s7], [sflag:$0x1] =	stream.indirect.gather [hbm4b:s8+s4], $0x20, s3, s4, $0xb8;
	[tilespmem:$0x1ED00] =	vst v63  }
0xb4: {  	_ = 	snop  }
0xb5: {  	[spmem:s1] =	stream.indirect.scatter.add.f32 [tilespmem:s12], [sflag:$0x5], $0x20, s5, s4, $0xb8;
	[tilespmem:$0x1ED00] =	vst v63  }
.Ltmp1:
0xb6: {  	_ =	swait.ge [sflag:s0], $0x2000;
	(pc) =	sbr.rel @p0 .LBB2_4-.Ltmp1, $4  }
0xb7: {  	[sflag:s0] =	ssyncset.done $0x0  }
0xb8: {  	s17 =	sadd.s32 $0x18A0, s17;
	[sflag:s0] =	ssyncadd.s32 $0xFFFFE000  }
0xb9: {  	[tilespmem:s4], [sflag:$0x4] =	stream.linear.gather [hbm4b:s17+s3], $0x100, $0x38;
	[tilespmem:$0x1ED00] =	vst v63  }
0xba: {  	s16 =	sadd.s32 $0x18A0, s16  }
0xbb: {  	[tilespmem:s5], [sflag:$0x4] =	stream.linear.gather [hbm4b:s16+s3], $0x100, $0x38;
	[tilespmem:$0x1ED00] =	vst v63  }
0xbc: {  	_ =	swait.ge [sflag:s9], $0x2000  }
0xbd: {  	[sflag:s9] =	ssyncset.done $0x0  }
0xbe: {  	[sflag:s9] =	ssyncadd.s32 $0xFFFFE000  }
0xbf: {  	_ =	swait.ge [sflag:s11], $0x100  }
0xc0: {  	[sflag:s11] =	ssyncset.done $0x0  }
0xc1: {  	[sflag:s11] =	ssyncadd.s32 $0xFFFFFF00  }
0xc2: {  	_ =	swait.ge [sflag:s11], $0x100  }
0xc3: {  	[sflag:s11] =	ssyncset.done $0x0  }
0xc4: {  	[sflag:s11] =	ssyncadd.s32 $0xFFFFFF00  }
0xc5: {  	[tilespmem:s12], [sflag:$0x2] =	stream.indirect.gather [hbm4b:s8+s4], $0x20, s4, s4, $0xb8;
	[tilespmem:$0x1ED00] =	vst v63  }
0xc6: {  	_ = 	snop  }
0xc7: {  	[spmem:s1] =	stream.indirect.scatter.add.f32 [tilespmem:s7], [sflag:$0x5], $0x20, s2, s4, $0xb8;
	[tilespmem:$0x1ED00] =	vst v63  }
0xc8: {  	_ =	swait.ge [sflag:s0], $0x2000  }
0xc9: {  	[sflag:s0] =	ssyncset.done $0x0  }
0xca: {  	[sflag:s0] =	ssyncadd.s32 $0xFFFFE000  }
0xcb: {  	_ =	swait.ge [sflag:s13], $0x2000  }
0xcc: {  	[sflag:s13] =	ssyncset.done $0x0  }
0xcd: {  	[sflag:s13] =	ssyncadd.s32 $0xFFFFE000  }
0xce: {  	[spmem:s1] =	stream.indirect.scatter.add.f32 [tilespmem:s12], [sflag:$0x5], $0x20, s5, s4, $0xb8;
	[tilespmem:$0x1ED00] =	vst v63  }
0xcf: {  	_ =	swait.ge [sflag:s0], $0x2000  }
0xd0: {  	[sflag:s0] =	ssyncset.done $0x0  }
0xd1: {  	s15 =	stileid.u32;
	[sflag:s0] =	ssyncadd.s32 $0xFFFFE000  }
0xd2: {  	s15 =	sshll.u32 s15, $0x6;
	[bflag:$0x0] =	sbarrier.arrive $0xFFFF  }
0xd3: {  	s15 =	sor.u32 $0x1C05, s15;
	s17 =	rddreg [dreg:$0x7]  }
0xd4: {  	[hbm:s17], [sflag:s15] =	dma.local [spmem:s25], $0x3200  }
0xd5: {  	_ =	swait.ge [sflag:s0], $0x3200  }
0xd6: {  	s14 =	sadd.s32 $0x1, s14;
	s18 =	rddreg [dreg:$0x8]  }
0xd7: {  	p0 =	sne.s32 s14, s18  }
.Ltmp2:
0xd8: {  	_ = 	snop;
	(pc) =	sbr.rel @p0 .LBB2_1-.Ltmp2, $3  }
0xd9: {  	_ =	sdelay $0x1  }
0xda: {  	[sflag:s0] =	ssyncset.done $0x0  }
0xdb: {  	[sflag:s0] =	ssyncadd.s32 $0xFFFFCE00  }
0xdc: {  	_ =	sfence.sel $0x180000  }
0xdd: {  	[bflag:$0x0] =	sbarrier.arrive $0xFFFF  }
0xde: {  	_ =	strace $0x9000004D  }
0xdf: {  	s0 =	stileid.u32;
	[bflag:$0x2] =	sbarrier.arrive $0xFFFF  }
0xe0: {  	p0 =	sne.s32 s0, $0x0;
	s0 =	rddreg [dreg:$0x2]  }
0xe1: {  	s0 =	sadd.s32 @!p0 $0x100000, s0  }
0xe2: {  	[sflag:s0] =	ssyncadd.tile.s32 @!p0 $0x1;
	_ =	shalt  }
.Lfunc_end2:
_tile_overlayer_lowered:
.L_overlay_start_2:
0xe3: {  	(tag) =	ssettag $0x2  }
0xe4: {  	s0 =	rddreg [dreg:$0x0];
	s2 =	stileid.u32  }
0xe5: {  	s1 =	rddreg [dreg:$0x1];
	p0 =	sne.s32 s2, $0x0  }
0xe6: {  	s3 =	rddreg [dreg:$0x2];
	[bflag:$0x3] =	sbarrier.arrive $0xFFFF;
	s2 =	simm.s32 @!p0 $0x1C05  }
0xe7: {  	[timem:s3], [sflag:s2] =	dma.local @!p0 [hbm:s0], s1  }
0xe8: {  	s0 =	simm.s32 @!p0 $0x5  }
0xe9: {  	_ =	swait.ge @!p0 [sflag:s0], s1  }
0xea: {  	s1 =	ssub.s32 @!p0 $0x0, s1;
	[sflag:s0] =	ssyncset.done @!p0 $0x0  }
0xeb: {  	[sflag:s0] =	ssyncadd.s32 @!p0 s1  }
0xec: {  	[bflag:$0x3] =	sbarrier.arrive $0xFFFF  }
0xed: {  	_ =	shalt  }

</sc_bundles>
